<compile_context>
chip_gen: v7x
topology: tpu7x:2x2x1
jax: 0.10.2.dev20260603
libtpu: 0.0.44.dev20260713+nightly
codegen_flags: <defaults>
</compile_context>

<pallas_src>
import functools

import jax
import jax.numpy as jnp
from jax import lax
from jax.experimental import pallas as pl
from jax.experimental.pallas import tpu as pltpu
from jax.experimental.pallas import tpu_sc as plsc

_IGNORE = 255
_NCLS = 19
_M = 8
_D = 10
_K = 26
_NSEG = _M * _M * _K
_SEGP = 1792
_TBL_ONE = _NCLS * _SEGP
_TBL = 3 * _TBL_ONE
_B, _W, _H = 4, 512, 512
_N = _B * _W * _H
_NW = 32
_CHUNK = _N // _NW
_SUB = 4096
_NSUB = _CHUNK // _SUB
_MG = 14592
_MROUNDS = _TBL // _MG
_SLICE = _MG // 16


def _f64_to_f32(x):
    return x.astype(jnp.float32)


def _pack_body(pred_ref, hm_ref, depth_ref, packed_ref):
    j = pl.program_id(1)
    rows = lax.broadcasted_iota(jnp.int32, (256, 512), 0) + j * 256
    cols = lax.broadcasted_iota(jnp.int32, (256, 512), 1)
    rb = rows >> 6
    cb = cols >> 6
    row_in = (rows & 63) < 63
    col_in = (cols & 63) < 63
    blk = rb * _M + cb

    d = depth_ref[0]
    hm = hm_ref[0]
    pr = pred_ref[0]

    kb = jnp.clip(jnp.floor(d / float(_D)).astype(jnp.int32), 0, _K - 1)
    kbf = kb.astype(jnp.float32)
    bin_valid = (d > kbf * _D) & (d < kbf * _D + (_D - 1))
    valid = hm != _IGNORE
    overall = row_in & col_in & valid & bin_valid
    seg = jnp.where(overall, blk * _K + kb, _NSEG)

    hmc = jnp.clip(hm, 0, _NCLS - 1)
    prc = jnp.clip(pr, 0, _NCLS - 1)
    il = hmc * _SEGP + seg
    ip = prc * _SEGP + seg
    packed_ref[0] = il | (ip << 16)


_pack = pl.pallas_call(
    _pack_body,
    grid=(_B, 2),
    in_specs=[
        pl.BlockSpec((1, 256, 512), lambda i, j: (i, j, 0)),
        pl.BlockSpec((1, 256, 512), lambda i, j: (i, j, 0)),
        pl.BlockSpec((1, 256, 512), lambda i, j: (i, j, 0)),
    ],
    out_specs=pl.BlockSpec((1, 256, 512), lambda i, j: (i, j, 0)),
    out_shape=jax.ShapeDtypeStruct((_B, _W, _H), jnp.int32),
)


def _sums_body(depth_ref, pd_ref, loss_ref, hm_ref, sums_ref):
    i = pl.program_id(0)
    j = pl.program_id(1)
    d = depth_ref[0]
    pd = pd_ref[0]
    l1 = loss_ref[0]
    hm = hm_ref[0]

    diff = jnp.log(pd * 255.0 + 1.0) - jnp.log(d + 1.0)
    s0 = jnp.sum(diff * diff)
    s1 = jnp.sum(diff)
    s2 = jnp.sum(l1 * jnp.abs(diff))
    s3 = jnp.sum((hm != _IGNORE).astype(jnp.float32))

    @pl.when((i == 0) & (j == 0))
    def _():
        sums_ref[0] = 0.0
        sums_ref[1] = 0.0
        sums_ref[2] = 0.0
        sums_ref[3] = 0.0

    sums_ref[0] += s0
    sums_ref[1] += s1
    sums_ref[2] += s2
    sums_ref[3] += s3


_sums = pl.pallas_call(
    _sums_body,
    grid=(_B, 2),
    in_specs=[
        pl.BlockSpec((1, 256, 512), lambda i, j: (i, j, 0)),
        pl.BlockSpec((1, 256, 512), lambda i, j: (i, j, 0)),
        pl.BlockSpec((1, 256, 512), lambda i, j: (i, j, 0)),
        pl.BlockSpec((1, 256, 512), lambda i, j: (i, j, 0)),
    ],
    out_specs=pl.BlockSpec(memory_space=pltpu.SMEM, block_shape=(4,), index_map=lambda i, j: (0,)),
    out_shape=jax.ShapeDtypeStruct((4,), jnp.float32),
)


def _sc_body(packed_hbm, loss_hbm, out_hbm, tbl, pk0, pk1, ls0, ls1, sem0, sem1):
    core = lax.axis_index("c")
    sid = lax.axis_index("s")
    wid = core * 16 + sid
    base = wid * _CHUNK

    zf = jnp.zeros((16,), jnp.float32)
    onef = jnp.ones((16,), jnp.float32)
    mask16 = jnp.full((16,), 0xFFFF, jnp.int32)
    shift16 = jnp.full((16,), 16, jnp.int32)
    off_p = jnp.full((16,), _TBL_ONE, jnp.int32)
    off_l = jnp.full((16,), 2 * _TBL_ONE, jnp.int32)

    def zbody(i, c):
        tbl[pl.ds(i * 64, 16)] = zf
        tbl[pl.ds(i * 64 + 16, 16)] = zf
        tbl[pl.ds(i * 64 + 32, 16)] = zf
        tbl[pl.ds(i * 64 + 48, 16)] = zf
        return c

    lax.fori_loop(0, _TBL // 64, zbody, 0, unroll=4)

    bufs = ((pk0, ls0, sem0), (pk1, ls1, sem1))

    def start(k, b):
        pk, ls, sem = bufs[b]
        h0 = pltpu.async_copy(packed_hbm.at[pl.ds(base + k * _SUB, _SUB)], pk, sem)
        h1 = pltpu.async_copy(loss_hbm.at[pl.ds(base + k * _SUB, _SUB)], ls, sem)
        return (h0, h1)

    def process(b):
        pk, ls, _ = bufs[b]

        def pbody(i, c):
            v = pk[pl.ds(i * 16, 16)]
            il = v & mask16
            ip = lax.shift_right_logical(v, shift16)
            lv = ls[pl.ds(i * 16, 16)]
            plsc.addupdate_scatter(tbl, [il], onef)
            plsc.addupdate_scatter(tbl, [ip + off_p], onef)
            plsc.addupdate_scatter(tbl, [il + off_l], lv)
            return c

        lax.fori_loop(0, _SUB // 16, pbody, 0, unroll=8)

    pending = start(0, 0)
    for k in range(_NSUB):
        b = k & 1
        cur = pending
        if k + 1 < _NSUB:
            pending = start(k + 1, 1 - b)
        cur[0].wait()
        cur[1].wait()
        process(b)

    pltpu.sync_copy(tbl, out_hbm.at[pl.ds(wid * _TBL, _TBL)])


_sc_scatter = functools.partial(
    pl.kernel,
    out_type=jax.ShapeDtypeStruct((_NW * _TBL,), jnp.float32),
    mesh=plsc.VectorSubcoreMesh(
        core_axis_name="c", subcore_axis_name="s", num_cores=2, num_subcores=16
    ),
    scratch_types=[
        pltpu.VMEM((_TBL,), jnp.float32),
        pltpu.VMEM((_SUB,), jnp.int32),
        pltpu.VMEM((_SUB,), jnp.int32),
        pltpu.VMEM((_SUB,), jnp.float32),
        pltpu.VMEM((_SUB,), jnp.float32),
        pltpu.SemaphoreType.DMA,
        pltpu.SemaphoreType.DMA,
    ],
    compiler_params=pltpu.CompilerParams(needs_layout_passes=False),
)(_sc_body)


def _finish_body(sums_ref, tab_ref, out_ref):
    t = tab_ref[pl.ds(0, _TBL)]
    for w in range(1, _NW):
        t = t + tab_ref[pl.ds(w * _TBL, _TBL)]

    counts = t[0:_SEGP]
    lsum = t[2 * _TBL_ONE : 2 * _TBL_ONE + _SEGP]
    sym = ((t[0:_SEGP] > 0.0) != (t[_TBL_ONE : _TBL_ONE + _SEGP] > 0.0)).astype(
        jnp.float32
    )
    for c in range(1, _NCLS):
        o = c * _SEGP
        counts = counts + t[o : o + _SEGP]
        lsum = lsum + t[2 * _TBL_ONE + o : 2 * _TBL_ONE + o + _SEGP]
        sym = sym + (
            (t[o : o + _SEGP] > 0.0)
            != (t[_TBL_ONE + o : _TBL_ONE + o + _SEGP] > 0.0)
        ).astype(jnp.float32)

    colid = lax.broadcasted_iota(jnp.int32, (_SEGP,), 0)
    segvalid = colid < _NSEG
    active = (counts > 0.0) & segvalid
    mean = lsum / jnp.maximum(counts, 1.0)
    times = jnp.sum(active.astype(jnp.float32))
    loss3 = jnp.sum(jnp.where(active, sym * mean, 0.0)) / (times + 0.001)

    nf = float(_N)
    data_loss = sums_ref[0] / nf - 0.5 * (sums_ref[1] * sums_ref[1]) / (nf * nf)
    lr = sums_ref[2] / sums_ref[3]
    out_ref[0] = data_loss
    out_ref[1] = lr
    out_ref[2] = loss3


_finish = pl.pallas_call(
    _finish_body,
    in_specs=[
        pl.BlockSpec(memory_space=pltpu.SMEM),
        pl.BlockSpec((_NW * _TBL,), lambda: (0,)),
    ],
    out_specs=pl.BlockSpec(memory_space=pltpu.SMEM),
    out_shape=jax.ShapeDtypeStruct((3,), jnp.float32),
)


def _run(pred, heatmaps, depth, loss_1, pred_depth):
    pred32 = pred.astype(jnp.int32)
    hm32 = heatmaps.astype(jnp.int32)
    d32 = _f64_to_f32(depth)
    l32 = _f64_to_f32(loss_1)
    d1d = lax.optimization_barrier((d32.reshape(_N),))[0]
    d3 = d1d.reshape(_B, _W, _H)
    packed = _pack(pred32, hm32, d3)
    tabs = _sc_scatter(packed.reshape(_N), l32.reshape(_N))
    pred_depth_d = lax.optimization_barrier((pred_depth, packed))[0]
    pd32 = _f64_to_f32(pred_depth_d)
    sums = _sums(d32, pd32, l32, hm32)
    return _finish(sums, tabs)


def kernel(pred, heatmaps, depth, loss_1, pred_depth, epoch):
    odt = jnp.result_type(depth.dtype, jnp.float32)
    with jax.enable_x64(False):
        out = _run(pred, heatmaps, depth, loss_1, pred_depth)
    out = out.astype(odt)
    return out[0], out[1], out[2]

# --- scband reference (transcript-rebuilt; emitter-appended) ---
"""Pipeline reference for scband-l-zl-r-87540023427866 (READ-ONLY COPY).

The authoritative reference and input builder live on the scoring server;
editing this copy changes nothing except your own understanding.
"""

import jax, jax.numpy as jnp
import numpy as np

IGNORE_LABEL = 255
NUM_CLASS = 19
M = 8
D = 10

def setup_inputs(seed: int = 0):
    key = jax.random.key(seed)
    ks = jax.random.split(key, 5)
    b, w, h = 4, 512, 512
    pred = jax.random.randint(ks[0], (b, w, h), 0, NUM_CLASS)
    heatmaps = jax.random.randint(ks[1], (b, w, h), 0, NUM_CLASS)
    depth = jax.random.uniform(ks[2], (b, w, h), minval=0.0, maxval=255.0)
    loss_1 = jax.random.uniform(ks[3], (b, w, h))
    pred_depth = jax.random.uniform(ks[4], (b, w, h))
    return {"pred": pred, "heatmaps": heatmaps, "depth": depth, "loss_1": loss_1, "pred_depth": pred_depth, "epoch": 1}

def _core(pred, heatmaps, depth, loss_1, pred_depth):
    b, w, h = depth.shape
    log_pred_d = jnp.log(pred_depth * 255.0 + 1.0)
    log_gt = jnp.log(depth + 1.0)
    N = b * w * h
    diff = log_pred_d - log_gt
    s1 = jnp.sum(diff ** 2) / N
    s2 = jnp.sum(diff) ** 2 / (N * N)
    data_loss = s1 - 0.5 * s2
    valid = heatmaps != IGNORE_LABEL
    LR = (loss_1 * jnp.abs(diff)).sum() / valid.astype(jnp.float32).sum()
    # Vectorized form of the m*m spatial-block x depth-bin double loop.
    # Each pixel maps to exactly one (block, depth-bin) segment (or a dump
    # bucket if it falls on excluded block borders / bin boundaries / ignore).
    K = 255 // D + 1  # 26 depth bins, k in [0, 25]
    wb = w // M
    hb = h // M
    rows = jnp.arange(w)
    cols = jnp.arange(h)
    row_block = jnp.minimum(rows // wb, M - 1)
    col_block = jnp.minimum(cols // hb, M - 1)
    # slice [i*wb : i*wb + wb - 1] excludes the last row/col of each block
    row_in = (rows - row_block * wb) < (wb - 1)
    col_in = (cols - col_block * hb) < (hb - 1)
    blk = row_block[:, None] * M + col_block[None, :]
    in_block = row_in[:, None] & col_in[None, :]
    kbin = jnp.clip(jnp.floor(depth / D).astype(jnp.int32), 0, K - 1)
    # original: (mask_depth > k*d) & (mask_depth < (k+1)*d - 1)
    bin_valid = (depth > kbin * D) & (depth < (kbin + 1) * D - 1)
    overall = in_block[None, :, :] & valid & bin_valid
    num_segs = M * M * K
    seg = jnp.where(overall, blk[None, :, :] * K + kbin, num_segs)
    seg_flat = seg.reshape(-1)
    counts = jax.ops.segment_sum(overall.reshape(-1).astype(jnp.float32), seg_flat, num_segments=num_segs + 1)[:num_segs]
    loss_sum = jax.ops.segment_sum(loss_1.reshape(-1), seg_flat, num_segments=num_segs + 1)[:num_segs]
    mean_loss = loss_sum / jnp.maximum(counts, 1.0)  # patch_loss.mean()
    hm = jnp.clip(heatmaps, 0, NUM_CLASS - 1).reshape(-1)
    pr = jnp.clip(pred, 0, NUM_CLASS - 1).reshape(-1)
    # y[patch_label] = 1 -> class-presence indicator per segment (scatter-set)
    oh_l = jnp.zeros((num_segs + 1) * NUM_CLASS, jnp.float32).at[seg_flat * NUM_CLASS + hm].set(1.0).reshape(num_segs + 1, NUM_CLASS)[:num_segs]
    oh_p = jnp.zeros((num_segs + 1) * NUM_CLASS, jnp.float32).at[seg_flat * NUM_CLASS + pr].set(1.0).reshape(num_segs + 1, NUM_CLASS)[:num_segs]
    sym = jnp.abs(oh_l - oh_p).sum(axis=1)
    active = counts > 0
    times = active.astype(jnp.float32).sum()
    loss = jnp.where(active, sym * mean_loss, 0.0).sum()
    return data_loss, LR, loss / (times + 0.001)

def reference(pred, heatmaps, depth, loss_1, pred_depth, epoch):
    return _core(pred, heatmaps, depth, loss_1, pred_depth)

if __name__ == "__main__":
    import jax
    _d = setup_inputs()
    print(jax.jit(kernel)(*tuple(_d.values())))

</pallas_src>

<mosaic_0001>
#map = affine_map<(d0, d1) -> (0)>
module attributes {stable_mosaic.version = 14 : i64} {
  func.func @_sc_body(%arg0: i32, %arg1: i32, %arg2: memref<1048576xi32, #tpu.memory_space<hbm>>, %arg3: memref<1048576xf32, #tpu.memory_space<hbm>>, %arg4: memref<3268608xf32, #tpu.memory_space<hbm>>, %arg5: memref<102144xf32, #tpu.memory_space<vmem>>, %arg6: memref<4096xi32, #tpu.memory_space<vmem>>, %arg7: memref<4096xi32, #tpu.memory_space<vmem>>, %arg8: memref<4096xf32, #tpu.memory_space<vmem>>, %arg9: memref<4096xf32, #tpu.memory_space<vmem>>, %arg10: memref<!tpu.dma_semaphore, #tpu.memory_space<semaphore_mem>>, %arg11: memref<!tpu.dma_semaphore, #tpu.memory_space<semaphore_mem>>) attributes {dimension_semantics = [#tpu.dimension_semantics<core_parallel>, #tpu.dimension_semantics<subcore_parallel>], iteration_bounds = array<i64: 2, 16>, scalar_prefetch = 0 : i64, scratch_operands = 7 : i64, tpu.core_type = #tpu.core_type<sc_vector_subcore>, window_params = [{transform_indices = #map}, {transform_indices = #map}, {transform_indices = #map}]} {
    %mul3A = arith.constant 16 : i32
    %mul3A_0 = arith.muli %arg0, %mul3A : i32
    %add3A = arith.addi %mul3A_0, %arg1 : i32
    %mul3A_1 = arith.constant 32768 : i32
    %mul3A_2 = arith.muli %add3A, %mul3A_1 : i32
    %broadcast_in_dim3A = arith.constant 0.000000e+00 : f32
    %broadcast_in_dim3A_3 = vector.broadcast %broadcast_in_dim3A : f32 to vector<16xf32>
    %broadcast_in_dim3A_4 = arith.constant 1.000000e+00 : f32
    %broadcast_in_dim3A_5 = vector.broadcast %broadcast_in_dim3A_4 : f32 to vector<16xf32>
    %broadcast_in_dim3A_6 = arith.constant 65535 : i32
    %broadcast_in_dim3A_7 = vector.broadcast %broadcast_in_dim3A_6 : i32 to vector<16xi32>
    %broadcast_in_dim3A_8 = arith.constant 16 : i32
    %broadcast_in_dim3A_9 = vector.broadcast %broadcast_in_dim3A_8 : i32 to vector<16xi32>
    %broadcast_in_dim3A_10 = arith.constant 34048 : i32
    %broadcast_in_dim3A_11 = vector.broadcast %broadcast_in_dim3A_10 : i32 to vector<16xi32>
    %broadcast_in_dim3A_12 = arith.constant 68096 : i32
    %broadcast_in_dim3A_13 = vector.broadcast %broadcast_in_dim3A_12 : i32 to vector<16xi32>
    %scan3A = arith.constant 0 : i32
    %scan3A_14 = arith.constant 0 : i32
    %scan3A_15 = arith.constant 1596 : i32
    %scan3A_16 = arith.addi %scan3A_14, %scan3A_15 : i32
    %scan3A_17 = arith.constant 4 : i32
    scf.for %scan3A_163 = %scan3A_14 to %scan3A_16 step %scan3A_17  : i32 {
      %mul3A_164 = arith.constant 64 : i32
      %mul3A_165 = arith.muli %scan3A_163, %mul3A_164 : i32
      %swap3A = arith.index_cast %mul3A_165 : i32 to index
      %swap3A_166 = tpu.vector_load %arg5[%swap3A] {strides = array<i32>} : memref<102144xf32, #tpu.memory_space<vmem>>, vector<16xf32>,
      tpu.vector_store %arg5[%swap3A], %broadcast_in_dim3A_3 {strides = array<i32>} : memref<102144xf32, #tpu.memory_space<vmem>>, vector<16xf32>,
      %mul3A_167 = arith.constant 64 : i32
      %mul3A_168 = arith.muli %scan3A_163, %mul3A_167 : i32
      %add3A_169 = arith.constant 16 : i32
      %add3A_170 = arith.addi %mul3A_168, %add3A_169 : i32
      %swap3A_171 = arith.index_cast %add3A_170 : i32 to index
      %swap3A_172 = tpu.vector_load %arg5[%swap3A_171] {strides = array<i32>} : memref<102144xf32, #tpu.memory_space<vmem>>, vector<16xf32>,
      tpu.vector_store %arg5[%swap3A_171], %broadcast_in_dim3A_3 {strides = array<i32>} : memref<102144xf32, #tpu.memory_space<vmem>>, vector<16xf32>,
      %mul3A_173 = arith.constant 64 : i32
      %mul3A_174 = arith.muli %scan3A_163, %mul3A_173 : i32
      %add3A_175 = arith.constant 32 : i32
      %add3A_176 = arith.addi %mul3A_174, %add3A_175 : i32
      %swap3A_177 = arith.index_cast %add3A_176 : i32 to index
      %swap3A_178 = tpu.vector_load %arg5[%swap3A_177] {strides = array<i32>} : memref<102144xf32, #tpu.memory_space<vmem>>, vector<16xf32>,
      tpu.vector_store %arg5[%swap3A_177], %broadcast_in_dim3A_3 {strides = array<i32>} : memref<102144xf32, #tpu.memory_space<vmem>>, vector<16xf32>,
      %mul3A_179 = arith.constant 64 : i32
      %mul3A_180 = arith.muli %scan3A_163, %mul3A_179 : i32
      %add3A_181 = arith.constant 48 : i32
      %add3A_182 = arith.addi %mul3A_180, %add3A_181 : i32
      %swap3A_183 = arith.index_cast %add3A_182 : i32 to index
      %swap3A_184 = tpu.vector_load %arg5[%swap3A_183] {strides = array<i32>} : memref<102144xf32, #tpu.memory_space<vmem>>, vector<16xf32>,
      tpu.vector_store %arg5[%swap3A_183], %broadcast_in_dim3A_3 {strides = array<i32>} : memref<102144xf32, #tpu.memory_space<vmem>>, vector<16xf32>,
      %scan3A_185 = arith.constant 1 : i32
      %scan3A_186 = arith.addi %scan3A_163, %scan3A_185 : i32
      %mul3A_187 = arith.constant 64 : i32
      %mul3A_188 = arith.muli %scan3A_186, %mul3A_187 : i32
      %swap3A_189 = arith.index_cast %mul3A_188 : i32 to index
      %swap3A_190 = tpu.vector_load %arg5[%swap3A_189] {strides = array<i32>} : memref<102144xf32, #tpu.memory_space<vmem>>, vector<16xf32>,
      tpu.vector_store %arg5[%swap3A_189], %broadcast_in_dim3A_3 {strides = array<i32>} : memref<102144xf32, #tpu.memory_space<vmem>>, vector<16xf32>,
      %mul3A_191 = arith.constant 64 : i32
      %mul3A_192 = arith.muli %scan3A_186, %mul3A_191 : i32
      %add3A_193 = arith.constant 16 : i32
      %add3A_194 = arith.addi %mul3A_192, %add3A_193 : i32
      %swap3A_195 = arith.index_cast %add3A_194 : i32 to index
      %swap3A_196 = tpu.vector_load %arg5[%swap3A_195] {strides = array<i32>} : memref<102144xf32, #tpu.memory_space<vmem>>, vector<16xf32>,
      tpu.vector_store %arg5[%swap3A_195], %broadcast_in_dim3A_3 {strides = array<i32>} : memref<102144xf32, #tpu.memory_space<vmem>>, vector<16xf32>,
      %mul3A_197 = arith.constant 64 : i32
      %mul3A_198 = arith.muli %scan3A_186, %mul3A_197 : i32
      %add3A_199 = arith.constant 32 : i32
      %add3A_200 = arith.addi %mul3A_198, %add3A_199 : i32
      %swap3A_201 = arith.index_cast %add3A_200 : i32 to index
      %swap3A_202 = tpu.vector_load %arg5[%swap3A_201] {strides = array<i32>} : memref<102144xf32, #tpu.memory_space<vmem>>, vector<16xf32>,
      tpu.vector_store %arg5[%swap3A_201], %broadcast_in_dim3A_3 {strides = array<i32>} : memref<102144xf32, #tpu.memory_space<vmem>>, vector<16xf32>,
      %mul3A_203 = arith.constant 64 : i32
      %mul3A_204 = arith.muli %scan3A_186, %mul3A_203 : i32
      %add3A_205 = arith.constant 48 : i32
      %add3A_206 = arith.addi %mul3A_204, %add3A_205 : i32
      %swap3A_207 = arith.index_cast %add3A_206 : i32 to index
      %swap3A_208 = tpu.vector_load %arg5[%swap3A_207] {strides = array<i32>} : memref<102144xf32, #tpu.memory_space<vmem>>, vector<16xf32>,
      tpu.vector_store %arg5[%swap3A_207], %broadcast_in_dim3A_3 {strides = array<i32>} : memref<102144xf32, #tpu.memory_space<vmem>>, vector<16xf32>,
      %scan3A_209 = arith.constant 2 : i32
      %scan3A_210 = arith.addi %scan3A_163, %scan3A_209 : i32
      %mul3A_211 = arith.constant 64 : i32
      %mul3A_212 = arith.muli %scan3A_210, %mul3A_211 : i32
      %swap3A_213 = arith.index_cast %mul3A_212 : i32 to index
      %swap3A_214 = tpu.vector_load %arg5[%swap3A_213] {strides = array<i32>} : memref<102144xf32, #tpu.memory_space<vmem>>, vector<16xf32>,
      tpu.vector_store %arg5[%swap3A_213], %broadcast_in_dim3A_3 {strides = array<i32>} : memref<102144xf32, #tpu.memory_space<vmem>>, vector<16xf32>,
      %mul3A_215 = arith.constant 64 : i32
      %mul3A_216 = arith.muli %scan3A_210, %mul3A_215 : i32
      %add3A_217 = arith.constant 16 : i32
      %add3A_218 = arith.addi %mul3A_216, %add3A_217 : i32
      %swap3A_219 = arith.index_cast %add3A_218 : i32 to index
      %swap3A_220 = tpu.vector_load %arg5[%swap3A_219] {strides = array<i32>} : memref<102144xf32, #tpu.memory_space<vmem>>, vector<16xf32>,
      tpu.vector_store %arg5[%swap3A_219], %broadcast_in_dim3A_3 {strides = array<i32>} : memref<102144xf32, #tpu.memory_space<vmem>>, vector<16xf32>,
      %mul3A_221 = arith.constant 64 : i32
      %mul3A_222 = arith.muli %scan3A_210, %mul3A_221 : i32
      %add3A_223 = arith.constant 32 : i32
      %add3A_224 = arith.addi %mul3A_222, %add3A_223 : i32
      %swap3A_225 = arith.index_cast %add3A_224 : i32 to index
      %swap3A_226 = tpu.vector_load %arg5[%swap3A_225] {strides = array<i32>} : memref<102144xf32, #tpu.memory_space<vmem>>, vector<16xf32>,
      tpu.vector_store %arg5[%swap3A_225], %broadcast_in_dim3A_3 {strides = array<i32>} : memref<102144xf32, #tpu.memory_space<vmem>>, vector<16xf32>,
      %mul3A_227 = arith.constant 64 : i32
      %mul3A_228 = arith.muli %scan3A_210, %mul3A_227 : i32
      %add3A_229 = arith.constant 48 : i32
      %add3A_230 = arith.addi %mul3A_228, %add3A_229 : i32
      %swap3A_231 = arith.index_cast %add3A_230 : i32 to index
      %swap3A_232 = tpu.vector_load %arg5[%swap3A_231] {strides = array<i32>} : memref<102144xf32, #tpu.memory_space<vmem>>, vector<16xf32>,
      tpu.vector_store %arg5[%swap3A_231], %broadcast_in_dim3A_3 {strides = array<i32>} : memref<102144xf32, #tpu.memory_space<vmem>>, vector<16xf32>,
      %scan3A_233 = arith.constant 3 : i32
      %scan3A_234 = arith.addi %scan3A_163, %scan3A_233 : i32
      %mul3A_235 = arith.constant 64 : i32
      %mul3A_236 = arith.muli %scan3A_234, %mul3A_235 : i32
      %swap3A_237 = arith.index_cast %mul3A_236 : i32 to index
      %swap3A_238 = tpu.vector_load %arg5[%swap3A_237] {strides = array<i32>} : memref<102144xf32, #tpu.memory_space<vmem>>, vector<16xf32>,
      tpu.vector_store %arg5[%swap3A_237], %broadcast_in_dim3A_3 {strides = array<i32>} : memref<102144xf32, #tpu.memory_space<vmem>>, vector<16xf32>,
      %mul3A_239 = arith.constant 64 : i32
      %mul3A_240 = arith.muli %scan3A_234, %mul3A_239 : i32
      %add3A_241 = arith.constant 16 : i32
      %add3A_242 = arith.addi %mul3A_240, %add3A_241 : i32
      %swap3A_243 = arith.index_cast %add3A_242 : i32 to index
      %swap3A_244 = tpu.vector_load %arg5[%swap3A_243] {strides = array<i32>} : memref<102144xf32, #tpu.memory_space<vmem>>, vector<16xf32>,
      tpu.vector_store %arg5[%swap3A_243], %broadcast_in_dim3A_3 {strides = array<i32>} : memref<102144xf32, #tpu.memory_space<vmem>>, vector<16xf32>,
      %mul3A_245 = arith.constant 64 : i32
      %mul3A_246 = arith.muli %scan3A_234, %mul3A_245 : i32
      %add3A_247 = arith.constant 32 : i32
      %add3A_248 = arith.addi %mul3A_246, %add3A_247 : i32
      %swap3A_249 = arith.index_cast %add3A_248 : i32 to index
      %swap3A_250 = tpu.vector_load %arg5[%swap3A_249] {strides = array<i32>} : memref<102144xf32, #tpu.memory_space<vmem>>, vector<16xf32>,
      tpu.vector_store %arg5[%swap3A_249], %broadcast_in_dim3A_3 {strides = array<i32>} : memref<102144xf32, #tpu.memory_space<vmem>>, vector<16xf32>,
      %mul3A_251 = arith.constant 64 : i32
      %mul3A_252 = arith.muli %scan3A_234, %mul3A_251 : i32
      %add3A_253 = arith.constant 48 : i32
      %add3A_254 = arith.addi %mul3A_252, %add3A_253 : i32
      %swap3A_255 = arith.index_cast %add3A_254 : i32 to index
      %swap3A_256 = tpu.vector_load %arg5[%swap3A_255] {strides = array<i32>} : memref<102144xf32, #tpu.memory_space<vmem>>, vector<16xf32>,
      tpu.vector_store %arg5[%swap3A_255], %broadcast_in_dim3A_3 {strides = array<i32>} : memref<102144xf32, #tpu.memory_space<vmem>>, vector<16xf32>,
    }
    %scan3A_18 = arith.constant 1596 : i32
    %add3A_19 = arith.constant 0 : i32
    %add3A_20 = arith.addi %mul3A_2, %add3A_19 : i32
    %dma_start3A = tpu.memref_slice %arg2[%add3A_20] : memref<1048576xi32, #tpu.memory_space<hbm>> -> memref<4096xi32, #tpu.memory_space<hbm>>
    %dma_start3A_21 = tpu.memref_slice %arg2[%add3A_20] : memref<1048576xi32, #tpu.memory_space<hbm>> -> memref<4096xi32, #tpu.memory_space<hbm>>
    tpu.enqueue_dma source(%dma_start3A_21 : memref<4096xi32, #tpu.memory_space<hbm>>) target(%arg6 : memref<4096xi32, #tpu.memory_space<vmem>>) target_semaphore(%arg10 : memref<!tpu.dma_semaphore, #tpu.memory_space<semaphore_mem>>)
    %add3A_22 = arith.constant 0 : i32
    %add3A_23 = arith.addi %mul3A_2, %add3A_22 : i32
    %dma_start3A_24 = tpu.memref_slice %arg3[%add3A_23] : memref<1048576xf32, #tpu.memory_space<hbm>> -> memref<4096xf32, #tpu.memory_space<hbm>>
    %dma_start3A_25 = tpu.memref_slice %arg3[%add3A_23] : memref<1048576xf32, #tpu.memory_space<hbm>> -> memref<4096xf32, #tpu.memory_space<hbm>>
    tpu.enqueue_dma source(%dma_start3A_25 : memref<4096xf32, #tpu.memory_space<hbm>>) target(%arg8 : memref<4096xf32, #tpu.memory_space<vmem>>) target_semaphore(%arg10 : memref<!tpu.dma_semaphore, #tpu.memory_space<semaphore_mem>>)
    %add3A_26 = arith.constant 4096 : i32
    %add3A_27 = arith.addi %mul3A_2, %add3A_26 : i32
    %dma_start3A_28 = tpu.memref_slice %arg2[%add3A_27] : memref<1048576xi32, #tpu.memory_space<hbm>> -> memref<4096xi32, #tpu.memory_space<hbm>>
    %dma_start3A_29 = tpu.memref_slice %arg2[%add3A_27] : memref<1048576xi32, #tpu.memory_space<hbm>> -> memref<4096xi32, #tpu.memory_space<hbm>>
    tpu.enqueue_dma source(%dma_start3A_29 : memref<4096xi32, #tpu.memory_space<hbm>>) target(%arg7 : memref<4096xi32, #tpu.memory_space<vmem>>) target_semaphore(%arg11 : memref<!tpu.dma_semaphore, #tpu.memory_space<semaphore_mem>>)
    %add3A_30 = arith.constant 4096 : i32
    %add3A_31 = arith.addi %mul3A_2, %add3A_30 : i32
    %dma_start3A_32 = tpu.memref_slice %arg3[%add3A_31] : memref<1048576xf32, #tpu.memory_space<hbm>> -> memref<4096xf32, #tpu.memory_space<hbm>>
    %dma_start3A_33 = tpu.memref_slice %arg3[%add3A_31] : memref<1048576xf32, #tpu.memory_space<hbm>> -> memref<4096xf32, #tpu.memory_space<hbm>>
    tpu.enqueue_dma source(%dma_start3A_33 : memref<4096xf32, #tpu.memory_space<hbm>>) target(%arg9 : memref<4096xf32, #tpu.memory_space<vmem>>) target_semaphore(%arg11 : memref<!tpu.dma_semaphore, #tpu.memory_space<semaphore_mem>>)
    %dma_wait3A = tpu.memref_slice %arg2[%add3A_20] : memref<1048576xi32, #tpu.memory_space<hbm>> -> memref<4096xi32, #tpu.memory_space<hbm>>
    %dma_wait3A_34 = tpu.memref_slice %arg2[%add3A_20] : memref<1048576xi32, #tpu.memory_space<hbm>> -> memref<4096xi32, #tpu.memory_space<hbm>>
    tpu.wait_dma2 semaphore(%arg10 : memref<!tpu.dma_semaphore, #tpu.memory_space<semaphore_mem>>) src(%dma_wait3A_34 : memref<4096xi32, #tpu.memory_space<hbm>>) dst(%arg6 : memref<4096xi32, #tpu.memory_space<vmem>>)
    %dma_wait3A_35 = tpu.memref_slice %arg3[%add3A_23] : memref<1048576xf32, #tpu.memory_space<hbm>> -> memref<4096xf32, #tpu.memory_space<hbm>>
    %dma_wait3A_36 = tpu.memref_slice %arg3[%add3A_23] : memref<1048576xf32, #tpu.memory_space<hbm>> -> memref<4096xf32, #tpu.memory_space<hbm>>
    tpu.wait_dma2 semaphore(%arg10 : memref<!tpu.dma_semaphore, #tpu.memory_space<semaphore_mem>>) src(%dma_wait3A_36 : memref<4096xf32, #tpu.memory_space<hbm>>) dst(%arg8 : memref<4096xf32, #tpu.memory_space<vmem>>)
    %scan3A_37 = arith.constant 0 : i32
    %scan3A_38 = arith.constant 0 : i32
    %scan3A_39 = arith.constant 256 : i32
    %scan3A_40 = arith.addi %scan3A_38, %scan3A_39 : i32
    %scan3A_41 = arith.constant 8 : i32
    scf.for %scan3A_163 = %scan3A_38 to %scan3A_40 step %scan3A_41  : i32 {
      %mul3A_164 = arith.constant 16 : i32
      %mul3A_165 = arith.muli %scan3A_163, %mul3A_164 : i32
      %get3A = arith.index_cast %mul3A_165 : i32 to index
      %get3A_166 = tpu.vector_load %arg6[%get3A] {strides = array<i32>} : memref<4096xi32, #tpu.memory_space<vmem>>, vector<16xi32>,
      %and3A = arith.andi %get3A_166, %broadcast_in_dim3A_7 : vector<16xi32>
      %shift_right_logical3A = arith.shrui %get3A_166, %broadcast_in_dim3A_9 : vector<16xi32>
      %mul3A_167 = arith.constant 16 : i32
      %mul3A_168 = arith.muli %scan3A_163, %mul3A_167 : i32
      %get3A_169 = arith.index_cast %mul3A_168 : i32 to index
      %get3A_170 = tpu.vector_load %arg8[%get3A_169] {strides = array<i32>} : memref<4096xf32, #tpu.memory_space<vmem>>, vector<16xf32>,
      tpu.vector_store_idx %arg5[%and3A], %broadcast_in_dim3A_5 {add = true} : memref<102144xf32, #tpu.memory_space<vmem>>[vector<16xi32>], vector<16xf32>,
      %add3A_171 = arith.addi %shift_right_logical3A, %broadcast_in_dim3A_11 : vector<16xi32>
      tpu.vector_store_idx %arg5[%add3A_171], %broadcast_in_dim3A_5 {add = true} : memref<102144xf32, #tpu.memory_space<vmem>>[vector<16xi32>], vector<16xf32>,
      %add3A_172 = arith.addi %and3A, %broadcast_in_dim3A_13 : vector<16xi32>
      tpu.vector_store_idx %arg5[%add3A_172], %get3A_170 {add = true} : memref<102144xf32, #tpu.memory_space<vmem>>[vector<16xi32>], vector<16xf32>,
      %scan3A_173 = arith.constant 1 : i32
      %scan3A_174 = arith.addi %scan3A_163, %scan3A_173 : i32
      %mul3A_175 = arith.constant 16 : i32
      %mul3A_176 = arith.muli %scan3A_174, %mul3A_175 : i32
      %get3A_177 = arith.index_cast %mul3A_176 : i32 to index
      %get3A_178 = tpu.vector_load %arg6[%get3A_177] {strides = array<i32>} : memref<4096xi32, #tpu.memory_space<vmem>>, vector<16xi32>,
      %and3A_179 = arith.andi %get3A_178, %broadcast_in_dim3A_7 : vector<16xi32>
      %shift_right_logical3A_180 = arith.shrui %get3A_178, %broadcast_in_dim3A_9 : vector<16xi32>
      %mul3A_181 = arith.constant 16 : i32
      %mul3A_182 = arith.muli %scan3A_174, %mul3A_181 : i32
      %get3A_183 = arith.index_cast %mul3A_182 : i32 to index
      %get3A_184 = tpu.vector_load %arg8[%get3A_183] {strides = array<i32>} : memref<4096xf32, #tpu.memory_space<vmem>>, vector<16xf32>,
      tpu.vector_store_idx %arg5[%and3A_179], %broadcast_in_dim3A_5 {add = true} : memref<102144xf32, #tpu.memory_space<vmem>>[vector<16xi32>], vector<16xf32>,
      %add3A_185 = arith.addi %shift_right_logical3A_180, %broadcast_in_dim3A_11 : vector<16xi32>
      tpu.vector_store_idx %arg5[%add3A_185], %broadcast_in_dim3A_5 {add = true} : memref<102144xf32, #tpu.memory_space<vmem>>[vector<16xi32>], vector<16xf32>,
      %add3A_186 = arith.addi %and3A_179, %broadcast_in_dim3A_13 : vector<16xi32>
      tpu.vector_store_idx %arg5[%add3A_186], %get3A_184 {add = true} : memref<102144xf32, #tpu.memory_space<vmem>>[vector<16xi32>], vector<16xf32>,
      %scan3A_187 = arith.constant 2 : i32
      %scan3A_188 = arith.addi %scan3A_163, %scan3A_187 : i32
      %mul3A_189 = arith.constant 16 : i32
      %mul3A_190 = arith.muli %scan3A_188, %mul3A_189 : i32
      %get3A_191 = arith.index_cast %mul3A_190 : i32 to index
      %get3A_192 = tpu.vector_load %arg6[%get3A_191] {strides = array<i32>} : memref<4096xi32, #tpu.memory_space<vmem>>, vector<16xi32>,
      %and3A_193 = arith.andi %get3A_192, %broadcast_in_dim3A_7 : vector<16xi32>
      %shift_right_logical3A_194 = arith.shrui %get3A_192, %broadcast_in_dim3A_9 : vector<16xi32>
      %mul3A_195 = arith.constant 16 : i32
      %mul3A_196 = arith.muli %scan3A_188, %mul3A_195 : i32
      %get3A_197 = arith.index_cast %mul3A_196 : i32 to index
      %get3A_198 = tpu.vector_load %arg8[%get3A_197] {strides = array<i32>} : memref<4096xf32, #tpu.memory_space<vmem>>, vector<16xf32>,
      tpu.vector_store_idx %arg5[%and3A_193], %broadcast_in_dim3A_5 {add = true} : memref<102144xf32, #tpu.memory_space<vmem>>[vector<16xi32>], vector<16xf32>,
      %add3A_199 = arith.addi %shift_right_logical3A_194, %broadcast_in_dim3A_11 : vector<16xi32>
      tpu.vector_store_idx %arg5[%add3A_199], %broadcast_in_dim3A_5 {add = true} : memref<102144xf32, #tpu.memory_space<vmem>>[vector<16xi32>], vector<16xf32>,
      %add3A_200 = arith.addi %and3A_193, %broadcast_in_dim3A_13 : vector<16xi32>
      tpu.vector_store_idx %arg5[%add3A_200], %get3A_198 {add = true} : memref<102144xf32, #tpu.memory_space<vmem>>[vector<16xi32>], vector<16xf32>,
      %scan3A_201 = arith.constant 3 : i32
      %scan3A_202 = arith.addi %scan3A_163, %scan3A_201 : i32
      %mul3A_203 = arith.constant 16 : i32
      %mul3A_204 = arith.muli %scan3A_202, %mul3A_203 : i32
      %get3A_205 = arith.index_cast %mul3A_204 : i32 to index
      %get3A_206 = tpu.vector_load %arg6[%get3A_205] {strides = array<i32>} : memref<4096xi32, #tpu.memory_space<vmem>>, vector<16xi32>,
      %and3A_207 = arith.andi %get3A_206, %broadcast_in_dim3A_7 : vector<16xi32>
      %shift_right_logical3A_208 = arith.shrui %get3A_206, %broadcast_in_dim3A_9 : vector<16xi32>
      %mul3A_209 = arith.constant 16 : i32
      %mul3A_210 = arith.muli %scan3A_202, %mul3A_209 : i32
      %get3A_211 = arith.index_cast %mul3A_210 : i32 to index
      %get3A_212 = tpu.vector_load %arg8[%get3A_211] {strides = array<i32>} : memref<4096xf32, #tpu.memory_space<vmem>>, vector<16xf32>,
      tpu.vector_store_idx %arg5[%and3A_207], %broadcast_in_dim3A_5 {add = true} : memref<102144xf32, #tpu.memory_space<vmem>>[vector<16xi32>], vector<16xf32>,
      %add3A_213 = arith.addi %shift_right_logical3A_208, %broadcast_in_dim3A_11 : vector<16xi32>
      tpu.vector_store_idx %arg5[%add3A_213], %broadcast_in_dim3A_5 {add = true} : memref<102144xf32, #tpu.memory_space<vmem>>[vector<16xi32>], vector<16xf32>,
      %add3A_214 = arith.addi %and3A_207, %broadcast_in_dim3A_13 : vector<16xi32>
      tpu.vector_store_idx %arg5[%add3A_214], %get3A_212 {add = true} : memref<102144xf32, #tpu.memory_space<vmem>>[vector<16xi32>], vector<16xf32>,
      %scan3A_215 = arith.constant 4 : i32
      %scan3A_216 = arith.addi %scan3A_163, %scan3A_215 : i32
      %mul3A_217 = arith.constant 16 : i32
      %mul3A_218 = arith.muli %scan3A_216, %mul3A_217 : i32
      %get3A_219 = arith.index_cast %mul3A_218 : i32 to index
      %get3A_220 = tpu.vector_load %arg6[%get3A_219] {strides = array<i32>} : memref<4096xi32, #tpu.memory_space<vmem>>, vector<16xi32>,
      %and3A_221 = arith.andi %get3A_220, %broadcast_in_dim3A_7 : vector<16xi32>
      %shift_right_logical3A_222 = arith.shrui %get3A_220, %broadcast_in_dim3A_9 : vector<16xi32>
      %mul3A_223 = arith.constant 16 : i32
      %mul3A_224 = arith.muli %scan3A_216, %mul3A_223 : i32
      %get3A_225 = arith.index_cast %mul3A_224 : i32 to index
      %get3A_226 = tpu.vector_load %arg8[%get3A_225] {strides = array<i32>} : memref<4096xf32, #tpu.memory_space<vmem>>, vector<16xf32>,
      tpu.vector_store_idx %arg5[%and3A_221], %broadcast_in_dim3A_5 {add = true} : memref<102144xf32, #tpu.memory_space<vmem>>[vector<16xi32>], vector<16xf32>,
      %add3A_227 = arith.addi %shift_right_logical3A_222, %broadcast_in_dim3A_11 : vector<16xi32>
      tpu.vector_store_idx %arg5[%add3A_227], %broadcast_in_dim3A_5 {add = true} : memref<102144xf32, #tpu.memory_space<vmem>>[vector<16xi32>], vector<16xf32>,
      %add3A_228 = arith.addi %and3A_221, %broadcast_in_dim3A_13 : vector<16xi32>
      tpu.vector_store_idx %arg5[%add3A_228], %get3A_226 {add = true} : memref<102144xf32, #tpu.memory_space<vmem>>[vector<16xi32>], vector<16xf32>,
      %scan3A_229 = arith.constant 5 : i32
      %scan3A_230 = arith.addi %scan3A_163, %scan3A_229 : i32
      %mul3A_231 = arith.constant 16 : i32
      %mul3A_232 = arith.muli %scan3A_230, %mul3A_231 : i32
      %get3A_233 = arith.index_cast %mul3A_232 : i32 to index
      %get3A_234 = tpu.vector_load %arg6[%get3A_233] {strides = array<i32>} : memref<4096xi32, #tpu.memory_space<vmem>>, vector<16xi32>,
      %and3A_235 = arith.andi %get3A_234, %broadcast_in_dim3A_7 : vector<16xi32>
      %shift_right_logical3A_236 = arith.shrui %get3A_234, %broadcast_in_dim3A_9 : vector<16xi32>
      %mul3A_237 = arith.constant 16 : i32
      %mul3A_238 = arith.muli %scan3A_230, %mul3A_237 : i32
      %get3A_239 = arith.index_cast %mul3A_238 : i32 to index
      %get3A_240 = tpu.vector_load %arg8[%get3A_239] {strides = array<i32>} : memref<4096xf32, #tpu.memory_space<vmem>>, vector<16xf32>,
      tpu.vector_store_idx %arg5[%and3A_235], %broadcast_in_dim3A_5 {add = true} : memref<102144xf32, #tpu.memory_space<vmem>>[vector<16xi32>], vector<16xf32>,
      %add3A_241 = arith.addi %shift_right_logical3A_236, %broadcast_in_dim3A_11 : vector<16xi32>
      tpu.vector_store_idx %arg5[%add3A_241], %broadcast_in_dim3A_5 {add = true} : memref<102144xf32, #tpu.memory_space<vmem>>[vector<16xi32>], vector<16xf32>,
      %add3A_242 = arith.addi %and3A_235, %broadcast_in_dim3A_13 : vector<16xi32>
      tpu.vector_store_idx %arg5[%add3A_242], %get3A_240 {add = true} : memref<102144xf32, #tpu.memory_space<vmem>>[vector<16xi32>], vector<16xf32>,
      %scan3A_243 = arith.constant 6 : i32
      %scan3A_244 = arith.addi %scan3A_163, %scan3A_243 : i32
      %mul3A_245 = arith.constant 16 : i32
      %mul3A_246 = arith.muli %scan3A_244, %mul3A_245 : i32
      %get3A_247 = arith.index_cast %mul3A_246 : i32 to index
      %get3A_248 = tpu.vector_load %arg6[%get3A_247] {strides = array<i32>} : memref<4096xi32, #tpu.memory_space<vmem>>, vector<16xi32>,
      %and3A_249 = arith.andi %get3A_248, %broadcast_in_dim3A_7 : vector<16xi32>
      %shift_right_logical3A_250 = arith.shrui %get3A_248, %broadcast_in_dim3A_9 : vector<16xi32>
      %mul3A_251 = arith.constant 16 : i32
      %mul3A_252 = arith.muli %scan3A_244, %mul3A_251 : i32
      %get3A_253 = arith.index_cast %mul3A_252 : i32 to index
      %get3A_254 = tpu.vector_load %arg8[%get3A_253] {strides = array<i32>} : memref<4096xf32, #tpu.memory_space<vmem>>, vector<16xf32>,
      tpu.vector_store_idx %arg5[%and3A_249], %broadcast_in_dim3A_5 {add = true} : memref<102144xf32, #tpu.memory_space<vmem>>[vector<16xi32>], vector<16xf32>,
      %add3A_255 = arith.addi %shift_right_logical3A_250, %broadcast_in_dim3A_11 : vector<16xi32>
      tpu.vector_store_idx %arg5[%add3A_255], %broadcast_in_dim3A_5 {add = true} : memref<102144xf32, #tpu.memory_space<vmem>>[vector<16xi32>], vector<16xf32>,
      %add3A_256 = arith.addi %and3A_249, %broadcast_in_dim3A_13 : vector<16xi32>
      tpu.vector_store_idx %arg5[%add3A_256], %get3A_254 {add = true} : memref<102144xf32, #tpu.memory_space<vmem>>[vector<16xi32>], vector<16xf32>,
      %scan3A_257 = arith.constant 7 : i32
      %scan3A_258 = arith.addi %scan3A_163, %scan3A_257 : i32
      %mul3A_259 = arith.constant 16 : i32
      %mul3A_260 = arith.muli %scan3A_258, %mul3A_259 : i32
      %get3A_261 = arith.index_cast %mul3A_260 : i32 to index
      %get3A_262 = tpu.vector_load %arg6[%get3A_261] {strides = array<i32>} : memref<4096xi32, #tpu.memory_space<vmem>>, vector<16xi32>,
      %and3A_263 = arith.andi %get3A_262, %broadcast_in_dim3A_7 : vector<16xi32>
      %shift_right_logical3A_264 = arith.shrui %get3A_262, %broadcast_in_dim3A_9 : vector<16xi32>
      %mul3A_265 = arith.constant 16 : i32
      %mul3A_266 = arith.muli %scan3A_258, %mul3A_265 : i32
      %get3A_267 = arith.index_cast %mul3A_266 : i32 to index
      %get3A_268 = tpu.vector_load %arg8[%get3A_267] {strides = array<i32>} : memref<4096xf32, #tpu.memory_space<vmem>>, vector<16xf32>,
      tpu.vector_store_idx %arg5[%and3A_263], %broadcast_in_dim3A_5 {add = true} : memref<102144xf32, #tpu.memory_space<vmem>>[vector<16xi32>], vector<16xf32>,
      %add3A_269 = arith.addi %shift_right_logical3A_264, %broadcast_in_dim3A_11 : vector<16xi32>
      tpu.vector_store_idx %arg5[%add3A_269], %broadcast_in_dim3A_5 {add = true} : memref<102144xf32, #tpu.memory_space<vmem>>[vector<16xi32>], vector<16xf32>,
      %add3A_270 = arith.addi %and3A_263, %broadcast_in_dim3A_13 : vector<16xi32>
      tpu.vector_store_idx %arg5[%add3A_270], %get3A_268 {add = true} : memref<102144xf32, #tpu.memory_space<vmem>>[vector<16xi32>], vector<16xf32>,
    }
    %scan3A_42 = arith.constant 256 : i32
    %add3A_43 = arith.constant 8192 : i32
    %add3A_44 = arith.addi %mul3A_2, %add3A_43 : i32
    %dma_start3A_45 = tpu.memref_slice %arg2[%add3A_44] : memref<1048576xi32, #tpu.memory_space<hbm>> -> memref<4096xi32, #tpu.memory_space<hbm>>
    %dma_start3A_46 = tpu.memref_slice %arg2[%add3A_44] : memref<1048576xi32, #tpu.memory_space<hbm>> -> memref<4096xi32, #tpu.memory_space<hbm>>
    tpu.enqueue_dma source(%dma_start3A_46 : memref<4096xi32, #tpu.memory_space<hbm>>) target(%arg6 : memref<4096xi32, #tpu.memory_space<vmem>>) target_semaphore(%arg10 : memref<!tpu.dma_semaphore, #tpu.memory_space<semaphore_mem>>)
    %add3A_47 = arith.constant 8192 : i32
    %add3A_48 = arith.addi %mul3A_2, %add3A_47 : i32
    %dma_start3A_49 = tpu.memref_slice %arg3[%add3A_48] : memref<1048576xf32, #tpu.memory_space<hbm>> -> memref<4096xf32, #tpu.memory_space<hbm>>
    %dma_start3A_50 = tpu.memref_slice %arg3[%add3A_48] : memref<1048576xf32, #tpu.memory_space<hbm>> -> memref<4096xf32, #tpu.memory_space<hbm>>
    tpu.enqueue_dma source(%dma_start3A_50 : memref<4096xf32, #tpu.memory_space<hbm>>) target(%arg8 : memref<4096xf32, #tpu.memory_space<vmem>>) target_semaphore(%arg10 : memref<!tpu.dma_semaphore, #tpu.memory_space<semaphore_mem>>)
    %dma_wait3A_51 = tpu.memref_slice %arg2[%add3A_27] : memref<1048576xi32, #tpu.memory_space<hbm>> -> memref<4096xi32, #tpu.memory_space<hbm>>
    %dma_wait3A_52 = tpu.memref_slice %arg2[%add3A_27] : memref<1048576xi32, #tpu.memory_space<hbm>> -> memref<4096xi32, #tpu.memory_space<hbm>>
    tpu.wait_dma2 semaphore(%arg11 : memref<!tpu.dma_semaphore, #tpu.memory_space<semaphore_mem>>) src(%dma_wait3A_52 : memref<4096xi32, #tpu.memory_space<hbm>>) dst(%arg7 : memref<4096xi32, #tpu.memory_space<vmem>>)
    %dma_wait3A_53 = tpu.memref_slice %arg3[%add3A_31] : memref<1048576xf32, #tpu.memory_space<hbm>> -> memref<4096xf32, #tpu.memory_space<hbm>>
    %dma_wait3A_54 = tpu.memref_slice %arg3[%add3A_31] : memref<1048576xf32, #tpu.memory_space<hbm>> -> memref<4096xf32, #tpu.memory_space<hbm>>
    tpu.wait_dma2 semaphore(%arg11 : memref<!tpu.dma_semaphore, #tpu.memory_space<semaphore_mem>>) src(%dma_wait3A_54 : memref<4096xf32, #tpu.memory_space<hbm>>) dst(%arg9 : memref<4096xf32, #tpu.memory_space<vmem>>)
    %scan3A_55 = arith.constant 0 : i32
    %scan3A_56 = arith.constant 0 : i32
    %scan3A_57 = arith.constant 256 : i32
    %scan3A_58 = arith.addi %scan3A_56, %scan3A_57 : i32
    %scan3A_59 = arith.constant 8 : i32
    scf.for %scan3A_163 = %scan3A_56 to %scan3A_58 step %scan3A_59  : i32 {
      %mul3A_164 = arith.constant 16 : i32
      %mul3A_165 = arith.muli %scan3A_163, %mul3A_164 : i32
      %get3A = arith.index_cast %mul3A_165 : i32 to index
      %get3A_166 = tpu.vector_load %arg7[%get3A] {strides = array<i32>} : memref<4096xi32, #tpu.memory_space<vmem>>, vector<16xi32>,
      %and3A = arith.andi %get3A_166, %broadcast_in_dim3A_7 : vector<16xi32>
      %shift_right_logical3A = arith.shrui %get3A_166, %broadcast_in_dim3A_9 : vector<16xi32>
      %mul3A_167 = arith.constant 16 : i32
      %mul3A_168 = arith.muli %scan3A_163, %mul3A_167 : i32
      %get3A_169 = arith.index_cast %mul3A_168 : i32 to index
      %get3A_170 = tpu.vector_load %arg9[%get3A_169] {strides = array<i32>} : memref<4096xf32, #tpu.memory_space<vmem>>, vector<16xf32>,
      tpu.vector_store_idx %arg5[%and3A], %broadcast_in_dim3A_5 {add = true} : memref<102144xf32, #tpu.memory_space<vmem>>[vector<16xi32>], vector<16xf32>,
      %add3A_171 = arith.addi %shift_right_logical3A, %broadcast_in_dim3A_11 : vector<16xi32>
      tpu.vector_store_idx %arg5[%add3A_171], %broadcast_in_dim3A_5 {add = true} : memref<102144xf32, #tpu.memory_space<vmem>>[vector<16xi32>], vector<16xf32>,
      %add3A_172 = arith.addi %and3A, %broadcast_in_dim3A_13 : vector<16xi32>
      tpu.vector_store_idx %arg5[%add3A_172], %get3A_170 {add = true} : memref<102144xf32, #tpu.memory_space<vmem>>[vector<16xi32>], vector<16xf32>,
      %scan3A_173 = arith.constant 1 : i32
      %scan3A_174 = arith.addi %scan3A_163, %scan3A_173 : i32
      %mul3A_175 = arith.constant 16 : i32
      %mul3A_176 = arith.muli %scan3A_174, %mul3A_175 : i32
      %get3A_177 = arith.index_cast %mul3A_176 : i32 to index
      %get3A_178 = tpu.vector_load %arg7[%get3A_177] {strides = array<i32>} : memref<4096xi32, #tpu.memory_space<vmem>>, vector<16xi32>,
      %and3A_179 = arith.andi %get3A_178, %broadcast_in_dim3A_7 : vector<16xi32>
      %shift_right_logical3A_180 = arith.shrui %get3A_178, %broadcast_in_dim3A_9 : vector<16xi32>
      %mul3A_181 = arith.constant 16 : i32
      %mul3A_182 = arith.muli %scan3A_174, %mul3A_181 : i32
      %get3A_183 = arith.index_cast %mul3A_182 : i32 to index
      %get3A_184 = tpu.vector_load %arg9[%get3A_183] {strides = array<i32>} : memref<4096xf32, #tpu.memory_space<vmem>>, vector<16xf32>,
      tpu.vector_store_idx %arg5[%and3A_179], %broadcast_in_dim3A_5 {add = true} : memref<102144xf32, #tpu.memory_space<vmem>>[vector<16xi32>], vector<16xf32>,
      %add3A_185 = arith.addi %shift_right_logical3A_180, %broadcast_in_dim3A_11 : vector<16xi32>
      tpu.vector_store_idx %arg5[%add3A_185], %broadcast_in_dim3A_5 {add = true} : memref<102144xf32, #tpu.memory_space<vmem>>[vector<16xi32>], vector<16xf32>,
      %add3A_186 = arith.addi %and3A_179, %broadcast_in_dim3A_13 : vector<16xi32>
      tpu.vector_store_idx %arg5[%add3A_186], %get3A_184 {add = true} : memref<102144xf32, #tpu.memory_space<vmem>>[vector<16xi32>], vector<16xf32>,
      %scan3A_187 = arith.constant 2 : i32
      %scan3A_188 = arith.addi %scan3A_163, %scan3A_187 : i32
      %mul3A_189 = arith.constant 16 : i32
      %mul3A_190 = arith.muli %scan3A_188, %mul3A_189 : i32
      %get3A_191 = arith.index_cast %mul3A_190 : i32 to index
      %get3A_192 = tpu.vector_load %arg7[%get3A_191] {strides = array<i32>} : memref<4096xi32, #tpu.memory_space<vmem>>, vector<16xi32>,
      %and3A_193 = arith.andi %get3A_192, %broadcast_in_dim3A_7 : vector<16xi32>
      %shift_right_logical3A_194 = arith.shrui %get3A_192, %broadcast_in_dim3A_9 : vector<16xi32>
      %mul3A_195 = arith.constant 16 : i32
      %mul3A_196 = arith.muli %scan3A_188, %mul3A_195 : i32
      %get3A_197 = arith.index_cast %mul3A_196 : i32 to index
      %get3A_198 = tpu.vector_load %arg9[%get3A_197] {strides = array<i32>} : memref<4096xf32, #tpu.memory_space<vmem>>, vector<16xf32>,
      tpu.vector_store_idx %arg5[%and3A_193], %broadcast_in_dim3A_5 {add = true} : memref<102144xf32, #tpu.memory_space<vmem>>[vector<16xi32>], vector<16xf32>,
      %add3A_199 = arith.addi %shift_right_logical3A_194, %broadcast_in_dim3A_11 : vector<16xi32>
      tpu.vector_store_idx %arg5[%add3A_199], %broadcast_in_dim3A_5 {add = true} : memref<102144xf32, #tpu.memory_space<vmem>>[vector<16xi32>], vector<16xf32>,
      %add3A_200 = arith.addi %and3A_193, %broadcast_in_dim3A_13 : vector<16xi32>
      tpu.vector_store_idx %arg5[%add3A_200], %get3A_198 {add = true} : memref<102144xf32, #tpu.memory_space<vmem>>[vector<16xi32>], vector<16xf32>,
      %scan3A_201 = arith.constant 3 : i32
      %scan3A_202 = arith.addi %scan3A_163, %scan3A_201 : i32
      %mul3A_203 = arith.constant 16 : i32
      %mul3A_204 = arith.muli %scan3A_202, %mul3A_203 : i32
      %get3A_205 = arith.index_cast %mul3A_204 : i32 to index
      %get3A_206 = tpu.vector_load %arg7[%get3A_205] {strides = array<i32>} : memref<4096xi32, #tpu.memory_space<vmem>>, vector<16xi32>,
      %and3A_207 = arith.andi %get3A_206, %broadcast_in_dim3A_7 : vector<16xi32>
      %shift_right_logical3A_208 = arith.shrui %get3A_206, %broadcast_in_dim3A_9 : vector<16xi32>
      %mul3A_209 = arith.constant 16 : i32
      %mul3A_210 = arith.muli %scan3A_202, %mul3A_209 : i32
      %get3A_211 = arith.index_cast %mul3A_210 : i32 to index
      %get3A_212 = tpu.vector_load %arg9[%get3A_211] {strides = array<i32>} : memref<4096xf32, #tpu.memory_space<vmem>>, vector<16xf32>,
      tpu.vector_store_idx %arg5[%and3A_207], %broadcast_in_dim3A_5 {add = true} : memref<102144xf32, #tpu.memory_space<vmem>>[vector<16xi32>], vector<16xf32>,
      %add3A_213 = arith.addi %shift_right_logical3A_208, %broadcast_in_dim3A_11 : vector<16xi32>
      tpu.vector_store_idx %arg5[%add3A_213], %broadcast_in_dim3A_5 {add = true} : memref<102144xf32, #tpu.memory_space<vmem>>[vector<16xi32>], vector<16xf32>,
      %add3A_214 = arith.addi %and3A_207, %broadcast_in_dim3A_13 : vector<16xi32>
      tpu.vector_store_idx %arg5[%add3A_214], %get3A_212 {add = true} : memref<102144xf32, #tpu.memory_space<vmem>>[vector<16xi32>], vector<16xf32>,
      %scan3A_215 = arith.constant 4 : i32
      %scan3A_216 = arith.addi %scan3A_163, %scan3A_215 : i32
      %mul3A_217 = arith.constant 16 : i32
      %mul3A_218 = arith.muli %scan3A_216, %mul3A_217 : i32
      %get3A_219 = arith.index_cast %mul3A_218 : i32 to index
      %get3A_220 = tpu.vector_load %arg7[%get3A_219] {strides = array<i32>} : memref<4096xi32, #tpu.memory_space<vmem>>, vector<16xi32>,
      %and3A_221 = arith.andi %get3A_220, %broadcast_in_dim3A_7 : vector<16xi32>
      %shift_right_logical3A_222 = arith.shrui %get3A_220, %broadcast_in_dim3A_9 : vector<16xi32>
      %mul3A_223 = arith.constant 16 : i32
      %mul3A_224 = arith.muli %scan3A_216, %mul3A_223 : i32
      %get3A_225 = arith.index_cast %mul3A_224 : i32 to index
      %get3A_226 = tpu.vector_load %arg9[%get3A_225] {strides = array<i32>} : memref<4096xf32, #tpu.memory_space<vmem>>, vector<16xf32>,
      tpu.vector_store_idx %arg5[%and3A_221], %broadcast_in_dim3A_5 {add = true} : memref<102144xf32, #tpu.memory_space<vmem>>[vector<16xi32>], vector<16xf32>,
      %add3A_227 = arith.addi %shift_right_logical3A_222, %broadcast_in_dim3A_11 : vector<16xi32>
      tpu.vector_store_idx %arg5[%add3A_227], %broadcast_in_dim3A_5 {add = true} : memref<102144xf32, #tpu.memory_space<vmem>>[vector<16xi32>], vector<16xf32>,
      %add3A_228 = arith.addi %and3A_221, %broadcast_in_dim3A_13 : vector<16xi32>
      tpu.vector_store_idx %arg5[%add3A_228], %get3A_226 {add = true} : memref<102144xf32, #tpu.memory_space<vmem>>[vector<16xi32>], vector<16xf32>,
      %scan3A_229 = arith.constant 5 : i32
      %scan3A_230 = arith.addi %scan3A_163, %scan3A_229 : i32
      %mul3A_231 = arith.constant 16 : i32
      %mul3A_232 = arith.muli %scan3A_230, %mul3A_231 : i32
      %get3A_233 = arith.index_cast %mul3A_232 : i32 to index
      %get3A_234 = tpu.vector_load %arg7[%get3A_233] {strides = array<i32>} : memref<4096xi32, #tpu.memory_space<vmem>>, vector<16xi32>,
      %and3A_235 = arith.andi %get3A_234, %broadcast_in_dim3A_7 : vector<16xi32>
      %shift_right_logical3A_236 = arith.shrui %get3A_234, %broadcast_in_dim3A_9 : vector<16xi32>
      %mul3A_237 = arith.constant 16 : i32
      %mul3A_238 = arith.muli %scan3A_230, %mul3A_237 : i32
      %get3A_239 = arith.index_cast %mul3A_238 : i32 to index
      %get3A_240 = tpu.vector_load %arg9[%get3A_239] {strides = array<i32>} : memref<4096xf32, #tpu.memory_space<vmem>>, vector<16xf32>,
      tpu.vector_store_idx %arg5[%and3A_235], %broadcast_in_dim3A_5 {add = true} : memref<102144xf32, #tpu.memory_space<vmem>>[vector<16xi32>], vector<16xf32>,
      %add3A_241 = arith.addi %shift_right_logical3A_236, %broadcast_in_dim3A_11 : vector<16xi32>
      tpu.vector_store_idx %arg5[%add3A_241], %broadcast_in_dim3A_5 {add = true} : memref<102144xf32, #tpu.memory_space<vmem>>[vector<16xi32>], vector<16xf32>,
      %add3A_242 = arith.addi %and3A_235, %broadcast_in_dim3A_13 : vector<16xi32>
      tpu.vector_store_idx %arg5[%add3A_242], %get3A_240 {add = true} : memref<102144xf32, #tpu.memory_space<vmem>>[vector<16xi32>], vector<16xf32>,
      %scan3A_243 = arith.constant 6 : i32
      %scan3A_244 = arith.addi %scan3A_163, %scan3A_243 : i32
      %mul3A_245 = arith.constant 16 : i32
      %mul3A_246 = arith.muli %scan3A_244, %mul3A_245 : i32
      %get3A_247 = arith.index_cast %mul3A_246 : i32 to index
      %get3A_248 = tpu.vector_load %arg7[%get3A_247] {strides = array<i32>} : memref<4096xi32, #tpu.memory_space<vmem>>, vector<16xi32>,
      %and3A_249 = arith.andi %get3A_248, %broadcast_in_dim3A_7 : vector<16xi32>
      %shift_right_logical3A_250 = arith.shrui %get3A_248, %broadcast_in_dim3A_9 : vector<16xi32>
      %mul3A_251 = arith.constant 16 : i32
      %mul3A_252 = arith.muli %scan3A_244, %mul3A_251 : i32
      %get3A_253 = arith.index_cast %mul3A_252 : i32 to index
      %get3A_254 = tpu.vector_load %arg9[%get3A_253] {strides = array<i32>} : memref<4096xf32, #tpu.memory_space<vmem>>, vector<16xf32>,
      tpu.vector_store_idx %arg5[%and3A_249], %broadcast_in_dim3A_5 {add = true} : memref<102144xf32, #tpu.memory_space<vmem>>[vector<16xi32>], vector<16xf32>,
      %add3A_255 = arith.addi %shift_right_logical3A_250, %broadcast_in_dim3A_11 : vector<16xi32>
      tpu.vector_store_idx %arg5[%add3A_255], %broadcast_in_dim3A_5 {add = true} : memref<102144xf32, #tpu.memory_space<vmem>>[vector<16xi32>], vector<16xf32>,
      %add3A_256 = arith.addi %and3A_249, %broadcast_in_dim3A_13 : vector<16xi32>
      tpu.vector_store_idx %arg5[%add3A_256], %get3A_254 {add = true} : memref<102144xf32, #tpu.memory_space<vmem>>[vector<16xi32>], vector<16xf32>,
      %scan3A_257 = arith.constant 7 : i32
      %scan3A_258 = arith.addi %scan3A_163, %scan3A_257 : i32
      %mul3A_259 = arith.constant 16 : i32
      %mul3A_260 = arith.muli %scan3A_258, %mul3A_259 : i32
      %get3A_261 = arith.index_cast %mul3A_260 : i32 to index
      %get3A_262 = tpu.vector_load %arg7[%get3A_261] {strides = array<i32>} : memref<4096xi32, #tpu.memory_space<vmem>>, vector<16xi32>,
      %and3A_263 = arith.andi %get3A_262, %broadcast_in_dim3A_7 : vector<16xi32>
      %shift_right_logical3A_264 = arith.shrui %get3A_262, %broadcast_in_dim3A_9 : vector<16xi32>
      %mul3A_265 = arith.constant 16 : i32
      %mul3A_266 = arith.muli %scan3A_258, %mul3A_265 : i32
      %get3A_267 = arith.index_cast %mul3A_266 : i32 to index
      %get3A_268 = tpu.vector_load %arg9[%get3A_267] {strides = array<i32>} : memref<4096xf32, #tpu.memory_space<vmem>>, vector<16xf32>,
      tpu.vector_store_idx %arg5[%and3A_263], %broadcast_in_dim3A_5 {add = true} : memref<102144xf32, #tpu.memory_space<vmem>>[vector<16xi32>], vector<16xf32>,
      %add3A_269 = arith.addi %shift_right_logical3A_264, %broadcast_in_dim3A_11 : vector<16xi32>
      tpu.vector_store_idx %arg5[%add3A_269], %broadcast_in_dim3A_5 {add = true} : memref<102144xf32, #tpu.memory_space<vmem>>[vector<16xi32>], vector<16xf32>,
      %add3A_270 = arith.addi %and3A_263, %broadcast_in_dim3A_13 : vector<16xi32>
      tpu.vector_store_idx %arg5[%add3A_270], %get3A_268 {add = true} : memref<102144xf32, #tpu.memory_space<vmem>>[vector<16xi32>], vector<16xf32>,
    }
    %scan3A_60 = arith.constant 256 : i32
    %add3A_61 = arith.constant 12288 : i32
    %add3A_62 = arith.addi %mul3A_2, %add3A_61 : i32
    %dma_start3A_63 = tpu.memref_slice %arg2[%add3A_62] : memref<1048576xi32, #tpu.memory_space<hbm>> -> memref<4096xi32, #tpu.memory_space<hbm>>
    %dma_start3A_64 = tpu.memref_slice %arg2[%add3A_62] : memref<1048576xi32, #tpu.memory_space<hbm>> -> memref<4096xi32, #tpu.memory_space<hbm>>
    tpu.enqueue_dma source(%dma_start3A_64 : memref<4096xi32, #tpu.memory_space<hbm>>) target(%arg7 : memref<4096xi32, #tpu.memory_space<vmem>>) target_semaphore(%arg11 : memref<!tpu.dma_semaphore, #tpu.memory_space<semaphore_mem>>)
    %add3A_65 = arith.constant 12288 : i32
    %add3A_66 = arith.addi %mul3A_2, %add3A_65 : i32
    %dma_start3A_67 = tpu.memref_slice %arg3[%add3A_66] : memref<1048576xf32, #tpu.memory_space<hbm>> -> memref<4096xf32, #tpu.memory_space<hbm>>
    %dma_start3A_68 = tpu.memref_slice %arg3[%add3A_66] : memref<1048576xf32, #tpu.memory_space<hbm>> -> memref<4096xf32, #tpu.memory_space<hbm>>
    tpu.enqueue_dma source(%dma_start3A_68 : memref<4096xf32, #tpu.memory_space<hbm>>) target(%arg9 : memref<4096xf32, #tpu.memory_space<vmem>>) target_semaphore(%arg11 : memref<!tpu.dma_semaphore, #tpu.memory_space<semaphore_mem>>)
    %dma_wait3A_69 = tpu.memref_slice %arg2[%add3A_44] : memref<1048576xi32, #tpu.memory_space<hbm>> -> memref<4096xi32, #tpu.memory_space<hbm>>
    %dma_wait3A_70 = tpu.memref_slice %arg2[%add3A_44] : memref<1048576xi32, #tpu.memory_space<hbm>> -> memref<4096xi32, #tpu.memory_space<hbm>>
    tpu.wait_dma2 semaphore(%arg10 : memref<!tpu.dma_semaphore, #tpu.memory_space<semaphore_mem>>) src(%dma_wait3A_70 : memref<4096xi32, #tpu.memory_space<hbm>>) dst(%arg6 : memref<4096xi32, #tpu.memory_space<vmem>>)
    %dma_wait3A_71 = tpu.memref_slice %arg3[%add3A_48] : memref<1048576xf32, #tpu.memory_space<hbm>> -> memref<4096xf32, #tpu.memory_space<hbm>>
    %dma_wait3A_72 = tpu.memref_slice %arg3[%add3A_48] : memref<1048576xf32, #tpu.memory_space<hbm>> -> memref<4096xf32, #tpu.memory_space<hbm>>
    tpu.wait_dma2 semaphore(%arg10 : memref<!tpu.dma_semaphore, #tpu.memory_space<semaphore_mem>>) src(%dma_wait3A_72 : memref<4096xf32, #tpu.memory_space<hbm>>) dst(%arg8 : memref<4096xf32, #tpu.memory_space<vmem>>)
    %scan3A_73 = arith.constant 0 : i32
    %scan3A_74 = arith.constant 0 : i32
    %scan3A_75 = arith.constant 256 : i32
    %scan3A_76 = arith.addi %scan3A_74, %scan3A_75 : i32
    %scan3A_77 = arith.constant 8 : i32
    scf.for %scan3A_163 = %scan3A_74 to %scan3A_76 step %scan3A_77  : i32 {
      %mul3A_164 = arith.constant 16 : i32
      %mul3A_165 = arith.muli %scan3A_163, %mul3A_164 : i32
      %get3A = arith.index_cast %mul3A_165 : i32 to index
      %get3A_166 = tpu.vector_load %arg6[%get3A] {strides = array<i32>} : memref<4096xi32, #tpu.memory_space<vmem>>, vector<16xi32>,
      %and3A = arith.andi %get3A_166, %broadcast_in_dim3A_7 : vector<16xi32>
      %shift_right_logical3A = arith.shrui %get3A_166, %broadcast_in_dim3A_9 : vector<16xi32>
      %mul3A_167 = arith.constant 16 : i32
      %mul3A_168 = arith.muli %scan3A_163, %mul3A_167 : i32
      %get3A_169 = arith.index_cast %mul3A_168 : i32 to index
      %get3A_170 = tpu.vector_load %arg8[%get3A_169] {strides = array<i32>} : memref<4096xf32, #tpu.memory_space<vmem>>, vector<16xf32>,
      tpu.vector_store_idx %arg5[%and3A], %broadcast_in_dim3A_5 {add = true} : memref<102144xf32, #tpu.memory_space<vmem>>[vector<16xi32>], vector<16xf32>,
      %add3A_171 = arith.addi %shift_right_logical3A, %broadcast_in_dim3A_11 : vector<16xi32>
      tpu.vector_store_idx %arg5[%add3A_171], %broadcast_in_dim3A_5 {add = true} : memref<102144xf32, #tpu.memory_space<vmem>>[vector<16xi32>], vector<16xf32>,
      %add3A_172 = arith.addi %and3A, %broadcast_in_dim3A_13 : vector<16xi32>
      tpu.vector_store_idx %arg5[%add3A_172], %get3A_170 {add = true} : memref<102144xf32, #tpu.memory_space<vmem>>[vector<16xi32>], vector<16xf32>,
      %scan3A_173 = arith.constant 1 : i32
      %scan3A_174 = arith.addi %scan3A_163, %scan3A_173 : i32
      %mul3A_175 = arith.constant 16 : i32
      %mul3A_176 = arith.muli %scan3A_174, %mul3A_175 : i32
      %get3A_177 = arith.index_cast %mul3A_176 : i32 to index
      %get3A_178 = tpu.vector_load %arg6[%get3A_177] {strides = array<i32>} : memref<4096xi32, #tpu.memory_space<vmem>>, vector<16xi32>,
      %and3A_179 = arith.andi %get3A_178, %broadcast_in_dim3A_7 : vector<16xi32>
      %shift_right_logical3A_180 = arith.shrui %get3A_178, %broadcast_in_dim3A_9 : vector<16xi32>
      %mul3A_181 = arith.constant 16 : i32
      %mul3A_182 = arith.muli %scan3A_174, %mul3A_181 : i32
      %get3A_183 = arith.index_cast %mul3A_182 : i32 to index
      %get3A_184 = tpu.vector_load %arg8[%get3A_183] {strides = array<i32>} : memref<4096xf32, #tpu.memory_space<vmem>>, vector<16xf32>,
      tpu.vector_store_idx %arg5[%and3A_179], %broadcast_in_dim3A_5 {add = true} : memref<102144xf32, #tpu.memory_space<vmem>>[vector<16xi32>], vector<16xf32>,
      %add3A_185 = arith.addi %shift_right_logical3A_180, %broadcast_in_dim3A_11 : vector<16xi32>
      tpu.vector_store_idx %arg5[%add3A_185], %broadcast_in_dim3A_5 {add = true} : memref<102144xf32, #tpu.memory_space<vmem>>[vector<16xi32>], vector<16xf32>,
      %add3A_186 = arith.addi %and3A_179, %broadcast_in_dim3A_13 : vector<16xi32>
      tpu.vector_store_idx %arg5[%add3A_186], %get3A_184 {add = true} : memref<102144xf32, #tpu.memory_space<vmem>>[vector<16xi32>], vector<16xf32>,
      %scan3A_187 = arith.constant 2 : i32
      %scan3A_188 = arith.addi %scan3A_163, %scan3A_187 : i32
      %mul3A_189 = arith.constant 16 : i32
      %mul3A_190 = arith.muli %scan3A_188, %mul3A_189 : i32
      %get3A_191 = arith.index_cast %mul3A_190 : i32 to index
      %get3A_192 = tpu.vector_load %arg6[%get3A_191] {strides = array<i32>} : memref<4096xi32, #tpu.memory_space<vmem>>, vector<16xi32>,
      %and3A_193 = arith.andi %get3A_192, %broadcast_in_dim3A_7 : vector<16xi32>
      %shift_right_logical3A_194 = arith.shrui %get3A_192, %broadcast_in_dim3A_9 : vector<16xi32>
      %mul3A_195 = arith.constant 16 : i32
      %mul3A_196 = arith.muli %scan3A_188, %mul3A_195 : i32
      %get3A_197 = arith.index_cast %mul3A_196 : i32 to index
      %get3A_198 = tpu.vector_load %arg8[%get3A_197] {strides = array<i32>} : memref<4096xf32, #tpu.memory_space<vmem>>, vector<16xf32>,
      tpu.vector_store_idx %arg5[%and3A_193], %broadcast_in_dim3A_5 {add = true} : memref<102144xf32, #tpu.memory_space<vmem>>[vector<16xi32>], vector<16xf32>,
      %add3A_199 = arith.addi %shift_right_logical3A_194, %broadcast_in_dim3A_11 : vector<16xi32>
      tpu.vector_store_idx %arg5[%add3A_199], %broadcast_in_dim3A_5 {add = true} : memref<102144xf32, #tpu.memory_space<vmem>>[vector<16xi32>], vector<16xf32>,
      %add3A_200 = arith.addi %and3A_193, %broadcast_in_dim3A_13 : vector<16xi32>
      tpu.vector_store_idx %arg5[%add3A_200], %get3A_198 {add = true} : memref<102144xf32, #tpu.memory_space<vmem>>[vector<16xi32>], vector<16xf32>,
      %scan3A_201 = arith.constant 3 : i32
      %scan3A_202 = arith.addi %scan3A_163, %scan3A_201 : i32
      %mul3A_203 = arith.constant 16 : i32
      %mul3A_204 = arith.muli %scan3A_202, %mul3A_203 : i32
      %get3A_205 = arith.index_cast %mul3A_204 : i32 to index
      %get3A_206 = tpu.vector_load %arg6[%get3A_205] {strides = array<i32>} : memref<4096xi32, #tpu.memory_space<vmem>>, vector<16xi32>,
      %and3A_207 = arith.andi %get3A_206, %broadcast_in_dim3A_7 : vector<16xi32>
      %shift_right_logical3A_208 = arith.shrui %get3A_206, %broadcast_in_dim3A_9 : vector<16xi32>
      %mul3A_209 = arith.constant 16 : i32
      %mul3A_210 = arith.muli %scan3A_202, %mul3A_209 : i32
      %get3A_211 = arith.index_cast %mul3A_210 : i32 to index
      %get3A_212 = tpu.vector_load %arg8[%get3A_211] {strides = array<i32>} : memref<4096xf32, #tpu.memory_space<vmem>>, vector<16xf32>,
      tpu.vector_store_idx %arg5[%and3A_207], %broadcast_in_dim3A_5 {add = true} : memref<102144xf32, #tpu.memory_space<vmem>>[vector<16xi32>], vector<16xf32>,
      %add3A_213 = arith.addi %shift_right_logical3A_208, %broadcast_in_dim3A_11 : vector<16xi32>
      tpu.vector_store_idx %arg5[%add3A_213], %broadcast_in_dim3A_5 {add = true} : memref<102144xf32, #tpu.memory_space<vmem>>[vector<16xi32>], vector<16xf32>,
      %add3A_214 = arith.addi %and3A_207, %broadcast_in_dim3A_13 : vector<16xi32>
      tpu.vector_store_idx %arg5[%add3A_214], %get3A_212 {add = true} : memref<102144xf32, #tpu.memory_space<vmem>>[vector<16xi32>], vector<16xf32>,
      %scan3A_215 = arith.constant 4 : i32
      %scan3A_216 = arith.addi %scan3A_163, %scan3A_215 : i32
      %mul3A_217 = arith.constant 16 : i32
      %mul3A_218 = arith.muli %scan3A_216, %mul3A_217 : i32
      %get3A_219 = arith.index_cast %mul3A_218 : i32 to index
      %get3A_220 = tpu.vector_load %arg6[%get3A_219] {strides = array<i32>} : memref<4096xi32, #tpu.memory_space<vmem>>, vector<16xi32>,
      %and3A_221 = arith.andi %get3A_220, %broadcast_in_dim3A_7 : vector<16xi32>
      %shift_right_logical3A_222 = arith.shrui %get3A_220, %broadcast_in_dim3A_9 : vector<16xi32>
      %mul3A_223 = arith.constant 16 : i32
      %mul3A_224 = arith.muli %scan3A_216, %mul3A_223 : i32
      %get3A_225 = arith.index_cast %mul3A_224 : i32 to index
      %get3A_226 = tpu.vector_load %arg8[%get3A_225] {strides = array<i32>} : memref<4096xf32, #tpu.memory_space<vmem>>, vector<16xf32>,
      tpu.vector_store_idx %arg5[%and3A_221], %broadcast_in_dim3A_5 {add = true} : memref<102144xf32, #tpu.memory_space<vmem>>[vector<16xi32>], vector<16xf32>,
      %add3A_227 = arith.addi %shift_right_logical3A_222, %broadcast_in_dim3A_11 : vector<16xi32>
      tpu.vector_store_idx %arg5[%add3A_227], %broadcast_in_dim3A_5 {add = true} : memref<102144xf32, #tpu.memory_space<vmem>>[vector<16xi32>], vector<16xf32>,
      %add3A_228 = arith.addi %and3A_221, %broadcast_in_dim3A_13 : vector<16xi32>
      tpu.vector_store_idx %arg5[%add3A_228], %get3A_226 {add = true} : memref<102144xf32, #tpu.memory_space<vmem>>[vector<16xi32>], vector<16xf32>,
      %scan3A_229 = arith.constant 5 : i32
      %scan3A_230 = arith.addi %scan3A_163, %scan3A_229 : i32
      %mul3A_231 = arith.constant 16 : i32
      %mul3A_232 = arith.muli %scan3A_230, %mul3A_231 : i32
      %get3A_233 = arith.index_cast %mul3A_232 : i32 to index
      %get3A_234 = tpu.vector_load %arg6[%get3A_233] {strides = array<i32>} : memref<4096xi32, #tpu.memory_space<vmem>>, vector<16xi32>,
      %and3A_235 = arith.andi %get3A_234, %broadcast_in_dim3A_7 : vector<16xi32>
      %shift_right_logical3A_236 = arith.shrui %get3A_234, %broadcast_in_dim3A_9 : vector<16xi32>
      %mul3A_237 = arith.constant 16 : i32
      %mul3A_238 = arith.muli %scan3A_230, %mul3A_237 : i32
      %get3A_239 = arith.index_cast %mul3A_238 : i32 to index
      %get3A_240 = tpu.vector_load %arg8[%get3A_239] {strides = array<i32>} : memref<4096xf32, #tpu.memory_space<vmem>>, vector<16xf32>,
      tpu.vector_store_idx %arg5[%and3A_235], %broadcast_in_dim3A_5 {add = true} : memref<102144xf32, #tpu.memory_space<vmem>>[vector<16xi32>], vector<16xf32>,
      %add3A_241 = arith.addi %shift_right_logical3A_236, %broadcast_in_dim3A_11 : vector<16xi32>
      tpu.vector_store_idx %arg5[%add3A_241], %broadcast_in_dim3A_5 {add = true} : memref<102144xf32, #tpu.memory_space<vmem>>[vector<16xi32>], vector<16xf32>,
      %add3A_242 = arith.addi %and3A_235, %broadcast_in_dim3A_13 : vector<16xi32>
      tpu.vector_store_idx %arg5[%add3A_242], %get3A_240 {add = true} : memref<102144xf32, #tpu.memory_space<vmem>>[vector<16xi32>], vector<16xf32>,
      %scan3A_243 = arith.constant 6 : i32
      %scan3A_244 = arith.addi %scan3A_163, %scan3A_243 : i32
      %mul3A_245 = arith.constant 16 : i32
      %mul3A_246 = arith.muli %scan3A_244, %mul3A_245 : i32
      %get3A_247 = arith.index_cast %mul3A_246 : i32 to index
      %get3A_248 = tpu.vector_load %arg6[%get3A_247] {strides = array<i32>} : memref<4096xi32, #tpu.memory_space<vmem>>, vector<16xi32>,
      %and3A_249 = arith.andi %get3A_248, %broadcast_in_dim3A_7 : vector<16xi32>
      %shift_right_logical3A_250 = arith.shrui %get3A_248, %broadcast_in_dim3A_9 : vector<16xi32>
      %mul3A_251 = arith.constant 16 : i32
      %mul3A_252 = arith.muli %scan3A_244, %mul3A_251 : i32
      %get3A_253 = arith.index_cast %mul3A_252 : i32 to index
      %get3A_254 = tpu.vector_load %arg8[%get3A_253] {strides = array<i32>} : memref<4096xf32, #tpu.memory_space<vmem>>, vector<16xf32>,
      tpu.vector_store_idx %arg5[%and3A_249], %broadcast_in_dim3A_5 {add = true} : memref<102144xf32, #tpu.memory_space<vmem>>[vector<16xi32>], vector<16xf32>,
      %add3A_255 = arith.addi %shift_right_logical3A_250, %broadcast_in_dim3A_11 : vector<16xi32>
      tpu.vector_store_idx %arg5[%add3A_255], %broadcast_in_dim3A_5 {add = true} : memref<102144xf32, #tpu.memory_space<vmem>>[vector<16xi32>], vector<16xf32>,
      %add3A_256 = arith.addi %and3A_249, %broadcast_in_dim3A_13 : vector<16xi32>
      tpu.vector_store_idx %arg5[%add3A_256], %get3A_254 {add = true} : memref<102144xf32, #tpu.memory_space<vmem>>[vector<16xi32>], vector<16xf32>,
      %scan3A_257 = arith.constant 7 : i32
      %scan3A_258 = arith.addi %scan3A_163, %scan3A_257 : i32
      %mul3A_259 = arith.constant 16 : i32
      %mul3A_260 = arith.muli %scan3A_258, %mul3A_259 : i32
      %get3A_261 = arith.index_cast %mul3A_260 : i32 to index
      %get3A_262 = tpu.vector_load %arg6[%get3A_261] {strides = array<i32>} : memref<4096xi32, #tpu.memory_space<vmem>>, vector<16xi32>,
      %and3A_263 = arith.andi %get3A_262, %broadcast_in_dim3A_7 : vector<16xi32>
      %shift_right_logical3A_264 = arith.shrui %get3A_262, %broadcast_in_dim3A_9 : vector<16xi32>
      %mul3A_265 = arith.constant 16 : i32
      %mul3A_266 = arith.muli %scan3A_258, %mul3A_265 : i32
      %get3A_267 = arith.index_cast %mul3A_266 : i32 to index
      %get3A_268 = tpu.vector_load %arg8[%get3A_267] {strides = array<i32>} : memref<4096xf32, #tpu.memory_space<vmem>>, vector<16xf32>,
      tpu.vector_store_idx %arg5[%and3A_263], %broadcast_in_dim3A_5 {add = true} : memref<102144xf32, #tpu.memory_space<vmem>>[vector<16xi32>], vector<16xf32>,
      %add3A_269 = arith.addi %shift_right_logical3A_264, %broadcast_in_dim3A_11 : vector<16xi32>
      tpu.vector_store_idx %arg5[%add3A_269], %broadcast_in_dim3A_5 {add = true} : memref<102144xf32, #tpu.memory_space<vmem>>[vector<16xi32>], vector<16xf32>,
      %add3A_270 = arith.addi %and3A_263, %broadcast_in_dim3A_13 : vector<16xi32>
      tpu.vector_store_idx %arg5[%add3A_270], %get3A_268 {add = true} : memref<102144xf32, #tpu.memory_space<vmem>>[vector<16xi32>], vector<16xf32>,
    }
    %scan3A_78 = arith.constant 256 : i32
    %add3A_79 = arith.constant 16384 : i32
    %add3A_80 = arith.addi %mul3A_2, %add3A_79 : i32
    %dma_start3A_81 = tpu.memref_slice %arg2[%add3A_80] : memref<1048576xi32, #tpu.memory_space<hbm>> -> memref<4096xi32, #tpu.memory_space<hbm>>
    %dma_start3A_82 = tpu.memref_slice %arg2[%add3A_80] : memref<1048576xi32, #tpu.memory_space<hbm>> -> memref<4096xi32, #tpu.memory_space<hbm>>
    tpu.enqueue_dma source(%dma_start3A_82 : memref<4096xi32, #tpu.memory_space<hbm>>) target(%arg6 : memref<4096xi32, #tpu.memory_space<vmem>>) target_semaphore(%arg10 : memref<!tpu.dma_semaphore, #tpu.memory_space<semaphore_mem>>)
    %add3A_83 = arith.constant 16384 : i32
    %add3A_84 = arith.addi %mul3A_2, %add3A_83 : i32
    %dma_start3A_85 = tpu.memref_slice %arg3[%add3A_84] : memref<1048576xf32, #tpu.memory_space<hbm>> -> memref<4096xf32, #tpu.memory_space<hbm>>
    %dma_start3A_86 = tpu.memref_slice %arg3[%add3A_84] : memref<1048576xf32, #tpu.memory_space<hbm>> -> memref<4096xf32, #tpu.memory_space<hbm>>
    tpu.enqueue_dma source(%dma_start3A_86 : memref<4096xf32, #tpu.memory_space<hbm>>) target(%arg8 : memref<4096xf32, #tpu.memory_space<vmem>>) target_semaphore(%arg10 : memref<!tpu.dma_semaphore, #tpu.memory_space<semaphore_mem>>)
    %dma_wait3A_87 = tpu.memref_slice %arg2[%add3A_62] : memref<1048576xi32, #tpu.memory_space<hbm>> -> memref<4096xi32, #tpu.memory_space<hbm>>
    %dma_wait3A_88 = tpu.memref_slice %arg2[%add3A_62] : memref<1048576xi32, #tpu.memory_space<hbm>> -> memref<4096xi32, #tpu.memory_space<hbm>>
    tpu.wait_dma2 semaphore(%arg11 : memref<!tpu.dma_semaphore, #tpu.memory_space<semaphore_mem>>) src(%dma_wait3A_88 : memref<4096xi32, #tpu.memory_space<hbm>>) dst(%arg7 : memref<4096xi32, #tpu.memory_space<vmem>>)
    %dma_wait3A_89 = tpu.memref_slice %arg3[%add3A_66] : memref<1048576xf32, #tpu.memory_space<hbm>> -> memref<4096xf32, #tpu.memory_space<hbm>>
    %dma_wait3A_90 = tpu.memref_slice %arg3[%add3A_66] : memref<1048576xf32, #tpu.memory_space<hbm>> -> memref<4096xf32, #tpu.memory_space<hbm>>
    tpu.wait_dma2 semaphore(%arg11 : memref<!tpu.dma_semaphore, #tpu.memory_space<semaphore_mem>>) src(%dma_wait3A_90 : memref<4096xf32, #tpu.memory_space<hbm>>) dst(%arg9 : memref<4096xf32, #tpu.memory_space<vmem>>)
    %scan3A_91 = arith.constant 0 : i32
    %scan3A_92 = arith.constant 0 : i32
    %scan3A_93 = arith.constant 256 : i32
    %scan3A_94 = arith.addi %scan3A_92, %scan3A_93 : i32
    %scan3A_95 = arith.constant 8 : i32
    scf.for %scan3A_163 = %scan3A_92 to %scan3A_94 step %scan3A_95  : i32 {
      %mul3A_164 = arith.constant 16 : i32
      %mul3A_165 = arith.muli %scan3A_163, %mul3A_164 : i32
      %get3A = arith.index_cast %mul3A_165 : i32 to index
      %get3A_166 = tpu.vector_load %arg7[%get3A] {strides = array<i32>} : memref<4096xi32, #tpu.memory_space<vmem>>, vector<16xi32>,
      %and3A = arith.andi %get3A_166, %broadcast_in_dim3A_7 : vector<16xi32>
      %shift_right_logical3A = arith.shrui %get3A_166, %broadcast_in_dim3A_9 : vector<16xi32>
      %mul3A_167 = arith.constant 16 : i32
      %mul3A_168 = arith.muli %scan3A_163, %mul3A_167 : i32
      %get3A_169 = arith.index_cast %mul3A_168 : i32 to index
      %get3A_170 = tpu.vector_load %arg9[%get3A_169] {strides = array<i32>} : memref<4096xf32, #tpu.memory_space<vmem>>, vector<16xf32>,
      tpu.vector_store_idx %arg5[%and3A], %broadcast_in_dim3A_5 {add = true} : memref<102144xf32, #tpu.memory_space<vmem>>[vector<16xi32>], vector<16xf32>,
      %add3A_171 = arith.addi %shift_right_logical3A, %broadcast_in_dim3A_11 : vector<16xi32>
      tpu.vector_store_idx %arg5[%add3A_171], %broadcast_in_dim3A_5 {add = true} : memref<102144xf32, #tpu.memory_space<vmem>>[vector<16xi32>], vector<16xf32>,
      %add3A_172 = arith.addi %and3A, %broadcast_in_dim3A_13 : vector<16xi32>
      tpu.vector_store_idx %arg5[%add3A_172], %get3A_170 {add = true} : memref<102144xf32, #tpu.memory_space<vmem>>[vector<16xi32>], vector<16xf32>,
      %scan3A_173 = arith.constant 1 : i32
      %scan3A_174 = arith.addi %scan3A_163, %scan3A_173 : i32
      %mul3A_175 = arith.constant 16 : i32
      %mul3A_176 = arith.muli %scan3A_174, %mul3A_175 : i32
      %get3A_177 = arith.index_cast %mul3A_176 : i32 to index
      %get3A_178 = tpu.vector_load %arg7[%get3A_177] {strides = array<i32>} : memref<4096xi32, #tpu.memory_space<vmem>>, vector<16xi32>,
      %and3A_179 = arith.andi %get3A_178, %broadcast_in_dim3A_7 : vector<16xi32>
      %shift_right_logical3A_180 = arith.shrui %get3A_178, %broadcast_in_dim3A_9 : vector<16xi32>
      %mul3A_181 = arith.constant 16 : i32
      %mul3A_182 = arith.muli %scan3A_174, %mul3A_181 : i32
      %get3A_183 = arith.index_cast %mul3A_182 : i32 to index
      %get3A_184 = tpu.vector_load %arg9[%get3A_183] {strides = array<i32>} : memref<4096xf32, #tpu.memory_space<vmem>>, vector<16xf32>,
      tpu.vector_store_idx %arg5[%and3A_179], %broadcast_in_dim3A_5 {add = true} : memref<102144xf32, #tpu.memory_space<vmem>>[vector<16xi32>], vector<16xf32>,
      %add3A_185 = arith.addi %shift_right_logical3A_180, %broadcast_in_dim3A_11 : vector<16xi32>
      tpu.vector_store_idx %arg5[%add3A_185], %broadcast_in_dim3A_5 {add = true} : memref<102144xf32, #tpu.memory_space<vmem>>[vector<16xi32>], vector<16xf32>,
      %add3A_186 = arith.addi %and3A_179, %broadcast_in_dim3A_13 : vector<16xi32>
      tpu.vector_store_idx %arg5[%add3A_186], %get3A_184 {add = true} : memref<102144xf32, #tpu.memory_space<vmem>>[vector<16xi32>], vector<16xf32>,
      %scan3A_187 = arith.constant 2 : i32
      %scan3A_188 = arith.addi %scan3A_163, %scan3A_187 : i32
      %mul3A_189 = arith.constant 16 : i32
      %mul3A_190 = arith.muli %scan3A_188, %mul3A_189 : i32
      %get3A_191 = arith.index_cast %mul3A_190 : i32 to index
      %get3A_192 = tpu.vector_load %arg7[%get3A_191] {strides = array<i32>} : memref<4096xi32, #tpu.memory_space<vmem>>, vector<16xi32>,
      %and3A_193 = arith.andi %get3A_192, %broadcast_in_dim3A_7 : vector<16xi32>
      %shift_right_logical3A_194 = arith.shrui %get3A_192, %broadcast_in_dim3A_9 : vector<16xi32>
      %mul3A_195 = arith.constant 16 : i32
      %mul3A_196 = arith.muli %scan3A_188, %mul3A_195 : i32
      %get3A_197 = arith.index_cast %mul3A_196 : i32 to index
      %get3A_198 = tpu.vector_load %arg9[%get3A_197] {strides = array<i32>} : memref<4096xf32, #tpu.memory_space<vmem>>, vector<16xf32>,
      tpu.vector_store_idx %arg5[%and3A_193], %broadcast_in_dim3A_5 {add = true} : memref<102144xf32, #tpu.memory_space<vmem>>[vector<16xi32>], vector<16xf32>,
      %add3A_199 = arith.addi %shift_right_logical3A_194, %broadcast_in_dim3A_11 : vector<16xi32>
      tpu.vector_store_idx %arg5[%add3A_199], %broadcast_in_dim3A_5 {add = true} : memref<102144xf32, #tpu.memory_space<vmem>>[vector<16xi32>], vector<16xf32>,
      %add3A_200 = arith.addi %and3A_193, %broadcast_in_dim3A_13 : vector<16xi32>
      tpu.vector_store_idx %arg5[%add3A_200], %get3A_198 {add = true} : memref<102144xf32, #tpu.memory_space<vmem>>[vector<16xi32>], vector<16xf32>,
      %scan3A_201 = arith.constant 3 : i32
      %scan3A_202 = arith.addi %scan3A_163, %scan3A_201 : i32
      %mul3A_203 = arith.constant 16 : i32
      %mul3A_204 = arith.muli %scan3A_202, %mul3A_203 : i32
      %get3A_205 = arith.index_cast %mul3A_204 : i32 to index
      %get3A_206 = tpu.vector_load %arg7[%get3A_205] {strides = array<i32>} : memref<4096xi32, #tpu.memory_space<vmem>>, vector<16xi32>,
      %and3A_207 = arith.andi %get3A_206, %broadcast_in_dim3A_7 : vector<16xi32>
      %shift_right_logical3A_208 = arith.shrui %get3A_206, %broadcast_in_dim3A_9 : vector<16xi32>
      %mul3A_209 = arith.constant 16 : i32
      %mul3A_210 = arith.muli %scan3A_202, %mul3A_209 : i32
      %get3A_211 = arith.index_cast %mul3A_210 : i32 to index
      %get3A_212 = tpu.vector_load %arg9[%get3A_211] {strides = array<i32>} : memref<4096xf32, #tpu.memory_space<vmem>>, vector<16xf32>,
      tpu.vector_store_idx %arg5[%and3A_207], %broadcast_in_dim3A_5 {add = true} : memref<102144xf32, #tpu.memory_space<vmem>>[vector<16xi32>], vector<16xf32>,
      %add3A_213 = arith.addi %shift_right_logical3A_208, %broadcast_in_dim3A_11 : vector<16xi32>
      tpu.vector_store_idx %arg5[%add3A_213], %broadcast_in_dim3A_5 {add = true} : memref<102144xf32, #tpu.memory_space<vmem>>[vector<16xi32>], vector<16xf32>,
      %add3A_214 = arith.addi %and3A_207, %broadcast_in_dim3A_13 : vector<16xi32>
      tpu.vector_store_idx %arg5[%add3A_214], %get3A_212 {add = true} : memref<102144xf32, #tpu.memory_space<vmem>>[vector<16xi32>], vector<16xf32>,
      %scan3A_215 = arith.constant 4 : i32
      %scan3A_216 = arith.addi %scan3A_163, %scan3A_215 : i32
      %mul3A_217 = arith.constant 16 : i32
      %mul3A_218 = arith.muli %scan3A_216, %mul3A_217 : i32
      %get3A_219 = arith.index_cast %mul3A_218 : i32 to index
      %get3A_220 = tpu.vector_load %arg7[%get3A_219] {strides = array<i32>} : memref<4096xi32, #tpu.memory_space<vmem>>, vector<16xi32>,
      %and3A_221 = arith.andi %get3A_220, %broadcast_in_dim3A_7 : vector<16xi32>
      %shift_right_logical3A_222 = arith.shrui %get3A_220, %broadcast_in_dim3A_9 : vector<16xi32>
      %mul3A_223 = arith.constant 16 : i32
      %mul3A_224 = arith.muli %scan3A_216, %mul3A_223 : i32
      %get3A_225 = arith.index_cast %mul3A_224 : i32 to index
      %get3A_226 = tpu.vector_load %arg9[%get3A_225] {strides = array<i32>} : memref<4096xf32, #tpu.memory_space<vmem>>, vector<16xf32>,
      tpu.vector_store_idx %arg5[%and3A_221], %broadcast_in_dim3A_5 {add = true} : memref<102144xf32, #tpu.memory_space<vmem>>[vector<16xi32>], vector<16xf32>,
      %add3A_227 = arith.addi %shift_right_logical3A_222, %broadcast_in_dim3A_11 : vector<16xi32>
      tpu.vector_store_idx %arg5[%add3A_227], %broadcast_in_dim3A_5 {add = true} : memref<102144xf32, #tpu.memory_space<vmem>>[vector<16xi32>], vector<16xf32>,
      %add3A_228 = arith.addi %and3A_221, %broadcast_in_dim3A_13 : vector<16xi32>
      tpu.vector_store_idx %arg5[%add3A_228], %get3A_226 {add = true} : memref<102144xf32, #tpu.memory_space<vmem>>[vector<16xi32>], vector<16xf32>,
      %scan3A_229 = arith.constant 5 : i32
      %scan3A_230 = arith.addi %scan3A_163, %scan3A_229 : i32
      %mul3A_231 = arith.constant 16 : i32
      %mul3A_232 = arith.muli %scan3A_230, %mul3A_231 : i32
      %get3A_233 = arith.index_cast %mul3A_232 : i32 to index
      %get3A_234 = tpu.vector_load %arg7[%get3A_233] {strides = array<i32>} : memref<4096xi32, #tpu.memory_space<vmem>>, vector<16xi32>,
      %and3A_235 = arith.andi %get3A_234, %broadcast_in_dim3A_7 : vector<16xi32>
      %shift_right_logical3A_236 = arith.shrui %get3A_234, %broadcast_in_dim3A_9 : vector<16xi32>
      %mul3A_237 = arith.constant 16 : i32
      %mul3A_238 = arith.muli %scan3A_230, %mul3A_237 : i32
      %get3A_239 = arith.index_cast %mul3A_238 : i32 to index
      %get3A_240 = tpu.vector_load %arg9[%get3A_239] {strides = array<i32>} : memref<4096xf32, #tpu.memory_space<vmem>>, vector<16xf32>,
      tpu.vector_store_idx %arg5[%and3A_235], %broadcast_in_dim3A_5 {add = true} : memref<102144xf32, #tpu.memory_space<vmem>>[vector<16xi32>], vector<16xf32>,
      %add3A_241 = arith.addi %shift_right_logical3A_236, %broadcast_in_dim3A_11 : vector<16xi32>
      tpu.vector_store_idx %arg5[%add3A_241], %broadcast_in_dim3A_5 {add = true} : memref<102144xf32, #tpu.memory_space<vmem>>[vector<16xi32>], vector<16xf32>,
      %add3A_242 = arith.addi %and3A_235, %broadcast_in_dim3A_13 : vector<16xi32>
      tpu.vector_store_idx %arg5[%add3A_242], %get3A_240 {add = true} : memref<102144xf32, #tpu.memory_space<vmem>>[vector<16xi32>], vector<16xf32>,
      %scan3A_243 = arith.constant 6 : i32
      %scan3A_244 = arith.addi %scan3A_163, %scan3A_243 : i32
      %mul3A_245 = arith.constant 16 : i32
      %mul3A_246 = arith.muli %scan3A_244, %mul3A_245 : i32
      %get3A_247 = arith.index_cast %mul3A_246 : i32 to index
      %get3A_248 = tpu.vector_load %arg7[%get3A_247] {strides = array<i32>} : memref<4096xi32, #tpu.memory_space<vmem>>, vector<16xi32>,
      %and3A_249 = arith.andi %get3A_248, %broadcast_in_dim3A_7 : vector<16xi32>
      %shift_right_logical3A_250 = arith.shrui %get3A_248, %broadcast_in_dim3A_9 : vector<16xi32>
      %mul3A_251 = arith.constant 16 : i32
      %mul3A_252 = arith.muli %scan3A_244, %mul3A_251 : i32
      %get3A_253 = arith.index_cast %mul3A_252 : i32 to index
      %get3A_254 = tpu.vector_load %arg9[%get3A_253] {strides = array<i32>} : memref<4096xf32, #tpu.memory_space<vmem>>, vector<16xf32>,
      tpu.vector_store_idx %arg5[%and3A_249], %broadcast_in_dim3A_5 {add = true} : memref<102144xf32, #tpu.memory_space<vmem>>[vector<16xi32>], vector<16xf32>,
      %add3A_255 = arith.addi %shift_right_logical3A_250, %broadcast_in_dim3A_11 : vector<16xi32>
      tpu.vector_store_idx %arg5[%add3A_255], %broadcast_in_dim3A_5 {add = true} : memref<102144xf32, #tpu.memory_space<vmem>>[vector<16xi32>], vector<16xf32>,
      %add3A_256 = arith.addi %and3A_249, %broadcast_in_dim3A_13 : vector<16xi32>
      tpu.vector_store_idx %arg5[%add3A_256], %get3A_254 {add = true} : memref<102144xf32, #tpu.memory_space<vmem>>[vector<16xi32>], vector<16xf32>,
      %scan3A_257 = arith.constant 7 : i32
      %scan3A_258 = arith.addi %scan3A_163, %scan3A_257 : i32
      %mul3A_259 = arith.constant 16 : i32
      %mul3A_260 = arith.muli %scan3A_258, %mul3A_259 : i32
      %get3A_261 = arith.index_cast %mul3A_260 : i32 to index
      %get3A_262 = tpu.vector_load %arg7[%get3A_261] {strides = array<i32>} : memref<4096xi32, #tpu.memory_space<vmem>>, vector<16xi32>,
      %and3A_263 = arith.andi %get3A_262, %broadcast_in_dim3A_7 : vector<16xi32>
      %shift_right_logical3A_264 = arith.shrui %get3A_262, %broadcast_in_dim3A_9 : vector<16xi32>
      %mul3A_265 = arith.constant 16 : i32
      %mul3A_266 = arith.muli %scan3A_258, %mul3A_265 : i32
      %get3A_267 = arith.index_cast %mul3A_266 : i32 to index
      %get3A_268 = tpu.vector_load %arg9[%get3A_267] {strides = array<i32>} : memref<4096xf32, #tpu.memory_space<vmem>>, vector<16xf32>,
      tpu.vector_store_idx %arg5[%and3A_263], %broadcast_in_dim3A_5 {add = true} : memref<102144xf32, #tpu.memory_space<vmem>>[vector<16xi32>], vector<16xf32>,
      %add3A_269 = arith.addi %shift_right_logical3A_264, %broadcast_in_dim3A_11 : vector<16xi32>
      tpu.vector_store_idx %arg5[%add3A_269], %broadcast_in_dim3A_5 {add = true} : memref<102144xf32, #tpu.memory_space<vmem>>[vector<16xi32>], vector<16xf32>,
      %add3A_270 = arith.addi %and3A_263, %broadcast_in_dim3A_13 : vector<16xi32>
      tpu.vector_store_idx %arg5[%add3A_270], %get3A_268 {add = true} : memref<102144xf32, #tpu.memory_space<vmem>>[vector<16xi32>], vector<16xf32>,
    }
    %scan3A_96 = arith.constant 256 : i32
    %add3A_97 = arith.constant 20480 : i32
    %add3A_98 = arith.addi %mul3A_2, %add3A_97 : i32
    %dma_start3A_99 = tpu.memref_slice %arg2[%add3A_98] : memref<1048576xi32, #tpu.memory_space<hbm>> -> memref<4096xi32, #tpu.memory_space<hbm>>
    %dma_start3A_100 = tpu.memref_slice %arg2[%add3A_98] : memref<1048576xi32, #tpu.memory_space<hbm>> -> memref<4096xi32, #tpu.memory_space<hbm>>
    tpu.enqueue_dma source(%dma_start3A_100 : memref<4096xi32, #tpu.memory_space<hbm>>) target(%arg7 : memref<4096xi32, #tpu.memory_space<vmem>>) target_semaphore(%arg11 : memref<!tpu.dma_semaphore, #tpu.memory_space<semaphore_mem>>)
    %add3A_101 = arith.constant 20480 : i32
    %add3A_102 = arith.addi %mul3A_2, %add3A_101 : i32
    %dma_start3A_103 = tpu.memref_slice %arg3[%add3A_102] : memref<1048576xf32, #tpu.memory_space<hbm>> -> memref<4096xf32, #tpu.memory_space<hbm>>
    %dma_start3A_104 = tpu.memref_slice %arg3[%add3A_102] : memref<1048576xf32, #tpu.memory_space<hbm>> -> memref<4096xf32, #tpu.memory_space<hbm>>
    tpu.enqueue_dma source(%dma_start3A_104 : memref<4096xf32, #tpu.memory_space<hbm>>) target(%arg9 : memref<4096xf32, #tpu.memory_space<vmem>>) target_semaphore(%arg11 : memref<!tpu.dma_semaphore, #tpu.memory_space<semaphore_mem>>)
    %dma_wait3A_105 = tpu.memref_slice %arg2[%add3A_80] : memref<1048576xi32, #tpu.memory_space<hbm>> -> memref<4096xi32, #tpu.memory_space<hbm>>
    %dma_wait3A_106 = tpu.memref_slice %arg2[%add3A_80] : memref<1048576xi32, #tpu.memory_space<hbm>> -> memref<4096xi32, #tpu.memory_space<hbm>>
    tpu.wait_dma2 semaphore(%arg10 : memref<!tpu.dma_semaphore, #tpu.memory_space<semaphore_mem>>) src(%dma_wait3A_106 : memref<4096xi32, #tpu.memory_space<hbm>>) dst(%arg6 : memref<4096xi32, #tpu.memory_space<vmem>>)
    %dma_wait3A_107 = tpu.memref_slice %arg3[%add3A_84] : memref<1048576xf32, #tpu.memory_space<hbm>> -> memref<4096xf32, #tpu.memory_space<hbm>>
    %dma_wait3A_108 = tpu.memref_slice %arg3[%add3A_84] : memref<1048576xf32, #tpu.memory_space<hbm>> -> memref<4096xf32, #tpu.memory_space<hbm>>
    tpu.wait_dma2 semaphore(%arg10 : memref<!tpu.dma_semaphore, #tpu.memory_space<semaphore_mem>>) src(%dma_wait3A_108 : memref<4096xf32, #tpu.memory_space<hbm>>) dst(%arg8 : memref<4096xf32, #tpu.memory_space<vmem>>)
    %scan3A_109 = arith.constant 0 : i32
    %scan3A_110 = arith.constant 0 : i32
    %scan3A_111 = arith.constant 256 : i32
    %scan3A_112 = arith.addi %scan3A_110, %scan3A_111 : i32
    %scan3A_113 = arith.constant 8 : i32
    scf.for %scan3A_163 = %scan3A_110 to %scan3A_112 step %scan3A_113  : i32 {
      %mul3A_164 = arith.constant 16 : i32
      %mul3A_165 = arith.muli %scan3A_163, %mul3A_164 : i32
      %get3A = arith.index_cast %mul3A_165 : i32 to index
      %get3A_166 = tpu.vector_load %arg6[%get3A] {strides = array<i32>} : memref<4096xi32, #tpu.memory_space<vmem>>, vector<16xi32>,
      %and3A = arith.andi %get3A_166, %broadcast_in_dim3A_7 : vector<16xi32>
      %shift_right_logical3A = arith.shrui %get3A_166, %broadcast_in_dim3A_9 : vector<16xi32>
      %mul3A_167 = arith.constant 16 : i32
      %mul3A_168 = arith.muli %scan3A_163, %mul3A_167 : i32
      %get3A_169 = arith.index_cast %mul3A_168 : i32 to index
      %get3A_170 = tpu.vector_load %arg8[%get3A_169] {strides = array<i32>} : memref<4096xf32, #tpu.memory_space<vmem>>, vector<16xf32>,
      tpu.vector_store_idx %arg5[%and3A], %broadcast_in_dim3A_5 {add = true} : memref<102144xf32, #tpu.memory_space<vmem>>[vector<16xi32>], vector<16xf32>,
      %add3A_171 = arith.addi %shift_right_logical3A, %broadcast_in_dim3A_11 : vector<16xi32>
      tpu.vector_store_idx %arg5[%add3A_171], %broadcast_in_dim3A_5 {add = true} : memref<102144xf32, #tpu.memory_space<vmem>>[vector<16xi32>], vector<16xf32>,
      %add3A_172 = arith.addi %and3A, %broadcast_in_dim3A_13 : vector<16xi32>
      tpu.vector_store_idx %arg5[%add3A_172], %get3A_170 {add = true} : memref<102144xf32, #tpu.memory_space<vmem>>[vector<16xi32>], vector<16xf32>,
      %scan3A_173 = arith.constant 1 : i32
      %scan3A_174 = arith.addi %scan3A_163, %scan3A_173 : i32
      %mul3A_175 = arith.constant 16 : i32
      %mul3A_176 = arith.muli %scan3A_174, %mul3A_175 : i32
      %get3A_177 = arith.index_cast %mul3A_176 : i32 to index
      %get3A_178 = tpu.vector_load %arg6[%get3A_177] {strides = array<i32>} : memref<4096xi32, #tpu.memory_space<vmem>>, vector<16xi32>,
      %and3A_179 = arith.andi %get3A_178, %broadcast_in_dim3A_7 : vector<16xi32>
      %shift_right_logical3A_180 = arith.shrui %get3A_178, %broadcast_in_dim3A_9 : vector<16xi32>
      %mul3A_181 = arith.constant 16 : i32
      %mul3A_182 = arith.muli %scan3A_174, %mul3A_181 : i32
      %get3A_183 = arith.index_cast %mul3A_182 : i32 to index
      %get3A_184 = tpu.vector_load %arg8[%get3A_183] {strides = array<i32>} : memref<4096xf32, #tpu.memory_space<vmem>>, vector<16xf32>,
      tpu.vector_store_idx %arg5[%and3A_179], %broadcast_in_dim3A_5 {add = true} : memref<102144xf32, #tpu.memory_space<vmem>>[vector<16xi32>], vector<16xf32>,
      %add3A_185 = arith.addi %shift_right_logical3A_180, %broadcast_in_dim3A_11 : vector<16xi32>
      tpu.vector_store_idx %arg5[%add3A_185], %broadcast_in_dim3A_5 {add = true} : memref<102144xf32, #tpu.memory_space<vmem>>[vector<16xi32>], vector<16xf32>,
      %add3A_186 = arith.addi %and3A_179, %broadcast_in_dim3A_13 : vector<16xi32>
      tpu.vector_store_idx %arg5[%add3A_186], %get3A_184 {add = true} : memref<102144xf32, #tpu.memory_space<vmem>>[vector<16xi32>], vector<16xf32>,
      %scan3A_187 = arith.constant 2 : i32
      %scan3A_188 = arith.addi %scan3A_163, %scan3A_187 : i32
      %mul3A_189 = arith.constant 16 : i32
      %mul3A_190 = arith.muli %scan3A_188, %mul3A_189 : i32
      %get3A_191 = arith.index_cast %mul3A_190 : i32 to index
      %get3A_192 = tpu.vector_load %arg6[%get3A_191] {strides = array<i32>} : memref<4096xi32, #tpu.memory_space<vmem>>, vector<16xi32>,
      %and3A_193 = arith.andi %get3A_192, %broadcast_in_dim3A_7 : vector<16xi32>
      %shift_right_logical3A_194 = arith.shrui %get3A_192, %broadcast_in_dim3A_9 : vector<16xi32>
      %mul3A_195 = arith.constant 16 : i32
      %mul3A_196 = arith.muli %scan3A_188, %mul3A_195 : i32
      %get3A_197 = arith.index_cast %mul3A_196 : i32 to index
      %get3A_198 = tpu.vector_load %arg8[%get3A_197] {strides = array<i32>} : memref<4096xf32, #tpu.memory_space<vmem>>, vector<16xf32>,
      tpu.vector_store_idx %arg5[%and3A_193], %broadcast_in_dim3A_5 {add = true} : memref<102144xf32, #tpu.memory_space<vmem>>[vector<16xi32>], vector<16xf32>,
      %add3A_199 = arith.addi %shift_right_logical3A_194, %broadcast_in_dim3A_11 : vector<16xi32>
      tpu.vector_store_idx %arg5[%add3A_199], %broadcast_in_dim3A_5 {add = true} : memref<102144xf32, #tpu.memory_space<vmem>>[vector<16xi32>], vector<16xf32>,
      %add3A_200 = arith.addi %and3A_193, %broadcast_in_dim3A_13 : vector<16xi32>
      tpu.vector_store_idx %arg5[%add3A_200], %get3A_198 {add = true} : memref<102144xf32, #tpu.memory_space<vmem>>[vector<16xi32>], vector<16xf32>,
      %scan3A_201 = arith.constant 3 : i32
      %scan3A_202 = arith.addi %scan3A_163, %scan3A_201 : i32
      %mul3A_203 = arith.constant 16 : i32
      %mul3A_204 = arith.muli %scan3A_202, %mul3A_203 : i32
      %get3A_205 = arith.index_cast %mul3A_204 : i32 to index
      %get3A_206 = tpu.vector_load %arg6[%get3A_205] {strides = array<i32>} : memref<4096xi32, #tpu.memory_space<vmem>>, vector<16xi32>,
      %and3A_207 = arith.andi %get3A_206, %broadcast_in_dim3A_7 : vector<16xi32>
      %shift_right_logical3A_208 = arith.shrui %get3A_206, %broadcast_in_dim3A_9 : vector<16xi32>
      %mul3A_209 = arith.constant 16 : i32
      %mul3A_210 = arith.muli %scan3A_202, %mul3A_209 : i32
      %get3A_211 = arith.index_cast %mul3A_210 : i32 to index
      %get3A_212 = tpu.vector_load %arg8[%get3A_211] {strides = array<i32>} : memref<4096xf32, #tpu.memory_space<vmem>>, vector<16xf32>,
      tpu.vector_store_idx %arg5[%and3A_207], %broadcast_in_dim3A_5 {add = true} : memref<102144xf32, #tpu.memory_space<vmem>>[vector<16xi32>], vector<16xf32>,
      %add3A_213 = arith.addi %shift_right_logical3A_208, %broadcast_in_dim3A_11 : vector<16xi32>
      tpu.vector_store_idx %arg5[%add3A_213], %broadcast_in_dim3A_5 {add = true} : memref<102144xf32, #tpu.memory_space<vmem>>[vector<16xi32>], vector<16xf32>,
      %add3A_214 = arith.addi %and3A_207, %broadcast_in_dim3A_13 : vector<16xi32>
      tpu.vector_store_idx %arg5[%add3A_214], %get3A_212 {add = true} : memref<102144xf32, #tpu.memory_space<vmem>>[vector<16xi32>], vector<16xf32>,
      %scan3A_215 = arith.constant 4 : i32
      %scan3A_216 = arith.addi %scan3A_163, %scan3A_215 : i32
      %mul3A_217 = arith.constant 16 : i32
      %mul3A_218 = arith.muli %scan3A_216, %mul3A_217 : i32
      %get3A_219 = arith.index_cast %mul3A_218 : i32 to index
      %get3A_220 = tpu.vector_load %arg6[%get3A_219] {strides = array<i32>} : memref<4096xi32, #tpu.memory_space<vmem>>, vector<16xi32>,
      %and3A_221 = arith.andi %get3A_220, %broadcast_in_dim3A_7 : vector<16xi32>
      %shift_right_logical3A_222 = arith.shrui %get3A_220, %broadcast_in_dim3A_9 : vector<16xi32>
      %mul3A_223 = arith.constant 16 : i32
      %mul3A_224 = arith.muli %scan3A_216, %mul3A_223 : i32
      %get3A_225 = arith.index_cast %mul3A_224 : i32 to index
      %get3A_226 = tpu.vector_load %arg8[%get3A_225] {strides = array<i32>} : memref<4096xf32, #tpu.memory_space<vmem>>, vector<16xf32>,
      tpu.vector_store_idx %arg5[%and3A_221], %broadcast_in_dim3A_5 {add = true} : memref<102144xf32, #tpu.memory_space<vmem>>[vector<16xi32>], vector<16xf32>,
      %add3A_227 = arith.addi %shift_right_logical3A_222, %broadcast_in_dim3A_11 : vector<16xi32>
      tpu.vector_store_idx %arg5[%add3A_227], %broadcast_in_dim3A_5 {add = true} : memref<102144xf32, #tpu.memory_space<vmem>>[vector<16xi32>], vector<16xf32>,
      %add3A_228 = arith.addi %and3A_221, %broadcast_in_dim3A_13 : vector<16xi32>
      tpu.vector_store_idx %arg5[%add3A_228], %get3A_226 {add = true} : memref<102144xf32, #tpu.memory_space<vmem>>[vector<16xi32>], vector<16xf32>,
      %scan3A_229 = arith.constant 5 : i32
      %scan3A_230 = arith.addi %scan3A_163, %scan3A_229 : i32
      %mul3A_231 = arith.constant 16 : i32
      %mul3A_232 = arith.muli %scan3A_230, %mul3A_231 : i32
      %get3A_233 = arith.index_cast %mul3A_232 : i32 to index
      %get3A_234 = tpu.vector_load %arg6[%get3A_233] {strides = array<i32>} : memref<4096xi32, #tpu.memory_space<vmem>>, vector<16xi32>,
      %and3A_235 = arith.andi %get3A_234, %broadcast_in_dim3A_7 : vector<16xi32>
      %shift_right_logical3A_236 = arith.shrui %get3A_234, %broadcast_in_dim3A_9 : vector<16xi32>
      %mul3A_237 = arith.constant 16 : i32
      %mul3A_238 = arith.muli %scan3A_230, %mul3A_237 : i32
      %get3A_239 = arith.index_cast %mul3A_238 : i32 to index
      %get3A_240 = tpu.vector_load %arg8[%get3A_239] {strides = array<i32>} : memref<4096xf32, #tpu.memory_space<vmem>>, vector<16xf32>,
      tpu.vector_store_idx %arg5[%and3A_235], %broadcast_in_dim3A_5 {add = true} : memref<102144xf32, #tpu.memory_space<vmem>>[vector<16xi32>], vector<16xf32>,
      %add3A_241 = arith.addi %shift_right_logical3A_236, %broadcast_in_dim3A_11 : vector<16xi32>
      tpu.vector_store_idx %arg5[%add3A_241], %broadcast_in_dim3A_5 {add = true} : memref<102144xf32, #tpu.memory_space<vmem>>[vector<16xi32>], vector<16xf32>,
      %add3A_242 = arith.addi %and3A_235, %broadcast_in_dim3A_13 : vector<16xi32>
      tpu.vector_store_idx %arg5[%add3A_242], %get3A_240 {add = true} : memref<102144xf32, #tpu.memory_space<vmem>>[vector<16xi32>], vector<16xf32>,
      %scan3A_243 = arith.constant 6 : i32
      %scan3A_244 = arith.addi %scan3A_163, %scan3A_243 : i32
      %mul3A_245 = arith.constant 16 : i32
      %mul3A_246 = arith.muli %scan3A_244, %mul3A_245 : i32
      %get3A_247 = arith.index_cast %mul3A_246 : i32 to index
      %get3A_248 = tpu.vector_load %arg6[%get3A_247] {strides = array<i32>} : memref<4096xi32, #tpu.memory_space<vmem>>, vector<16xi32>,
      %and3A_249 = arith.andi %get3A_248, %broadcast_in_dim3A_7 : vector<16xi32>
      %shift_right_logical3A_250 = arith.shrui %get3A_248, %broadcast_in_dim3A_9 : vector<16xi32>
      %mul3A_251 = arith.constant 16 : i32
      %mul3A_252 = arith.muli %scan3A_244, %mul3A_251 : i32
      %get3A_253 = arith.index_cast %mul3A_252 : i32 to index
      %get3A_254 = tpu.vector_load %arg8[%get3A_253] {strides = array<i32>} : memref<4096xf32, #tpu.memory_space<vmem>>, vector<16xf32>,
      tpu.vector_store_idx %arg5[%and3A_249], %broadcast_in_dim3A_5 {add = true} : memref<102144xf32, #tpu.memory_space<vmem>>[vector<16xi32>], vector<16xf32>,
      %add3A_255 = arith.addi %shift_right_logical3A_250, %broadcast_in_dim3A_11 : vector<16xi32>
      tpu.vector_store_idx %arg5[%add3A_255], %broadcast_in_dim3A_5 {add = true} : memref<102144xf32, #tpu.memory_space<vmem>>[vector<16xi32>], vector<16xf32>,
      %add3A_256 = arith.addi %and3A_249, %broadcast_in_dim3A_13 : vector<16xi32>
      tpu.vector_store_idx %arg5[%add3A_256], %get3A_254 {add = true} : memref<102144xf32, #tpu.memory_space<vmem>>[vector<16xi32>], vector<16xf32>,
      %scan3A_257 = arith.constant 7 : i32
      %scan3A_258 = arith.addi %scan3A_163, %scan3A_257 : i32
      %mul3A_259 = arith.constant 16 : i32
      %mul3A_260 = arith.muli %scan3A_258, %mul3A_259 : i32
      %get3A_261 = arith.index_cast %mul3A_260 : i32 to index
      %get3A_262 = tpu.vector_load %arg6[%get3A_261] {strides = array<i32>} : memref<4096xi32, #tpu.memory_space<vmem>>, vector<16xi32>,
      %and3A_263 = arith.andi %get3A_262, %broadcast_in_dim3A_7 : vector<16xi32>
      %shift_right_logical3A_264 = arith.shrui %get3A_262, %broadcast_in_dim3A_9 : vector<16xi32>
      %mul3A_265 = arith.constant 16 : i32
      %mul3A_266 = arith.muli %scan3A_258, %mul3A_265 : i32
      %get3A_267 = arith.index_cast %mul3A_266 : i32 to index
      %get3A_268 = tpu.vector_load %arg8[%get3A_267] {strides = array<i32>} : memref<4096xf32, #tpu.memory_space<vmem>>, vector<16xf32>,
      tpu.vector_store_idx %arg5[%and3A_263], %broadcast_in_dim3A_5 {add = true} : memref<102144xf32, #tpu.memory_space<vmem>>[vector<16xi32>], vector<16xf32>,
      %add3A_269 = arith.addi %shift_right_logical3A_264, %broadcast_in_dim3A_11 : vector<16xi32>
      tpu.vector_store_idx %arg5[%add3A_269], %broadcast_in_dim3A_5 {add = true} : memref<102144xf32, #tpu.memory_space<vmem>>[vector<16xi32>], vector<16xf32>,
      %add3A_270 = arith.addi %and3A_263, %broadcast_in_dim3A_13 : vector<16xi32>
      tpu.vector_store_idx %arg5[%add3A_270], %get3A_268 {add = true} : memref<102144xf32, #tpu.memory_space<vmem>>[vector<16xi32>], vector<16xf32>,
    }
    %scan3A_114 = arith.constant 256 : i32
    %add3A_115 = arith.constant 24576 : i32
    %add3A_116 = arith.addi %mul3A_2, %add3A_115 : i32
    %dma_start3A_117 = tpu.memref_slice %arg2[%add3A_116] : memref<1048576xi32, #tpu.memory_space<hbm>> -> memref<4096xi32, #tpu.memory_space<hbm>>
    %dma_start3A_118 = tpu.memref_slice %arg2[%add3A_116] : memref<1048576xi32, #tpu.memory_space<hbm>> -> memref<4096xi32, #tpu.memory_space<hbm>>
    tpu.enqueue_dma source(%dma_start3A_118 : memref<4096xi32, #tpu.memory_space<hbm>>) target(%arg6 : memref<4096xi32, #tpu.memory_space<vmem>>) target_semaphore(%arg10 : memref<!tpu.dma_semaphore, #tpu.memory_space<semaphore_mem>>)
    %add3A_119 = arith.constant 24576 : i32
    %add3A_120 = arith.addi %mul3A_2, %add3A_119 : i32
    %dma_start3A_121 = tpu.memref_slice %arg3[%add3A_120] : memref<1048576xf32, #tpu.memory_space<hbm>> -> memref<4096xf32, #tpu.memory_space<hbm>>
    %dma_start3A_122 = tpu.memref_slice %arg3[%add3A_120] : memref<1048576xf32, #tpu.memory_space<hbm>> -> memref<4096xf32, #tpu.memory_space<hbm>>
    tpu.enqueue_dma source(%dma_start3A_122 : memref<4096xf32, #tpu.memory_space<hbm>>) target(%arg8 : memref<4096xf32, #tpu.memory_space<vmem>>) target_semaphore(%arg10 : memref<!tpu.dma_semaphore, #tpu.memory_space<semaphore_mem>>)
    %dma_wait3A_123 = tpu.memref_slice %arg2[%add3A_98] : memref<1048576xi32, #tpu.memory_space<hbm>> -> memref<4096xi32, #tpu.memory_space<hbm>>
    %dma_wait3A_124 = tpu.memref_slice %arg2[%add3A_98] : memref<1048576xi32, #tpu.memory_space<hbm>> -> memref<4096xi32, #tpu.memory_space<hbm>>
    tpu.wait_dma2 semaphore(%arg11 : memref<!tpu.dma_semaphore, #tpu.memory_space<semaphore_mem>>) src(%dma_wait3A_124 : memref<4096xi32, #tpu.memory_space<hbm>>) dst(%arg7 : memref<4096xi32, #tpu.memory_space<vmem>>)
    %dma_wait3A_125 = tpu.memref_slice %arg3[%add3A_102] : memref<1048576xf32, #tpu.memory_space<hbm>> -> memref<4096xf32, #tpu.memory_space<hbm>>
    %dma_wait3A_126 = tpu.memref_slice %arg3[%add3A_102] : memref<1048576xf32, #tpu.memory_space<hbm>> -> memref<4096xf32, #tpu.memory_space<hbm>>
    tpu.wait_dma2 semaphore(%arg11 : memref<!tpu.dma_semaphore, #tpu.memory_space<semaphore_mem>>) src(%dma_wait3A_126 : memref<4096xf32, #tpu.memory_space<hbm>>) dst(%arg9 : memref<4096xf32, #tpu.memory_space<vmem>>)
    %scan3A_127 = arith.constant 0 : i32
    %scan3A_128 = arith.constant 0 : i32
    %scan3A_129 = arith.constant 256 : i32
    %scan3A_130 = arith.addi %scan3A_128, %scan3A_129 : i32
    %scan3A_131 = arith.constant 8 : i32
    scf.for %scan3A_163 = %scan3A_128 to %scan3A_130 step %scan3A_131  : i32 {
      %mul3A_164 = arith.constant 16 : i32
      %mul3A_165 = arith.muli %scan3A_163, %mul3A_164 : i32
      %get3A = arith.index_cast %mul3A_165 : i32 to index
      %get3A_166 = tpu.vector_load %arg7[%get3A] {strides = array<i32>} : memref<4096xi32, #tpu.memory_space<vmem>>, vector<16xi32>,
      %and3A = arith.andi %get3A_166, %broadcast_in_dim3A_7 : vector<16xi32>
      %shift_right_logical3A = arith.shrui %get3A_166, %broadcast_in_dim3A_9 : vector<16xi32>
      %mul3A_167 = arith.constant 16 : i32
      %mul3A_168 = arith.muli %scan3A_163, %mul3A_167 : i32
      %get3A_169 = arith.index_cast %mul3A_168 : i32 to index
      %get3A_170 = tpu.vector_load %arg9[%get3A_169] {strides = array<i32>} : memref<4096xf32, #tpu.memory_space<vmem>>, vector<16xf32>,
      tpu.vector_store_idx %arg5[%and3A], %broadcast_in_dim3A_5 {add = true} : memref<102144xf32, #tpu.memory_space<vmem>>[vector<16xi32>], vector<16xf32>,
      %add3A_171 = arith.addi %shift_right_logical3A, %broadcast_in_dim3A_11 : vector<16xi32>
      tpu.vector_store_idx %arg5[%add3A_171], %broadcast_in_dim3A_5 {add = true} : memref<102144xf32, #tpu.memory_space<vmem>>[vector<16xi32>], vector<16xf32>,
      %add3A_172 = arith.addi %and3A, %broadcast_in_dim3A_13 : vector<16xi32>
      tpu.vector_store_idx %arg5[%add3A_172], %get3A_170 {add = true} : memref<102144xf32, #tpu.memory_space<vmem>>[vector<16xi32>], vector<16xf32>,
      %scan3A_173 = arith.constant 1 : i32
      %scan3A_174 = arith.addi %scan3A_163, %scan3A_173 : i32
      %mul3A_175 = arith.constant 16 : i32
      %mul3A_176 = arith.muli %scan3A_174, %mul3A_175 : i32
      %get3A_177 = arith.index_cast %mul3A_176 : i32 to index
      %get3A_178 = tpu.vector_load %arg7[%get3A_177] {strides = array<i32>} : memref<4096xi32, #tpu.memory_space<vmem>>, vector<16xi32>,
      %and3A_179 = arith.andi %get3A_178, %broadcast_in_dim3A_7 : vector<16xi32>
      %shift_right_logical3A_180 = arith.shrui %get3A_178, %broadcast_in_dim3A_9 : vector<16xi32>
      %mul3A_181 = arith.constant 16 : i32
      %mul3A_182 = arith.muli %scan3A_174, %mul3A_181 : i32
      %get3A_183 = arith.index_cast %mul3A_182 : i32 to index
      %get3A_184 = tpu.vector_load %arg9[%get3A_183] {strides = array<i32>} : memref<4096xf32, #tpu.memory_space<vmem>>, vector<16xf32>,
      tpu.vector_store_idx %arg5[%and3A_179], %broadcast_in_dim3A_5 {add = true} : memref<102144xf32, #tpu.memory_space<vmem>>[vector<16xi32>], vector<16xf32>,
      %add3A_185 = arith.addi %shift_right_logical3A_180, %broadcast_in_dim3A_11 : vector<16xi32>
      tpu.vector_store_idx %arg5[%add3A_185], %broadcast_in_dim3A_5 {add = true} : memref<102144xf32, #tpu.memory_space<vmem>>[vector<16xi32>], vector<16xf32>,
      %add3A_186 = arith.addi %and3A_179, %broadcast_in_dim3A_13 : vector<16xi32>
      tpu.vector_store_idx %arg5[%add3A_186], %get3A_184 {add = true} : memref<102144xf32, #tpu.memory_space<vmem>>[vector<16xi32>], vector<16xf32>,
      %scan3A_187 = arith.constant 2 : i32
      %scan3A_188 = arith.addi %scan3A_163, %scan3A_187 : i32
      %mul3A_189 = arith.constant 16 : i32
      %mul3A_190 = arith.muli %scan3A_188, %mul3A_189 : i32
      %get3A_191 = arith.index_cast %mul3A_190 : i32 to index
      %get3A_192 = tpu.vector_load %arg7[%get3A_191] {strides = array<i32>} : memref<4096xi32, #tpu.memory_space<vmem>>, vector<16xi32>,
      %and3A_193 = arith.andi %get3A_192, %broadcast_in_dim3A_7 : vector<16xi32>
      %shift_right_logical3A_194 = arith.shrui %get3A_192, %broadcast_in_dim3A_9 : vector<16xi32>
      %mul3A_195 = arith.constant 16 : i32
      %mul3A_196 = arith.muli %scan3A_188, %mul3A_195 : i32
      %get3A_197 = arith.index_cast %mul3A_196 : i32 to index
      %get3A_198 = tpu.vector_load %arg9[%get3A_197] {strides = array<i32>} : memref<4096xf32, #tpu.memory_space<vmem>>, vector<16xf32>,
      tpu.vector_store_idx %arg5[%and3A_193], %broadcast_in_dim3A_5 {add = true} : memref<102144xf32, #tpu.memory_space<vmem>>[vector<16xi32>], vector<16xf32>,
      %add3A_199 = arith.addi %shift_right_logical3A_194, %broadcast_in_dim3A_11 : vector<16xi32>
      tpu.vector_store_idx %arg5[%add3A_199], %broadcast_in_dim3A_5 {add = true} : memref<102144xf32, #tpu.memory_space<vmem>>[vector<16xi32>], vector<16xf32>,
      %add3A_200 = arith.addi %and3A_193, %broadcast_in_dim3A_13 : vector<16xi32>
      tpu.vector_store_idx %arg5[%add3A_200], %get3A_198 {add = true} : memref<102144xf32, #tpu.memory_space<vmem>>[vector<16xi32>], vector<16xf32>,
      %scan3A_201 = arith.constant 3 : i32
      %scan3A_202 = arith.addi %scan3A_163, %scan3A_201 : i32
      %mul3A_203 = arith.constant 16 : i32
      %mul3A_204 = arith.muli %scan3A_202, %mul3A_203 : i32
      %get3A_205 = arith.index_cast %mul3A_204 : i32 to index
      %get3A_206 = tpu.vector_load %arg7[%get3A_205] {strides = array<i32>} : memref<4096xi32, #tpu.memory_space<vmem>>, vector<16xi32>,
      %and3A_207 = arith.andi %get3A_206, %broadcast_in_dim3A_7 : vector<16xi32>
      %shift_right_logical3A_208 = arith.shrui %get3A_206, %broadcast_in_dim3A_9 : vector<16xi32>
      %mul3A_209 = arith.constant 16 : i32
      %mul3A_210 = arith.muli %scan3A_202, %mul3A_209 : i32
      %get3A_211 = arith.index_cast %mul3A_210 : i32 to index
      %get3A_212 = tpu.vector_load %arg9[%get3A_211] {strides = array<i32>} : memref<4096xf32, #tpu.memory_space<vmem>>, vector<16xf32>,
      tpu.vector_store_idx %arg5[%and3A_207], %broadcast_in_dim3A_5 {add = true} : memref<102144xf32, #tpu.memory_space<vmem>>[vector<16xi32>], vector<16xf32>,
      %add3A_213 = arith.addi %shift_right_logical3A_208, %broadcast_in_dim3A_11 : vector<16xi32>
      tpu.vector_store_idx %arg5[%add3A_213], %broadcast_in_dim3A_5 {add = true} : memref<102144xf32, #tpu.memory_space<vmem>>[vector<16xi32>], vector<16xf32>,
      %add3A_214 = arith.addi %and3A_207, %broadcast_in_dim3A_13 : vector<16xi32>
      tpu.vector_store_idx %arg5[%add3A_214], %get3A_212 {add = true} : memref<102144xf32, #tpu.memory_space<vmem>>[vector<16xi32>], vector<16xf32>,
      %scan3A_215 = arith.constant 4 : i32
      %scan3A_216 = arith.addi %scan3A_163, %scan3A_215 : i32
      %mul3A_217 = arith.constant 16 : i32
      %mul3A_218 = arith.muli %scan3A_216, %mul3A_217 : i32
      %get3A_219 = arith.index_cast %mul3A_218 : i32 to index
      %get3A_220 = tpu.vector_load %arg7[%get3A_219] {strides = array<i32>} : memref<4096xi32, #tpu.memory_space<vmem>>, vector<16xi32>,
      %and3A_221 = arith.andi %get3A_220, %broadcast_in_dim3A_7 : vector<16xi32>
      %shift_right_logical3A_222 = arith.shrui %get3A_220, %broadcast_in_dim3A_9 : vector<16xi32>
      %mul3A_223 = arith.constant 16 : i32
      %mul3A_224 = arith.muli %scan3A_216, %mul3A_223 : i32
      %get3A_225 = arith.index_cast %mul3A_224 : i32 to index
      %get3A_226 = tpu.vector_load %arg9[%get3A_225] {strides = array<i32>} : memref<4096xf32, #tpu.memory_space<vmem>>, vector<16xf32>,
      tpu.vector_store_idx %arg5[%and3A_221], %broadcast_in_dim3A_5 {add = true} : memref<102144xf32, #tpu.memory_space<vmem>>[vector<16xi32>], vector<16xf32>,
      %add3A_227 = arith.addi %shift_right_logical3A_222, %broadcast_in_dim3A_11 : vector<16xi32>
      tpu.vector_store_idx %arg5[%add3A_227], %broadcast_in_dim3A_5 {add = true} : memref<102144xf32, #tpu.memory_space<vmem>>[vector<16xi32>], vector<16xf32>,
      %add3A_228 = arith.addi %and3A_221, %broadcast_in_dim3A_13 : vector<16xi32>
      tpu.vector_store_idx %arg5[%add3A_228], %get3A_226 {add = true} : memref<102144xf32, #tpu.memory_space<vmem>>[vector<16xi32>], vector<16xf32>,
      %scan3A_229 = arith.constant 5 : i32
      %scan3A_230 = arith.addi %scan3A_163, %scan3A_229 : i32
      %mul3A_231 = arith.constant 16 : i32
      %mul3A_232 = arith.muli %scan3A_230, %mul3A_231 : i32
      %get3A_233 = arith.index_cast %mul3A_232 : i32 to index
      %get3A_234 = tpu.vector_load %arg7[%get3A_233] {strides = array<i32>} : memref<4096xi32, #tpu.memory_space<vmem>>, vector<16xi32>,
      %and3A_235 = arith.andi %get3A_234, %broadcast_in_dim3A_7 : vector<16xi32>
      %shift_right_logical3A_236 = arith.shrui %get3A_234, %broadcast_in_dim3A_9 : vector<16xi32>
      %mul3A_237 = arith.constant 16 : i32
      %mul3A_238 = arith.muli %scan3A_230, %mul3A_237 : i32
      %get3A_239 = arith.index_cast %mul3A_238 : i32 to index
      %get3A_240 = tpu.vector_load %arg9[%get3A_239] {strides = array<i32>} : memref<4096xf32, #tpu.memory_space<vmem>>, vector<16xf32>,
      tpu.vector_store_idx %arg5[%and3A_235], %broadcast_in_dim3A_5 {add = true} : memref<102144xf32, #tpu.memory_space<vmem>>[vector<16xi32>], vector<16xf32>,
      %add3A_241 = arith.addi %shift_right_logical3A_236, %broadcast_in_dim3A_11 : vector<16xi32>
      tpu.vector_store_idx %arg5[%add3A_241], %broadcast_in_dim3A_5 {add = true} : memref<102144xf32, #tpu.memory_space<vmem>>[vector<16xi32>], vector<16xf32>,
      %add3A_242 = arith.addi %and3A_235, %broadcast_in_dim3A_13 : vector<16xi32>
      tpu.vector_store_idx %arg5[%add3A_242], %get3A_240 {add = true} : memref<102144xf32, #tpu.memory_space<vmem>>[vector<16xi32>], vector<16xf32>,
      %scan3A_243 = arith.constant 6 : i32
      %scan3A_244 = arith.addi %scan3A_163, %scan3A_243 : i32
      %mul3A_245 = arith.constant 16 : i32
      %mul3A_246 = arith.muli %scan3A_244, %mul3A_245 : i32
      %get3A_247 = arith.index_cast %mul3A_246 : i32 to index
      %get3A_248 = tpu.vector_load %arg7[%get3A_247] {strides = array<i32>} : memref<4096xi32, #tpu.memory_space<vmem>>, vector<16xi32>,
      %and3A_249 = arith.andi %get3A_248, %broadcast_in_dim3A_7 : vector<16xi32>
      %shift_right_logical3A_250 = arith.shrui %get3A_248, %broadcast_in_dim3A_9 : vector<16xi32>
      %mul3A_251 = arith.constant 16 : i32
      %mul3A_252 = arith.muli %scan3A_244, %mul3A_251 : i32
      %get3A_253 = arith.index_cast %mul3A_252 : i32 to index
      %get3A_254 = tpu.vector_load %arg9[%get3A_253] {strides = array<i32>} : memref<4096xf32, #tpu.memory_space<vmem>>, vector<16xf32>,
      tpu.vector_store_idx %arg5[%and3A_249], %broadcast_in_dim3A_5 {add = true} : memref<102144xf32, #tpu.memory_space<vmem>>[vector<16xi32>], vector<16xf32>,
      %add3A_255 = arith.addi %shift_right_logical3A_250, %broadcast_in_dim3A_11 : vector<16xi32>
      tpu.vector_store_idx %arg5[%add3A_255], %broadcast_in_dim3A_5 {add = true} : memref<102144xf32, #tpu.memory_space<vmem>>[vector<16xi32>], vector<16xf32>,
      %add3A_256 = arith.addi %and3A_249, %broadcast_in_dim3A_13 : vector<16xi32>
      tpu.vector_store_idx %arg5[%add3A_256], %get3A_254 {add = true} : memref<102144xf32, #tpu.memory_space<vmem>>[vector<16xi32>], vector<16xf32>,
      %scan3A_257 = arith.constant 7 : i32
      %scan3A_258 = arith.addi %scan3A_163, %scan3A_257 : i32
      %mul3A_259 = arith.constant 16 : i32
      %mul3A_260 = arith.muli %scan3A_258, %mul3A_259 : i32
      %get3A_261 = arith.index_cast %mul3A_260 : i32 to index
      %get3A_262 = tpu.vector_load %arg7[%get3A_261] {strides = array<i32>} : memref<4096xi32, #tpu.memory_space<vmem>>, vector<16xi32>,
      %and3A_263 = arith.andi %get3A_262, %broadcast_in_dim3A_7 : vector<16xi32>
      %shift_right_logical3A_264 = arith.shrui %get3A_262, %broadcast_in_dim3A_9 : vector<16xi32>
      %mul3A_265 = arith.constant 16 : i32
      %mul3A_266 = arith.muli %scan3A_258, %mul3A_265 : i32
      %get3A_267 = arith.index_cast %mul3A_266 : i32 to index
      %get3A_268 = tpu.vector_load %arg9[%get3A_267] {strides = array<i32>} : memref<4096xf32, #tpu.memory_space<vmem>>, vector<16xf32>,
      tpu.vector_store_idx %arg5[%and3A_263], %broadcast_in_dim3A_5 {add = true} : memref<102144xf32, #tpu.memory_space<vmem>>[vector<16xi32>], vector<16xf32>,
      %add3A_269 = arith.addi %shift_right_logical3A_264, %broadcast_in_dim3A_11 : vector<16xi32>
      tpu.vector_store_idx %arg5[%add3A_269], %broadcast_in_dim3A_5 {add = true} : memref<102144xf32, #tpu.memory_space<vmem>>[vector<16xi32>], vector<16xf32>,
      %add3A_270 = arith.addi %and3A_263, %broadcast_in_dim3A_13 : vector<16xi32>
      tpu.vector_store_idx %arg5[%add3A_270], %get3A_268 {add = true} : memref<102144xf32, #tpu.memory_space<vmem>>[vector<16xi32>], vector<16xf32>,
    }
    %scan3A_132 = arith.constant 256 : i32
    %add3A_133 = arith.constant 28672 : i32
    %add3A_134 = arith.addi %mul3A_2, %add3A_133 : i32
    %dma_start3A_135 = tpu.memref_slice %arg2[%add3A_134] : memref<1048576xi32, #tpu.memory_space<hbm>> -> memref<4096xi32, #tpu.memory_space<hbm>>
    %dma_start3A_136 = tpu.memref_slice %arg2[%add3A_134] : memref<1048576xi32, #tpu.memory_space<hbm>> -> memref<4096xi32, #tpu.memory_space<hbm>>
    tpu.enqueue_dma source(%dma_start3A_136 : memref<4096xi32, #tpu.memory_space<hbm>>) target(%arg7 : memref<4096xi32, #tpu.memory_space<vmem>>) target_semaphore(%arg11 : memref<!tpu.dma_semaphore, #tpu.memory_space<semaphore_mem>>)
    %add3A_137 = arith.constant 28672 : i32
    %add3A_138 = arith.addi %mul3A_2, %add3A_137 : i32
    %dma_start3A_139 = tpu.memref_slice %arg3[%add3A_138] : memref<1048576xf32, #tpu.memory_space<hbm>> -> memref<4096xf32, #tpu.memory_space<hbm>>
    %dma_start3A_140 = tpu.memref_slice %arg3[%add3A_138] : memref<1048576xf32, #tpu.memory_space<hbm>> -> memref<4096xf32, #tpu.memory_space<hbm>>
    tpu.enqueue_dma source(%dma_start3A_140 : memref<4096xf32, #tpu.memory_space<hbm>>) target(%arg9 : memref<4096xf32, #tpu.memory_space<vmem>>) target_semaphore(%arg11 : memref<!tpu.dma_semaphore, #tpu.memory_space<semaphore_mem>>)
    %dma_wait3A_141 = tpu.memref_slice %arg2[%add3A_116] : memref<1048576xi32, #tpu.memory_space<hbm>> -> memref<4096xi32, #tpu.memory_space<hbm>>
    %dma_wait3A_142 = tpu.memref_slice %arg2[%add3A_116] : memref<1048576xi32, #tpu.memory_space<hbm>> -> memref<4096xi32, #tpu.memory_space<hbm>>
    tpu.wait_dma2 semaphore(%arg10 : memref<!tpu.dma_semaphore, #tpu.memory_space<semaphore_mem>>) src(%dma_wait3A_142 : memref<4096xi32, #tpu.memory_space<hbm>>) dst(%arg6 : memref<4096xi32, #tpu.memory_space<vmem>>)
    %dma_wait3A_143 = tpu.memref_slice %arg3[%add3A_120] : memref<1048576xf32, #tpu.memory_space<hbm>> -> memref<4096xf32, #tpu.memory_space<hbm>>
    %dma_wait3A_144 = tpu.memref_slice %arg3[%add3A_120] : memref<1048576xf32, #tpu.memory_space<hbm>> -> memref<4096xf32, #tpu.memory_space<hbm>>
    tpu.wait_dma2 semaphore(%arg10 : memref<!tpu.dma_semaphore, #tpu.memory_space<semaphore_mem>>) src(%dma_wait3A_144 : memref<4096xf32, #tpu.memory_space<hbm>>) dst(%arg8 : memref<4096xf32, #tpu.memory_space<vmem>>)
    %scan3A_145 = arith.constant 0 : i32
    %scan3A_146 = arith.constant 0 : i32
    %scan3A_147 = arith.constant 256 : i32
    %scan3A_148 = arith.addi %scan3A_146, %scan3A_147 : i32
    %scan3A_149 = arith.constant 8 : i32
    scf.for %scan3A_163 = %scan3A_146 to %scan3A_148 step %scan3A_149  : i32 {
      %mul3A_164 = arith.constant 16 : i32
      %mul3A_165 = arith.muli %scan3A_163, %mul3A_164 : i32
      %get3A = arith.index_cast %mul3A_165 : i32 to index
      %get3A_166 = tpu.vector_load %arg6[%get3A] {strides = array<i32>} : memref<4096xi32, #tpu.memory_space<vmem>>, vector<16xi32>,
      %and3A = arith.andi %get3A_166, %broadcast_in_dim3A_7 : vector<16xi32>
      %shift_right_logical3A = arith.shrui %get3A_166, %broadcast_in_dim3A_9 : vector<16xi32>
      %mul3A_167 = arith.constant 16 : i32
      %mul3A_168 = arith.muli %scan3A_163, %mul3A_167 : i32
      %get3A_169 = arith.index_cast %mul3A_168 : i32 to index
      %get3A_170 = tpu.vector_load %arg8[%get3A_169] {strides = array<i32>} : memref<4096xf32, #tpu.memory_space<vmem>>, vector<16xf32>,
      tpu.vector_store_idx %arg5[%and3A], %broadcast_in_dim3A_5 {add = true} : memref<102144xf32, #tpu.memory_space<vmem>>[vector<16xi32>], vector<16xf32>,
      %add3A_171 = arith.addi %shift_right_logical3A, %broadcast_in_dim3A_11 : vector<16xi32>
      tpu.vector_store_idx %arg5[%add3A_171], %broadcast_in_dim3A_5 {add = true} : memref<102144xf32, #tpu.memory_space<vmem>>[vector<16xi32>], vector<16xf32>,
      %add3A_172 = arith.addi %and3A, %broadcast_in_dim3A_13 : vector<16xi32>
      tpu.vector_store_idx %arg5[%add3A_172], %get3A_170 {add = true} : memref<102144xf32, #tpu.memory_space<vmem>>[vector<16xi32>], vector<16xf32>,
      %scan3A_173 = arith.constant 1 : i32
      %scan3A_174 = arith.addi %scan3A_163, %scan3A_173 : i32
      %mul3A_175 = arith.constant 16 : i32
      %mul3A_176 = arith.muli %scan3A_174, %mul3A_175 : i32
      %get3A_177 = arith.index_cast %mul3A_176 : i32 to index
      %get3A_178 = tpu.vector_load %arg6[%get3A_177] {strides = array<i32>} : memref<4096xi32, #tpu.memory_space<vmem>>, vector<16xi32>,
      %and3A_179 = arith.andi %get3A_178, %broadcast_in_dim3A_7 : vector<16xi32>
      %shift_right_logical3A_180 = arith.shrui %get3A_178, %broadcast_in_dim3A_9 : vector<16xi32>
      %mul3A_181 = arith.constant 16 : i32
      %mul3A_182 = arith.muli %scan3A_174, %mul3A_181 : i32
      %get3A_183 = arith.index_cast %mul3A_182 : i32 to index
      %get3A_184 = tpu.vector_load %arg8[%get3A_183] {strides = array<i32>} : memref<4096xf32, #tpu.memory_space<vmem>>, vector<16xf32>,
      tpu.vector_store_idx %arg5[%and3A_179], %broadcast_in_dim3A_5 {add = true} : memref<102144xf32, #tpu.memory_space<vmem>>[vector<16xi32>], vector<16xf32>,
      %add3A_185 = arith.addi %shift_right_logical3A_180, %broadcast_in_dim3A_11 : vector<16xi32>
      tpu.vector_store_idx %arg5[%add3A_185], %broadcast_in_dim3A_5 {add = true} : memref<102144xf32, #tpu.memory_space<vmem>>[vector<16xi32>], vector<16xf32>,
      %add3A_186 = arith.addi %and3A_179, %broadcast_in_dim3A_13 : vector<16xi32>
      tpu.vector_store_idx %arg5[%add3A_186], %get3A_184 {add = true} : memref<102144xf32, #tpu.memory_space<vmem>>[vector<16xi32>], vector<16xf32>,
      %scan3A_187 = arith.constant 2 : i32
      %scan3A_188 = arith.addi %scan3A_163, %scan3A_187 : i32
      %mul3A_189 = arith.constant 16 : i32
      %mul3A_190 = arith.muli %scan3A_188, %mul3A_189 : i32
      %get3A_191 = arith.index_cast %mul3A_190 : i32 to index
      %get3A_192 = tpu.vector_load %arg6[%get3A_191] {strides = array<i32>} : memref<4096xi32, #tpu.memory_space<vmem>>, vector<16xi32>,
      %and3A_193 = arith.andi %get3A_192, %broadcast_in_dim3A_7 : vector<16xi32>
      %shift_right_logical3A_194 = arith.shrui %get3A_192, %broadcast_in_dim3A_9 : vector<16xi32>
      %mul3A_195 = arith.constant 16 : i32
      %mul3A_196 = arith.muli %scan3A_188, %mul3A_195 : i32
      %get3A_197 = arith.index_cast %mul3A_196 : i32 to index
      %get3A_198 = tpu.vector_load %arg8[%get3A_197] {strides = array<i32>} : memref<4096xf32, #tpu.memory_space<vmem>>, vector<16xf32>,
      tpu.vector_store_idx %arg5[%and3A_193], %broadcast_in_dim3A_5 {add = true} : memref<102144xf32, #tpu.memory_space<vmem>>[vector<16xi32>], vector<16xf32>,
      %add3A_199 = arith.addi %shift_right_logical3A_194, %broadcast_in_dim3A_11 : vector<16xi32>
      tpu.vector_store_idx %arg5[%add3A_199], %broadcast_in_dim3A_5 {add = true} : memref<102144xf32, #tpu.memory_space<vmem>>[vector<16xi32>], vector<16xf32>,
      %add3A_200 = arith.addi %and3A_193, %broadcast_in_dim3A_13 : vector<16xi32>
      tpu.vector_store_idx %arg5[%add3A_200], %get3A_198 {add = true} : memref<102144xf32, #tpu.memory_space<vmem>>[vector<16xi32>], vector<16xf32>,
      %scan3A_201 = arith.constant 3 : i32
      %scan3A_202 = arith.addi %scan3A_163, %scan3A_201 : i32
      %mul3A_203 = arith.constant 16 : i32
      %mul3A_204 = arith.muli %scan3A_202, %mul3A_203 : i32
      %get3A_205 = arith.index_cast %mul3A_204 : i32 to index
      %get3A_206 = tpu.vector_load %arg6[%get3A_205] {strides = array<i32>} : memref<4096xi32, #tpu.memory_space<vmem>>, vector<16xi32>,
      %and3A_207 = arith.andi %get3A_206, %broadcast_in_dim3A_7 : vector<16xi32>
      %shift_right_logical3A_208 = arith.shrui %get3A_206, %broadcast_in_dim3A_9 : vector<16xi32>
      %mul3A_209 = arith.constant 16 : i32
      %mul3A_210 = arith.muli %scan3A_202, %mul3A_209 : i32
      %get3A_211 = arith.index_cast %mul3A_210 : i32 to index
      %get3A_212 = tpu.vector_load %arg8[%get3A_211] {strides = array<i32>} : memref<4096xf32, #tpu.memory_space<vmem>>, vector<16xf32>,
      tpu.vector_store_idx %arg5[%and3A_207], %broadcast_in_dim3A_5 {add = true} : memref<102144xf32, #tpu.memory_space<vmem>>[vector<16xi32>], vector<16xf32>,
      %add3A_213 = arith.addi %shift_right_logical3A_208, %broadcast_in_dim3A_11 : vector<16xi32>
      tpu.vector_store_idx %arg5[%add3A_213], %broadcast_in_dim3A_5 {add = true} : memref<102144xf32, #tpu.memory_space<vmem>>[vector<16xi32>], vector<16xf32>,
      %add3A_214 = arith.addi %and3A_207, %broadcast_in_dim3A_13 : vector<16xi32>
      tpu.vector_store_idx %arg5[%add3A_214], %get3A_212 {add = true} : memref<102144xf32, #tpu.memory_space<vmem>>[vector<16xi32>], vector<16xf32>,
      %scan3A_215 = arith.constant 4 : i32
      %scan3A_216 = arith.addi %scan3A_163, %scan3A_215 : i32
      %mul3A_217 = arith.constant 16 : i32
      %mul3A_218 = arith.muli %scan3A_216, %mul3A_217 : i32
      %get3A_219 = arith.index_cast %mul3A_218 : i32 to index
      %get3A_220 = tpu.vector_load %arg6[%get3A_219] {strides = array<i32>} : memref<4096xi32, #tpu.memory_space<vmem>>, vector<16xi32>,
      %and3A_221 = arith.andi %get3A_220, %broadcast_in_dim3A_7 : vector<16xi32>
      %shift_right_logical3A_222 = arith.shrui %get3A_220, %broadcast_in_dim3A_9 : vector<16xi32>
      %mul3A_223 = arith.constant 16 : i32
      %mul3A_224 = arith.muli %scan3A_216, %mul3A_223 : i32
      %get3A_225 = arith.index_cast %mul3A_224 : i32 to index
      %get3A_226 = tpu.vector_load %arg8[%get3A_225] {strides = array<i32>} : memref<4096xf32, #tpu.memory_space<vmem>>, vector<16xf32>,
      tpu.vector_store_idx %arg5[%and3A_221], %broadcast_in_dim3A_5 {add = true} : memref<102144xf32, #tpu.memory_space<vmem>>[vector<16xi32>], vector<16xf32>,
      %add3A_227 = arith.addi %shift_right_logical3A_222, %broadcast_in_dim3A_11 : vector<16xi32>
      tpu.vector_store_idx %arg5[%add3A_227], %broadcast_in_dim3A_5 {add = true} : memref<102144xf32, #tpu.memory_space<vmem>>[vector<16xi32>], vector<16xf32>,
      %add3A_228 = arith.addi %and3A_221, %broadcast_in_dim3A_13 : vector<16xi32>
      tpu.vector_store_idx %arg5[%add3A_228], %get3A_226 {add = true} : memref<102144xf32, #tpu.memory_space<vmem>>[vector<16xi32>], vector<16xf32>,
      %scan3A_229 = arith.constant 5 : i32
      %scan3A_230 = arith.addi %scan3A_163, %scan3A_229 : i32
      %mul3A_231 = arith.constant 16 : i32
      %mul3A_232 = arith.muli %scan3A_230, %mul3A_231 : i32
      %get3A_233 = arith.index_cast %mul3A_232 : i32 to index
      %get3A_234 = tpu.vector_load %arg6[%get3A_233] {strides = array<i32>} : memref<4096xi32, #tpu.memory_space<vmem>>, vector<16xi32>,
      %and3A_235 = arith.andi %get3A_234, %broadcast_in_dim3A_7 : vector<16xi32>
      %shift_right_logical3A_236 = arith.shrui %get3A_234, %broadcast_in_dim3A_9 : vector<16xi32>
      %mul3A_237 = arith.constant 16 : i32
      %mul3A_238 = arith.muli %scan3A_230, %mul3A_237 : i32
      %get3A_239 = arith.index_cast %mul3A_238 : i32 to index
      %get3A_240 = tpu.vector_load %arg8[%get3A_239] {strides = array<i32>} : memref<4096xf32, #tpu.memory_space<vmem>>, vector<16xf32>,
      tpu.vector_store_idx %arg5[%and3A_235], %broadcast_in_dim3A_5 {add = true} : memref<102144xf32, #tpu.memory_space<vmem>>[vector<16xi32>], vector<16xf32>,
      %add3A_241 = arith.addi %shift_right_logical3A_236, %broadcast_in_dim3A_11 : vector<16xi32>
      tpu.vector_store_idx %arg5[%add3A_241], %broadcast_in_dim3A_5 {add = true} : memref<102144xf32, #tpu.memory_space<vmem>>[vector<16xi32>], vector<16xf32>,
      %add3A_242 = arith.addi %and3A_235, %broadcast_in_dim3A_13 : vector<16xi32>
      tpu.vector_store_idx %arg5[%add3A_242], %get3A_240 {add = true} : memref<102144xf32, #tpu.memory_space<vmem>>[vector<16xi32>], vector<16xf32>,
      %scan3A_243 = arith.constant 6 : i32
      %scan3A_244 = arith.addi %scan3A_163, %scan3A_243 : i32
      %mul3A_245 = arith.constant 16 : i32
      %mul3A_246 = arith.muli %scan3A_244, %mul3A_245 : i32
      %get3A_247 = arith.index_cast %mul3A_246 : i32 to index
      %get3A_248 = tpu.vector_load %arg6[%get3A_247] {strides = array<i32>} : memref<4096xi32, #tpu.memory_space<vmem>>, vector<16xi32>,
      %and3A_249 = arith.andi %get3A_248, %broadcast_in_dim3A_7 : vector<16xi32>
      %shift_right_logical3A_250 = arith.shrui %get3A_248, %broadcast_in_dim3A_9 : vector<16xi32>
      %mul3A_251 = arith.constant 16 : i32
      %mul3A_252 = arith.muli %scan3A_244, %mul3A_251 : i32
      %get3A_253 = arith.index_cast %mul3A_252 : i32 to index
      %get3A_254 = tpu.vector_load %arg8[%get3A_253] {strides = array<i32>} : memref<4096xf32, #tpu.memory_space<vmem>>, vector<16xf32>,
      tpu.vector_store_idx %arg5[%and3A_249], %broadcast_in_dim3A_5 {add = true} : memref<102144xf32, #tpu.memory_space<vmem>>[vector<16xi32>], vector<16xf32>,
      %add3A_255 = arith.addi %shift_right_logical3A_250, %broadcast_in_dim3A_11 : vector<16xi32>
      tpu.vector_store_idx %arg5[%add3A_255], %broadcast_in_dim3A_5 {add = true} : memref<102144xf32, #tpu.memory_space<vmem>>[vector<16xi32>], vector<16xf32>,
      %add3A_256 = arith.addi %and3A_249, %broadcast_in_dim3A_13 : vector<16xi32>
      tpu.vector_store_idx %arg5[%add3A_256], %get3A_254 {add = true} : memref<102144xf32, #tpu.memory_space<vmem>>[vector<16xi32>], vector<16xf32>,
      %scan3A_257 = arith.constant 7 : i32
      %scan3A_258 = arith.addi %scan3A_163, %scan3A_257 : i32
      %mul3A_259 = arith.constant 16 : i32
      %mul3A_260 = arith.muli %scan3A_258, %mul3A_259 : i32
      %get3A_261 = arith.index_cast %mul3A_260 : i32 to index
      %get3A_262 = tpu.vector_load %arg6[%get3A_261] {strides = array<i32>} : memref<4096xi32, #tpu.memory_space<vmem>>, vector<16xi32>,
      %and3A_263 = arith.andi %get3A_262, %broadcast_in_dim3A_7 : vector<16xi32>
      %shift_right_logical3A_264 = arith.shrui %get3A_262, %broadcast_in_dim3A_9 : vector<16xi32>
      %mul3A_265 = arith.constant 16 : i32
      %mul3A_266 = arith.muli %scan3A_258, %mul3A_265 : i32
      %get3A_267 = arith.index_cast %mul3A_266 : i32 to index
      %get3A_268 = tpu.vector_load %arg8[%get3A_267] {strides = array<i32>} : memref<4096xf32, #tpu.memory_space<vmem>>, vector<16xf32>,
      tpu.vector_store_idx %arg5[%and3A_263], %broadcast_in_dim3A_5 {add = true} : memref<102144xf32, #tpu.memory_space<vmem>>[vector<16xi32>], vector<16xf32>,
      %add3A_269 = arith.addi %shift_right_logical3A_264, %broadcast_in_dim3A_11 : vector<16xi32>
      tpu.vector_store_idx %arg5[%add3A_269], %broadcast_in_dim3A_5 {add = true} : memref<102144xf32, #tpu.memory_space<vmem>>[vector<16xi32>], vector<16xf32>,
      %add3A_270 = arith.addi %and3A_263, %broadcast_in_dim3A_13 : vector<16xi32>
      tpu.vector_store_idx %arg5[%add3A_270], %get3A_268 {add = true} : memref<102144xf32, #tpu.memory_space<vmem>>[vector<16xi32>], vector<16xf32>,
    }
    %scan3A_150 = arith.constant 256 : i32
    %dma_wait3A_151 = tpu.memref_slice %arg2[%add3A_134] : memref<1048576xi32, #tpu.memory_space<hbm>> -> memref<4096xi32, #tpu.memory_space<hbm>>
    %dma_wait3A_152 = tpu.memref_slice %arg2[%add3A_134] : memref<1048576xi32, #tpu.memory_space<hbm>> -> memref<4096xi32, #tpu.memory_space<hbm>>
    tpu.wait_dma2 semaphore(%arg11 : memref<!tpu.dma_semaphore, #tpu.memory_space<semaphore_mem>>) src(%dma_wait3A_152 : memref<4096xi32, #tpu.memory_space<hbm>>) dst(%arg7 : memref<4096xi32, #tpu.memory_space<vmem>>)
    %dma_wait3A_153 = tpu.memref_slice %arg3[%add3A_138] : memref<1048576xf32, #tpu.memory_space<hbm>> -> memref<4096xf32, #tpu.memory_space<hbm>>
    %dma_wait3A_154 = tpu.memref_slice %arg3[%add3A_138] : memref<1048576xf32, #tpu.memory_space<hbm>> -> memref<4096xf32, #tpu.memory_space<hbm>>
    tpu.wait_dma2 semaphore(%arg11 : memref<!tpu.dma_semaphore, #tpu.memory_space<semaphore_mem>>) src(%dma_wait3A_154 : memref<4096xf32, #tpu.memory_space<hbm>>) dst(%arg9 : memref<4096xf32, #tpu.memory_space<vmem>>)
    %scan3A_155 = arith.constant 0 : i32
    %scan3A_156 = arith.constant 0 : i32
    %scan3A_157 = arith.constant 256 : i32
    %scan3A_158 = arith.addi %scan3A_156, %scan3A_157 : i32
    %scan3A_159 = arith.constant 8 : i32
    scf.for %scan3A_163 = %scan3A_156 to %scan3A_158 step %scan3A_159  : i32 {
      %mul3A_164 = arith.constant 16 : i32
      %mul3A_165 = arith.muli %scan3A_163, %mul3A_164 : i32
      %get3A = arith.index_cast %mul3A_165 : i32 to index
      %get3A_166 = tpu.vector_load %arg7[%get3A] {strides = array<i32>} : memref<4096xi32, #tpu.memory_space<vmem>>, vector<16xi32>,
      %and3A = arith.andi %get3A_166, %broadcast_in_dim3A_7 : vector<16xi32>
      %shift_right_logical3A = arith.shrui %get3A_166, %broadcast_in_dim3A_9 : vector<16xi32>
      %mul3A_167 = arith.constant 16 : i32
      %mul3A_168 = arith.muli %scan3A_163, %mul3A_167 : i32
      %get3A_169 = arith.index_cast %mul3A_168 : i32 to index
      %get3A_170 = tpu.vector_load %arg9[%get3A_169] {strides = array<i32>} : memref<4096xf32, #tpu.memory_space<vmem>>, vector<16xf32>,
      tpu.vector_store_idx %arg5[%and3A], %broadcast_in_dim3A_5 {add = true} : memref<102144xf32, #tpu.memory_space<vmem>>[vector<16xi32>], vector<16xf32>,
      %add3A_171 = arith.addi %shift_right_logical3A, %broadcast_in_dim3A_11 : vector<16xi32>
      tpu.vector_store_idx %arg5[%add3A_171], %broadcast_in_dim3A_5 {add = true} : memref<102144xf32, #tpu.memory_space<vmem>>[vector<16xi32>], vector<16xf32>,
      %add3A_172 = arith.addi %and3A, %broadcast_in_dim3A_13 : vector<16xi32>
      tpu.vector_store_idx %arg5[%add3A_172], %get3A_170 {add = true} : memref<102144xf32, #tpu.memory_space<vmem>>[vector<16xi32>], vector<16xf32>,
      %scan3A_173 = arith.constant 1 : i32
      %scan3A_174 = arith.addi %scan3A_163, %scan3A_173 : i32
      %mul3A_175 = arith.constant 16 : i32
      %mul3A_176 = arith.muli %scan3A_174, %mul3A_175 : i32
      %get3A_177 = arith.index_cast %mul3A_176 : i32 to index
      %get3A_178 = tpu.vector_load %arg7[%get3A_177] {strides = array<i32>} : memref<4096xi32, #tpu.memory_space<vmem>>, vector<16xi32>,
      %and3A_179 = arith.andi %get3A_178, %broadcast_in_dim3A_7 : vector<16xi32>
      %shift_right_logical3A_180 = arith.shrui %get3A_178, %broadcast_in_dim3A_9 : vector<16xi32>
      %mul3A_181 = arith.constant 16 : i32
      %mul3A_182 = arith.muli %scan3A_174, %mul3A_181 : i32
      %get3A_183 = arith.index_cast %mul3A_182 : i32 to index
      %get3A_184 = tpu.vector_load %arg9[%get3A_183] {strides = array<i32>} : memref<4096xf32, #tpu.memory_space<vmem>>, vector<16xf32>,
      tpu.vector_store_idx %arg5[%and3A_179], %broadcast_in_dim3A_5 {add = true} : memref<102144xf32, #tpu.memory_space<vmem>>[vector<16xi32>], vector<16xf32>,
      %add3A_185 = arith.addi %shift_right_logical3A_180, %broadcast_in_dim3A_11 : vector<16xi32>
      tpu.vector_store_idx %arg5[%add3A_185], %broadcast_in_dim3A_5 {add = true} : memref<102144xf32, #tpu.memory_space<vmem>>[vector<16xi32>], vector<16xf32>,
      %add3A_186 = arith.addi %and3A_179, %broadcast_in_dim3A_13 : vector<16xi32>
      tpu.vector_store_idx %arg5[%add3A_186], %get3A_184 {add = true} : memref<102144xf32, #tpu.memory_space<vmem>>[vector<16xi32>], vector<16xf32>,
      %scan3A_187 = arith.constant 2 : i32
      %scan3A_188 = arith.addi %scan3A_163, %scan3A_187 : i32
      %mul3A_189 = arith.constant 16 : i32
      %mul3A_190 = arith.muli %scan3A_188, %mul3A_189 : i32
      %get3A_191 = arith.index_cast %mul3A_190 : i32 to index
      %get3A_192 = tpu.vector_load %arg7[%get3A_191] {strides = array<i32>} : memref<4096xi32, #tpu.memory_space<vmem>>, vector<16xi32>,
      %and3A_193 = arith.andi %get3A_192, %broadcast_in_dim3A_7 : vector<16xi32>
      %shift_right_logical3A_194 = arith.shrui %get3A_192, %broadcast_in_dim3A_9 : vector<16xi32>
      %mul3A_195 = arith.constant 16 : i32
      %mul3A_196 = arith.muli %scan3A_188, %mul3A_195 : i32
      %get3A_197 = arith.index_cast %mul3A_196 : i32 to index
      %get3A_198 = tpu.vector_load %arg9[%get3A_197] {strides = array<i32>} : memref<4096xf32, #tpu.memory_space<vmem>>, vector<16xf32>,
      tpu.vector_store_idx %arg5[%and3A_193], %broadcast_in_dim3A_5 {add = true} : memref<102144xf32, #tpu.memory_space<vmem>>[vector<16xi32>], vector<16xf32>,
      %add3A_199 = arith.addi %shift_right_logical3A_194, %broadcast_in_dim3A_11 : vector<16xi32>
      tpu.vector_store_idx %arg5[%add3A_199], %broadcast_in_dim3A_5 {add = true} : memref<102144xf32, #tpu.memory_space<vmem>>[vector<16xi32>], vector<16xf32>,
      %add3A_200 = arith.addi %and3A_193, %broadcast_in_dim3A_13 : vector<16xi32>
      tpu.vector_store_idx %arg5[%add3A_200], %get3A_198 {add = true} : memref<102144xf32, #tpu.memory_space<vmem>>[vector<16xi32>], vector<16xf32>,
      %scan3A_201 = arith.constant 3 : i32
      %scan3A_202 = arith.addi %scan3A_163, %scan3A_201 : i32
      %mul3A_203 = arith.constant 16 : i32
      %mul3A_204 = arith.muli %scan3A_202, %mul3A_203 : i32
      %get3A_205 = arith.index_cast %mul3A_204 : i32 to index
      %get3A_206 = tpu.vector_load %arg7[%get3A_205] {strides = array<i32>} : memref<4096xi32, #tpu.memory_space<vmem>>, vector<16xi32>,
      %and3A_207 = arith.andi %get3A_206, %broadcast_in_dim3A_7 : vector<16xi32>
      %shift_right_logical3A_208 = arith.shrui %get3A_206, %broadcast_in_dim3A_9 : vector<16xi32>
      %mul3A_209 = arith.constant 16 : i32
      %mul3A_210 = arith.muli %scan3A_202, %mul3A_209 : i32
      %get3A_211 = arith.index_cast %mul3A_210 : i32 to index
      %get3A_212 = tpu.vector_load %arg9[%get3A_211] {strides = array<i32>} : memref<4096xf32, #tpu.memory_space<vmem>>, vector<16xf32>,
      tpu.vector_store_idx %arg5[%and3A_207], %broadcast_in_dim3A_5 {add = true} : memref<102144xf32, #tpu.memory_space<vmem>>[vector<16xi32>], vector<16xf32>,
      %add3A_213 = arith.addi %shift_right_logical3A_208, %broadcast_in_dim3A_11 : vector<16xi32>
      tpu.vector_store_idx %arg5[%add3A_213], %broadcast_in_dim3A_5 {add = true} : memref<102144xf32, #tpu.memory_space<vmem>>[vector<16xi32>], vector<16xf32>,
      %add3A_214 = arith.addi %and3A_207, %broadcast_in_dim3A_13 : vector<16xi32>
      tpu.vector_store_idx %arg5[%add3A_214], %get3A_212 {add = true} : memref<102144xf32, #tpu.memory_space<vmem>>[vector<16xi32>], vector<16xf32>,
      %scan3A_215 = arith.constant 4 : i32
      %scan3A_216 = arith.addi %scan3A_163, %scan3A_215 : i32
      %mul3A_217 = arith.constant 16 : i32
      %mul3A_218 = arith.muli %scan3A_216, %mul3A_217 : i32
      %get3A_219 = arith.index_cast %mul3A_218 : i32 to index
      %get3A_220 = tpu.vector_load %arg7[%get3A_219] {strides = array<i32>} : memref<4096xi32, #tpu.memory_space<vmem>>, vector<16xi32>,
      %and3A_221 = arith.andi %get3A_220, %broadcast_in_dim3A_7 : vector<16xi32>
      %shift_right_logical3A_222 = arith.shrui %get3A_220, %broadcast_in_dim3A_9 : vector<16xi32>
      %mul3A_223 = arith.constant 16 : i32
      %mul3A_224 = arith.muli %scan3A_216, %mul3A_223 : i32
      %get3A_225 = arith.index_cast %mul3A_224 : i32 to index
      %get3A_226 = tpu.vector_load %arg9[%get3A_225] {strides = array<i32>} : memref<4096xf32, #tpu.memory_space<vmem>>, vector<16xf32>,
      tpu.vector_store_idx %arg5[%and3A_221], %broadcast_in_dim3A_5 {add = true} : memref<102144xf32, #tpu.memory_space<vmem>>[vector<16xi32>], vector<16xf32>,
      %add3A_227 = arith.addi %shift_right_logical3A_222, %broadcast_in_dim3A_11 : vector<16xi32>
      tpu.vector_store_idx %arg5[%add3A_227], %broadcast_in_dim3A_5 {add = true} : memref<102144xf32, #tpu.memory_space<vmem>>[vector<16xi32>], vector<16xf32>,
      %add3A_228 = arith.addi %and3A_221, %broadcast_in_dim3A_13 : vector<16xi32>
      tpu.vector_store_idx %arg5[%add3A_228], %get3A_226 {add = true} : memref<102144xf32, #tpu.memory_space<vmem>>[vector<16xi32>], vector<16xf32>,
      %scan3A_229 = arith.constant 5 : i32
      %scan3A_230 = arith.addi %scan3A_163, %scan3A_229 : i32
      %mul3A_231 = arith.constant 16 : i32
      %mul3A_232 = arith.muli %scan3A_230, %mul3A_231 : i32
      %get3A_233 = arith.index_cast %mul3A_232 : i32 to index
      %get3A_234 = tpu.vector_load %arg7[%get3A_233] {strides = array<i32>} : memref<4096xi32, #tpu.memory_space<vmem>>, vector<16xi32>,
      %and3A_235 = arith.andi %get3A_234, %broadcast_in_dim3A_7 : vector<16xi32>
      %shift_right_logical3A_236 = arith.shrui %get3A_234, %broadcast_in_dim3A_9 : vector<16xi32>
      %mul3A_237 = arith.constant 16 : i32
      %mul3A_238 = arith.muli %scan3A_230, %mul3A_237 : i32
      %get3A_239 = arith.index_cast %mul3A_238 : i32 to index
      %get3A_240 = tpu.vector_load %arg9[%get3A_239] {strides = array<i32>} : memref<4096xf32, #tpu.memory_space<vmem>>, vector<16xf32>,
      tpu.vector_store_idx %arg5[%and3A_235], %broadcast_in_dim3A_5 {add = true} : memref<102144xf32, #tpu.memory_space<vmem>>[vector<16xi32>], vector<16xf32>,
      %add3A_241 = arith.addi %shift_right_logical3A_236, %broadcast_in_dim3A_11 : vector<16xi32>
      tpu.vector_store_idx %arg5[%add3A_241], %broadcast_in_dim3A_5 {add = true} : memref<102144xf32, #tpu.memory_space<vmem>>[vector<16xi32>], vector<16xf32>,
      %add3A_242 = arith.addi %and3A_235, %broadcast_in_dim3A_13 : vector<16xi32>
      tpu.vector_store_idx %arg5[%add3A_242], %get3A_240 {add = true} : memref<102144xf32, #tpu.memory_space<vmem>>[vector<16xi32>], vector<16xf32>,
      %scan3A_243 = arith.constant 6 : i32
      %scan3A_244 = arith.addi %scan3A_163, %scan3A_243 : i32
      %mul3A_245 = arith.constant 16 : i32
      %mul3A_246 = arith.muli %scan3A_244, %mul3A_245 : i32
      %get3A_247 = arith.index_cast %mul3A_246 : i32 to index
      %get3A_248 = tpu.vector_load %arg7[%get3A_247] {strides = array<i32>} : memref<4096xi32, #tpu.memory_space<vmem>>, vector<16xi32>,
      %and3A_249 = arith.andi %get3A_248, %broadcast_in_dim3A_7 : vector<16xi32>
      %shift_right_logical3A_250 = arith.shrui %get3A_248, %broadcast_in_dim3A_9 : vector<16xi32>
      %mul3A_251 = arith.constant 16 : i32
      %mul3A_252 = arith.muli %scan3A_244, %mul3A_251 : i32
      %get3A_253 = arith.index_cast %mul3A_252 : i32 to index
      %get3A_254 = tpu.vector_load %arg9[%get3A_253] {strides = array<i32>} : memref<4096xf32, #tpu.memory_space<vmem>>, vector<16xf32>,
      tpu.vector_store_idx %arg5[%and3A_249], %broadcast_in_dim3A_5 {add = true} : memref<102144xf32, #tpu.memory_space<vmem>>[vector<16xi32>], vector<16xf32>,
      %add3A_255 = arith.addi %shift_right_logical3A_250, %broadcast_in_dim3A_11 : vector<16xi32>
      tpu.vector_store_idx %arg5[%add3A_255], %broadcast_in_dim3A_5 {add = true} : memref<102144xf32, #tpu.memory_space<vmem>>[vector<16xi32>], vector<16xf32>,
      %add3A_256 = arith.addi %and3A_249, %broadcast_in_dim3A_13 : vector<16xi32>
      tpu.vector_store_idx %arg5[%add3A_256], %get3A_254 {add = true} : memref<102144xf32, #tpu.memory_space<vmem>>[vector<16xi32>], vector<16xf32>,
      %scan3A_257 = arith.constant 7 : i32
      %scan3A_258 = arith.addi %scan3A_163, %scan3A_257 : i32
      %mul3A_259 = arith.constant 16 : i32
      %mul3A_260 = arith.muli %scan3A_258, %mul3A_259 : i32
      %get3A_261 = arith.index_cast %mul3A_260 : i32 to index
      %get3A_262 = tpu.vector_load %arg7[%get3A_261] {strides = array<i32>} : memref<4096xi32, #tpu.memory_space<vmem>>, vector<16xi32>,
      %and3A_263 = arith.andi %get3A_262, %broadcast_in_dim3A_7 : vector<16xi32>
      %shift_right_logical3A_264 = arith.shrui %get3A_262, %broadcast_in_dim3A_9 : vector<16xi32>
      %mul3A_265 = arith.constant 16 : i32
      %mul3A_266 = arith.muli %scan3A_258, %mul3A_265 : i32
      %get3A_267 = arith.index_cast %mul3A_266 : i32 to index
      %get3A_268 = tpu.vector_load %arg9[%get3A_267] {strides = array<i32>} : memref<4096xf32, #tpu.memory_space<vmem>>, vector<16xf32>,
      tpu.vector_store_idx %arg5[%and3A_263], %broadcast_in_dim3A_5 {add = true} : memref<102144xf32, #tpu.memory_space<vmem>>[vector<16xi32>], vector<16xf32>,
      %add3A_269 = arith.addi %shift_right_logical3A_264, %broadcast_in_dim3A_11 : vector<16xi32>
      tpu.vector_store_idx %arg5[%add3A_269], %broadcast_in_dim3A_5 {add = true} : memref<102144xf32, #tpu.memory_space<vmem>>[vector<16xi32>], vector<16xf32>,
      %add3A_270 = arith.addi %and3A_263, %broadcast_in_dim3A_13 : vector<16xi32>
      tpu.vector_store_idx %arg5[%add3A_270], %get3A_268 {add = true} : memref<102144xf32, #tpu.memory_space<vmem>>[vector<16xi32>], vector<16xf32>,
    }
    %scan3A_160 = arith.constant 256 : i32
    %mul3A_161 = arith.constant 102144 : i32
    %mul3A_162 = arith.muli %add3A, %mul3A_161 : i32
    "tpu.region"() ({
      %run_scoped3A = tpu.sem_alloc : memref<!tpu.dma_semaphore, #tpu.memory_space<semaphore_mem>>
      %dma_start3A_163 = tpu.memref_slice %arg4[%mul3A_162] : memref<3268608xf32, #tpu.memory_space<hbm>> -> memref<102144xf32, #tpu.memory_space<hbm>>
      %dma_start3A_164 = tpu.memref_slice %arg4[%mul3A_162] : memref<3268608xf32, #tpu.memory_space<hbm>> -> memref<102144xf32, #tpu.memory_space<hbm>>
      tpu.enqueue_dma source(%arg5 : memref<102144xf32, #tpu.memory_space<vmem>>) target(%dma_start3A_164 : memref<102144xf32, #tpu.memory_space<hbm>>) target_semaphore(%run_scoped3A : memref<!tpu.dma_semaphore, #tpu.memory_space<semaphore_mem>>)
      %dma_wait3A_165 = tpu.memref_slice %arg4[%mul3A_162] : memref<3268608xf32, #tpu.memory_space<hbm>> -> memref<102144xf32, #tpu.memory_space<hbm>>
      %dma_wait3A_166 = tpu.memref_slice %arg4[%mul3A_162] : memref<3268608xf32, #tpu.memory_space<hbm>> -> memref<102144xf32, #tpu.memory_space<hbm>>
      tpu.wait_dma2 semaphore(%run_scoped3A : memref<!tpu.dma_semaphore, #tpu.memory_space<semaphore_mem>>) src(%arg5 : memref<102144xf32, #tpu.memory_space<vmem>>) dst(%dma_wait3A_166 : memref<102144xf32, #tpu.memory_space<hbm>>)
      tpu.yield
    }) : () -> ()
    return
  }
}

module attributes {stable_mosaic.version = 14 : i64} {
  func.func @_pack_body(%arg0: i32, %arg1: i32, %arg2: memref<1x256x512xi32, #tpu.memory_space<vmem>>, %arg3: memref<1x256x512xi32, #tpu.memory_space<vmem>>, %arg4: memref<1x256x512xf32, #tpu.memory_space<vmem>>, %arg5: memref<1x256x512xi32, #tpu.memory_space<vmem>>) attributes {dimension_semantics = [#tpu.dimension_semantics<arbitrary>, #tpu.dimension_semantics<arbitrary>], iteration_bounds = array<i64: 4, 2>, scalar_prefetch = 0 : i64, scratch_operands = 0 : i64, tpu.core_type = #tpu.core_type<tc>, window_params = [{transform_indices = @transform_0, window_bounds = array<i64: 1, 256, 512>}, {transform_indices = @transform_1, window_bounds = array<i64: 1, 256, 512>}, {transform_indices = @transform_2, window_bounds = array<i64: 1, 256, 512>}, {transform_indices = @transform_3, window_bounds = array<i64: 1, 256, 512>}]} {
    %iota3A = tpu.iota {dimensions = array<i32: 0>} : vector<256x512xi32>
    %mul3A = arith.constant 256 : i32
    %mul3A_0 = arith.muli %arg1, %mul3A : i32
    %add3A = vector.broadcast %mul3A_0 : i32 to vector<256x512xi32>
    %add3A_1 = arith.addi %iota3A, %add3A : vector<256x512xi32>
    %iota3A_2 = tpu.iota {dimensions = array<i32: 1>} : vector<256x512xi32>
    %shift_right_arithmetic3A = arith.constant 6 : i32
    %shift_right_arithmetic3A_3 = vector.broadcast %shift_right_arithmetic3A : i32 to vector<256x512xi32>
    %shift_right_arithmetic3A_4 = arith.shrsi %add3A_1, %shift_right_arithmetic3A_3 : vector<256x512xi32>
    %shift_right_arithmetic3A_5 = arith.constant 6 : i32
    %shift_right_arithmetic3A_6 = vector.broadcast %shift_right_arithmetic3A_5 : i32 to vector<256x512xi32>
    %shift_right_arithmetic3A_7 = arith.shrsi %iota3A_2, %shift_right_arithmetic3A_6 : vector<256x512xi32>
    %and3A = arith.constant 63 : i32
    %and3A_8 = vector.broadcast %and3A : i32 to vector<256x512xi32>
    %and3A_9 = arith.andi %add3A_1, %and3A_8 : vector<256x512xi32>
    %lt3A = arith.constant 63 : i32
    %lt3A_10 = vector.broadcast %lt3A : i32 to vector<256x512xi32>
    %lt3A_11 = arith.cmpi slt, %and3A_9, %lt3A_10 : vector<256x512xi32>
    %and3A_12 = arith.constant 63 : i32
    %and3A_13 = vector.broadcast %and3A_12 : i32 to vector<256x512xi32>
    %and3A_14 = arith.andi %iota3A_2, %and3A_13 : vector<256x512xi32>
    %lt3A_15 = arith.constant 63 : i32
    %lt3A_16 = vector.broadcast %lt3A_15 : i32 to vector<256x512xi32>
    %lt3A_17 = arith.cmpi slt, %and3A_14, %lt3A_16 : vector<256x512xi32>
    %mul3A_18 = arith.constant 8 : i32
    %mul3A_19 = vector.broadcast %mul3A_18 : i32 to vector<256x512xi32>
    %mul3A_20 = arith.muli %shift_right_arithmetic3A_4, %mul3A_19 : vector<256x512xi32>
    %add3A_21 = arith.addi %mul3A_20, %shift_right_arithmetic3A_7 : vector<256x512xi32>
    %get3A = arith.constant 0 : index
    %get3A_22 = arith.constant 0 : index
    %get3A_23 = arith.constant 0 : index
    %get3A_24 = vector.load %arg4[%get3A, %get3A_22, %get3A_23] : memref<1x256x512xf32, #tpu.memory_space<vmem>>, vector<1x256x512xf32>
    %get3A_25 = vector.shape_cast %get3A_24 : vector<1x256x512xf32> to vector<256x512xf32>
    %get3A_26 = arith.constant 0 : index
    %get3A_27 = arith.constant 0 : index
    %get3A_28 = arith.constant 0 : index
    %get3A_29 = vector.load %arg3[%get3A_26, %get3A_27, %get3A_28] : memref<1x256x512xi32, #tpu.memory_space<vmem>>, vector<1x256x512xi32>
    %get3A_30 = vector.shape_cast %get3A_29 : vector<1x256x512xi32> to vector<256x512xi32>
    %get3A_31 = arith.constant 0 : index
    %get3A_32 = arith.constant 0 : index
    %get3A_33 = arith.constant 0 : index
    %get3A_34 = vector.load %arg2[%get3A_31, %get3A_32, %get3A_33] : memref<1x256x512xi32, #tpu.memory_space<vmem>>, vector<1x256x512xi32>
    %get3A_35 = vector.shape_cast %get3A_34 : vector<1x256x512xi32> to vector<256x512xi32>
    %div3A = arith.constant 1.000000e+01 : f32
    %div3A_36 = vector.broadcast %div3A : f32 to vector<256x512xf32>
    %div3A_37 = arith.divf %get3A_25, %div3A_36 : vector<256x512xf32>
    %floor3A = math.floor %div3A_37 : vector<256x512xf32>
    %convert_element_type3A = arith.fptosi %floor3A : vector<256x512xf32> to vector<256x512xi32>
    %jit3A = arith.constant 0 : i32
    %jit3A_38 = arith.constant 25 : i32
    %max3A = vector.broadcast %jit3A : i32 to vector<256x512xi32>
    %max3A_39 = arith.maxsi %max3A, %convert_element_type3A : vector<256x512xi32>
    %min3A = vector.broadcast %jit3A_38 : i32 to vector<256x512xi32>
    %min3A_40 = arith.minsi %min3A, %max3A_39 : vector<256x512xi32>
    %convert_element_type3A_41 = arith.sitofp %min3A_40 : vector<256x512xi32> to vector<256x512xf32>
    %mul3A_42 = arith.constant 1.000000e+01 : f32
    %mul3A_43 = vector.broadcast %mul3A_42 : f32 to vector<256x512xf32>
    %mul3A_44 = arith.mulf %convert_element_type3A_41, %mul3A_43 : vector<256x512xf32>
    %gt3A = arith.cmpf ogt, %get3A_25, %mul3A_44 : vector<256x512xf32>
    %mul3A_45 = arith.constant 1.000000e+01 : f32
    %mul3A_46 = vector.broadcast %mul3A_45 : f32 to vector<256x512xf32>
    %mul3A_47 = arith.mulf %convert_element_type3A_41, %mul3A_46 : vector<256x512xf32>
    %add3A_48 = arith.constant 9.000000e+00 : f32
    %add3A_49 = vector.broadcast %add3A_48 : f32 to vector<256x512xf32>
    %add3A_50 = arith.addf %mul3A_47, %add3A_49 : vector<256x512xf32>
    %lt3A_51 = arith.cmpf olt, %get3A_25, %add3A_50 : vector<256x512xf32>
    %and3A_52 = arith.andi %gt3A, %lt3A_51 : vector<256x512xi1>
    %ne3A = arith.constant 255 : i32
    %ne3A_53 = vector.broadcast %ne3A : i32 to vector<256x512xi32>
    %ne3A_54 = arith.cmpi ne, %get3A_30, %ne3A_53 : vector<256x512xi32>
    %and3A_55 = arith.andi %lt3A_11, %lt3A_17 : vector<256x512xi1>
    %and3A_56 = arith.andi %and3A_55, %ne3A_54 : vector<256x512xi1>
    %and3A_57 = arith.andi %and3A_56, %and3A_52 : vector<256x512xi1>
    %mul3A_58 = arith.constant 26 : i32
    %mul3A_59 = vector.broadcast %mul3A_58 : i32 to vector<256x512xi32>
    %mul3A_60 = arith.muli %add3A_21, %mul3A_59 : vector<256x512xi32>
    %add3A_61 = arith.addi %mul3A_60, %min3A_40 : vector<256x512xi32>
    %jit3A_62 = arith.constant 1664 : i32
    %broadcast_in_dim3A = vector.broadcast %jit3A_62 : i32 to vector<256x512xi32>
    %select_n3A = arith.select %and3A_57, %add3A_61, %broadcast_in_dim3A : vector<256x512xi1>, vector<256x512xi32>
    %jit3A_63 = arith.constant 0 : i32
    %jit3A_64 = arith.constant 18 : i32
    %max3A_65 = vector.broadcast %jit3A_63 : i32 to vector<256x512xi32>
    %max3A_66 = arith.maxsi %max3A_65, %get3A_30 : vector<256x512xi32>
    %min3A_67 = vector.broadcast %jit3A_64 : i32 to vector<256x512xi32>
    %min3A_68 = arith.minsi %min3A_67, %max3A_66 : vector<256x512xi32>
    %jit3A_69 = arith.constant 0 : i32
    %jit3A_70 = arith.constant 18 : i32
    %max3A_71 = vector.broadcast %jit3A_69 : i32 to vector<256x512xi32>
    %max3A_72 = arith.maxsi %max3A_71, %get3A_35 : vector<256x512xi32>
    %min3A_73 = vector.broadcast %jit3A_70 : i32 to vector<256x512xi32>
    %min3A_74 = arith.minsi %min3A_73, %max3A_72 : vector<256x512xi32>
    %mul3A_75 = arith.constant 1792 : i32
    %mul3A_76 = vector.broadcast %mul3A_75 : i32 to vector<256x512xi32>
    %mul3A_77 = arith.muli %min3A_68, %mul3A_76 : vector<256x512xi32>
    %add3A_78 = arith.addi %mul3A_77, %select_n3A : vector<256x512xi32>
    %mul3A_79 = arith.constant 1792 : i32
    %mul3A_80 = vector.broadcast %mul3A_79 : i32 to vector<256x512xi32>
    %mul3A_81 = arith.muli %min3A_74, %mul3A_80 : vector<256x512xi32>
    %add3A_82 = arith.addi %mul3A_81, %select_n3A : vector<256x512xi32>
    %shift_left3A = arith.constant 16 : i32
    %shift_left3A_83 = vector.broadcast %shift_left3A : i32 to vector<256x512xi32>
    %shift_left3A_84 = arith.shli %add3A_82, %shift_left3A_83 : vector<256x512xi32>
    %or3A = arith.ori %add3A_78, %shift_left3A_84 : vector<256x512xi32>
    %swap3A = arith.constant 0 : index
    %swap3A_85 = arith.constant 0 : index
    %swap3A_86 = arith.constant 0 : index
    %swap3A_87 = vector.load %arg5[%swap3A, %swap3A_85, %swap3A_86] : memref<1x256x512xi32, #tpu.memory_space<vmem>>, vector<1x256x512xi32>
    %swap3A_88 = vector.shape_cast %swap3A_87 : vector<1x256x512xi32> to vector<256x512xi32>
    %swap3A_89 = vector.shape_cast %or3A : vector<256x512xi32> to vector<1x256x512xi32>
    tpu.vector_store %arg5[%swap3A, %swap3A_85, %swap3A_86], %swap3A_89 {strides = array<i32>} : memref<1x256x512xi32, #tpu.memory_space<vmem>>, vector<1x256x512xi32>,
    return
  }
  func.func @transform_0(%arg0: i32, %arg1: i32) -> (i32, i32, i32) {
    %c0_i32 = arith.constant 0 : i32
    %c0_i32_0 = arith.constant 0 : i32
    return %arg0, %arg1, %c0_i32 : i32, i32, i32
  }
  func.func @transform_1(%arg0: i32, %arg1: i32) -> (i32, i32, i32) {
    %c0_i32 = arith.constant 0 : i32
    %c0_i32_0 = arith.constant 0 : i32
    return %arg0, %arg1, %c0_i32 : i32, i32, i32
  }
  func.func @transform_2(%arg0: i32, %arg1: i32) -> (i32, i32, i32) {
    %c0_i32 = arith.constant 0 : i32
    %c0_i32_0 = arith.constant 0 : i32
    return %arg0, %arg1, %c0_i32 : i32, i32, i32
  }
  func.func @transform_3(%arg0: i32, %arg1: i32) -> (i32, i32, i32) {
    %c0_i32 = arith.constant 0 : i32
    %c0_i32_0 = arith.constant 0 : i32
    return %arg0, %arg1, %c0_i32 : i32, i32, i32
  }
}

module attributes {stable_mosaic.version = 14 : i64} {
  func.func @_sums_body(%arg0: i32, %arg1: i32, %arg2: memref<1x256x512xf32, #tpu.memory_space<vmem>>, %arg3: memref<1x256x512xf32, #tpu.memory_space<vmem>>, %arg4: memref<1x256x512xf32, #tpu.memory_space<vmem>>, %arg5: memref<1x256x512xi32, #tpu.memory_space<vmem>>, %arg6: memref<4xf32, #tpu.memory_space<smem>>) attributes {dimension_semantics = [#tpu.dimension_semantics<arbitrary>, #tpu.dimension_semantics<arbitrary>], iteration_bounds = array<i64: 4, 2>, scalar_prefetch = 0 : i64, scratch_operands = 0 : i64, tpu.core_type = #tpu.core_type<tc>, window_params = [{transform_indices = @transform_0, window_bounds = array<i64: 1, 256, 512>}, {transform_indices = @transform_1, window_bounds = array<i64: 1, 256, 512>}, {transform_indices = @transform_2, window_bounds = array<i64: 1, 256, 512>}, {transform_indices = @transform_3, window_bounds = array<i64: 1, 256, 512>}, {transform_indices = @transform_4, window_bounds = array<i64: 4>}]} {
    %get3A = arith.constant 0 : index
    %get3A_0 = arith.constant 0 : index
    %get3A_1 = arith.constant 0 : index
    %get3A_2 = vector.load %arg2[%get3A, %get3A_0, %get3A_1] : memref<1x256x512xf32, #tpu.memory_space<vmem>>, vector<1x256x512xf32>
    %get3A_3 = vector.shape_cast %get3A_2 : vector<1x256x512xf32> to vector<256x512xf32>
    %get3A_4 = arith.constant 0 : index
    %get3A_5 = arith.constant 0 : index
    %get3A_6 = arith.constant 0 : index
    %get3A_7 = vector.load %arg3[%get3A_4, %get3A_5, %get3A_6] : memref<1x256x512xf32, #tpu.memory_space<vmem>>, vector<1x256x512xf32>
    %get3A_8 = vector.shape_cast %get3A_7 : vector<1x256x512xf32> to vector<256x512xf32>
    %get3A_9 = arith.constant 0 : index
    %get3A_10 = arith.constant 0 : index
    %get3A_11 = arith.constant 0 : index
    %get3A_12 = vector.load %arg4[%get3A_9, %get3A_10, %get3A_11] : memref<1x256x512xf32, #tpu.memory_space<vmem>>, vector<1x256x512xf32>
    %get3A_13 = vector.shape_cast %get3A_12 : vector<1x256x512xf32> to vector<256x512xf32>
    %get3A_14 = arith.constant 0 : index
    %get3A_15 = arith.constant 0 : index
    %get3A_16 = arith.constant 0 : index
    %get3A_17 = vector.load %arg5[%get3A_14, %get3A_15, %get3A_16] : memref<1x256x512xi32, #tpu.memory_space<vmem>>, vector<1x256x512xi32>
    %get3A_18 = vector.shape_cast %get3A_17 : vector<1x256x512xi32> to vector<256x512xi32>
    %mul3A = arith.constant 2.550000e+02 : f32
    %mul3A_19 = vector.broadcast %mul3A : f32 to vector<256x512xf32>
    %mul3A_20 = arith.mulf %get3A_8, %mul3A_19 : vector<256x512xf32>
    %add3A = arith.constant 1.000000e+00 : f32
    %add3A_21 = vector.broadcast %add3A : f32 to vector<256x512xf32>
    %add3A_22 = arith.addf %mul3A_20, %add3A_21 : vector<256x512xf32>
    %log3A = math.log %add3A_22 : vector<256x512xf32>
    %add3A_23 = arith.constant 1.000000e+00 : f32
    %add3A_24 = vector.broadcast %add3A_23 : f32 to vector<256x512xf32>
    %add3A_25 = arith.addf %get3A_3, %add3A_24 : vector<256x512xf32>
    %log3A_26 = math.log %add3A_25 : vector<256x512xf32>
    %sub3A = arith.subf %log3A, %log3A_26 : vector<256x512xf32>
    %mul3A_27 = arith.mulf %sub3A, %sub3A : vector<256x512xf32>
    %reduce_sum3A = vector.shape_cast %mul3A_27 : vector<256x512xf32> to vector<1x256x512xf32>
    %reduce_sum3A_28 = arith.constant dense<0.000000e+00> : vector<1xf32>
    %reduce_sum3A_29 = vector.multi_reduction <add>, %reduce_sum3A, %reduce_sum3A_28 [1, 2] : vector<1x256x512xf32> to vector<1xf32>
    %reduce_sum3A_30 = vector.shape_cast %reduce_sum3A_29 : vector<1xf32> to vector<1x1x1xf32>
    %reduce_sum3A_31 = vector.extract %reduce_sum3A_30[0, 0, 0] : f32 from vector<1x1x1xf32>
    %reduce_sum3A_32 = vector.shape_cast %sub3A : vector<256x512xf32> to vector<1x256x512xf32>
    %reduce_sum3A_33 = arith.constant dense<0.000000e+00> : vector<1xf32>
    %reduce_sum3A_34 = vector.multi_reduction <add>, %reduce_sum3A_32, %reduce_sum3A_33 [1, 2] : vector<1x256x512xf32> to vector<1xf32>
    %reduce_sum3A_35 = vector.shape_cast %reduce_sum3A_34 : vector<1xf32> to vector<1x1x1xf32>
    %reduce_sum3A_36 = vector.extract %reduce_sum3A_35[0, 0, 0] : f32 from vector<1x1x1xf32>
    %abs3A = math.absf %sub3A : vector<256x512xf32>
    %mul3A_37 = arith.mulf %get3A_13, %abs3A : vector<256x512xf32>
    %reduce_sum3A_38 = vector.shape_cast %mul3A_37 : vector<256x512xf32> to vector<1x256x512xf32>
    %reduce_sum3A_39 = arith.constant dense<0.000000e+00> : vector<1xf32>
    %reduce_sum3A_40 = vector.multi_reduction <add>, %reduce_sum3A_38, %reduce_sum3A_39 [1, 2] : vector<1x256x512xf32> to vector<1xf32>
    %reduce_sum3A_41 = vector.shape_cast %reduce_sum3A_40 : vector<1xf32> to vector<1x1x1xf32>
    %reduce_sum3A_42 = vector.extract %reduce_sum3A_41[0, 0, 0] : f32 from vector<1x1x1xf32>
    %ne3A = arith.constant 255 : i32
    %ne3A_43 = vector.broadcast %ne3A : i32 to vector<256x512xi32>
    %ne3A_44 = arith.cmpi ne, %get3A_18, %ne3A_43 : vector<256x512xi32>
    %convert_element_type3A = arith.extui %ne3A_44 : vector<256x512xi1> to vector<256x512xi32>
    %convert_element_type3A_45 = arith.sitofp %convert_element_type3A : vector<256x512xi32> to vector<256x512xf32>
    %reduce_sum3A_46 = vector.shape_cast %convert_element_type3A_45 : vector<256x512xf32> to vector<1x256x512xf32>
    %reduce_sum3A_47 = arith.constant dense<0.000000e+00> : vector<1xf32>
    %reduce_sum3A_48 = vector.multi_reduction <add>, %reduce_sum3A_46, %reduce_sum3A_47 [1, 2] : vector<1x256x512xf32> to vector<1xf32>
    %reduce_sum3A_49 = vector.shape_cast %reduce_sum3A_48 : vector<1xf32> to vector<1x1x1xf32>
    %reduce_sum3A_50 = vector.extract %reduce_sum3A_49[0, 0, 0] : f32 from vector<1x1x1xf32>
    %eq3A = arith.constant 0 : i32
    %eq3A_51 = arith.cmpi eq, %arg0, %eq3A : i32
    %eq3A_52 = arith.constant 0 : i32
    %eq3A_53 = arith.cmpi eq, %arg1, %eq3A_52 : i32
    %and3A = arith.andi %eq3A_51, %eq3A_53 : i1
    %convert_element_type3A_54 = arith.extui %and3A : i1 to i32
    %cond3A = arith.constant 0 : i32
    %cond3A_55 = arith.cmpi ne, %convert_element_type3A_54, %cond3A : i32
    scf.if %cond3A_55 {
      %swap3A_75 = arith.constant 0.000000e+00 : f32
      %swap3A_76 = arith.constant 0 : index
      %swap3A_77 = memref.load %arg6[%swap3A_76] : memref<4xf32, #tpu.memory_space<smem>>
      memref.store %swap3A_75, %arg6[%swap3A_76] : memref<4xf32, #tpu.memory_space<smem>>
      %swap3A_78 = arith.constant 0.000000e+00 : f32
      %swap3A_79 = arith.constant 1 : index
      %swap3A_80 = memref.load %arg6[%swap3A_79] : memref<4xf32, #tpu.memory_space<smem>>
      memref.store %swap3A_78, %arg6[%swap3A_79] : memref<4xf32, #tpu.memory_space<smem>>
      %swap3A_81 = arith.constant 0.000000e+00 : f32
      %swap3A_82 = arith.constant 2 : index
      %swap3A_83 = memref.load %arg6[%swap3A_82] : memref<4xf32, #tpu.memory_space<smem>>
      memref.store %swap3A_81, %arg6[%swap3A_82] : memref<4xf32, #tpu.memory_space<smem>>
      %swap3A_84 = arith.constant 0.000000e+00 : f32
      %swap3A_85 = arith.constant 3 : index
      %swap3A_86 = memref.load %arg6[%swap3A_85] : memref<4xf32, #tpu.memory_space<smem>>
      memref.store %swap3A_84, %arg6[%swap3A_85] : memref<4xf32, #tpu.memory_space<smem>>
    } else {
    }
    %get3A_56 = arith.constant 0 : index
    %get3A_57 = memref.load %arg6[%get3A_56] : memref<4xf32, #tpu.memory_space<smem>>
    %add3A_58 = arith.addf %get3A_57, %reduce_sum3A_31 : f32
    %swap3A = arith.constant 0 : index
    %swap3A_59 = memref.load %arg6[%swap3A] : memref<4xf32, #tpu.memory_space<smem>>
    memref.store %add3A_58, %arg6[%swap3A] : memref<4xf32, #tpu.memory_space<smem>>
    %get3A_60 = arith.constant 1 : index
    %get3A_61 = memref.load %arg6[%get3A_60] : memref<4xf32, #tpu.memory_space<smem>>
    %add3A_62 = arith.addf %get3A_61, %reduce_sum3A_36 : f32
    %swap3A_63 = arith.constant 1 : index
    %swap3A_64 = memref.load %arg6[%swap3A_63] : memref<4xf32, #tpu.memory_space<smem>>
    memref.store %add3A_62, %arg6[%swap3A_63] : memref<4xf32, #tpu.memory_space<smem>>
    %get3A_65 = arith.constant 2 : index
    %get3A_66 = memref.load %arg6[%get3A_65] : memref<4xf32, #tpu.memory_space<smem>>
    %add3A_67 = arith.addf %get3A_66, %reduce_sum3A_42 : f32
    %swap3A_68 = arith.constant 2 : index
    %swap3A_69 = memref.load %arg6[%swap3A_68] : memref<4xf32, #tpu.memory_space<smem>>
    memref.store %add3A_67, %arg6[%swap3A_68] : memref<4xf32, #tpu.memory_space<smem>>
    %get3A_70 = arith.constant 3 : index
    %get3A_71 = memref.load %arg6[%get3A_70] : memref<4xf32, #tpu.memory_space<smem>>
    %add3A_72 = arith.addf %get3A_71, %reduce_sum3A_50 : f32
    %swap3A_73 = arith.constant 3 : index
    %swap3A_74 = memref.load %arg6[%swap3A_73] : memref<4xf32, #tpu.memory_space<smem>>
    memref.store %add3A_72, %arg6[%swap3A_73] : memref<4xf32, #tpu.memory_space<smem>>
    return
  }
  func.func @transform_0(%arg0: i32, %arg1: i32) -> (i32, i32, i32) {
    %c0_i32 = arith.constant 0 : i32
    %c0_i32_0 = arith.constant 0 : i32
    return %arg0, %arg1, %c0_i32 : i32, i32, i32
  }
  func.func @transform_1(%arg0: i32, %arg1: i32) -> (i32, i32, i32) {
    %c0_i32 = arith.constant 0 : i32
    %c0_i32_0 = arith.constant 0 : i32
    return %arg0, %arg1, %c0_i32 : i32, i32, i32
  }
  func.func @transform_2(%arg0: i32, %arg1: i32) -> (i32, i32, i32) {
    %c0_i32 = arith.constant 0 : i32
    %c0_i32_0 = arith.constant 0 : i32
    return %arg0, %arg1, %c0_i32 : i32, i32, i32
  }
  func.func @transform_3(%arg0: i32, %arg1: i32) -> (i32, i32, i32) {
    %c0_i32 = arith.constant 0 : i32
    %c0_i32_0 = arith.constant 0 : i32
    return %arg0, %arg1, %c0_i32 : i32, i32, i32
  }
  func.func @transform_4(%arg0: i32, %arg1: i32) -> i32 {
    %c0_i32 = arith.constant 0 : i32
    %c0_i32_0 = arith.constant 0 : i32
    return %c0_i32 : i32
  }
}

module attributes {stable_mosaic.version = 14 : i64} {
  func.func @_finish_body(%arg0: memref<4xf32, #tpu.memory_space<smem>>, %arg1: memref<3268608xf32, #tpu.memory_space<vmem>>, %arg2: memref<3xf32, #tpu.memory_space<smem>>) attributes {dimension_semantics = [], scalar_prefetch = 0 : i64, scratch_operands = 0 : i64, tpu.core_type = #tpu.core_type<tc>} {
    %get3A = arith.constant 0 : index
    %get3A_0 = vector.load %arg1[%get3A] : memref<3268608xf32, #tpu.memory_space<vmem>>, vector<102144xf32>
    %get3A_1 = arith.constant 102144 : index
    %get3A_2 = vector.load %arg1[%get3A_1] : memref<3268608xf32, #tpu.memory_space<vmem>>, vector<102144xf32>
    %add3A = arith.addf %get3A_0, %get3A_2 : vector<102144xf32>
    %get3A_3 = arith.constant 204288 : index
    %get3A_4 = vector.load %arg1[%get3A_3] : memref<3268608xf32, #tpu.memory_space<vmem>>, vector<102144xf32>
    %add3A_5 = arith.addf %add3A, %get3A_4 : vector<102144xf32>
    %get3A_6 = arith.constant 306432 : index
    %get3A_7 = vector.load %arg1[%get3A_6] : memref<3268608xf32, #tpu.memory_space<vmem>>, vector<102144xf32>
    %add3A_8 = arith.addf %add3A_5, %get3A_7 : vector<102144xf32>
    %get3A_9 = arith.constant 408576 : index
    %get3A_10 = vector.load %arg1[%get3A_9] : memref<3268608xf32, #tpu.memory_space<vmem>>, vector<102144xf32>
    %add3A_11 = arith.addf %add3A_8, %get3A_10 : vector<102144xf32>
    %get3A_12 = arith.constant 510720 : index
    %get3A_13 = vector.load %arg1[%get3A_12] : memref<3268608xf32, #tpu.memory_space<vmem>>, vector<102144xf32>
    %add3A_14 = arith.addf %add3A_11, %get3A_13 : vector<102144xf32>
    %get3A_15 = arith.constant 612864 : index
    %get3A_16 = vector.load %arg1[%get3A_15] : memref<3268608xf32, #tpu.memory_space<vmem>>, vector<102144xf32>
    %add3A_17 = arith.addf %add3A_14, %get3A_16 : vector<102144xf32>
    %get3A_18 = arith.constant 715008 : index
    %get3A_19 = vector.load %arg1[%get3A_18] : memref<3268608xf32, #tpu.memory_space<vmem>>, vector<102144xf32>
    %add3A_20 = arith.addf %add3A_17, %get3A_19 : vector<102144xf32>
    %get3A_21 = arith.constant 817152 : index
    %get3A_22 = vector.load %arg1[%get3A_21] : memref<3268608xf32, #tpu.memory_space<vmem>>, vector<102144xf32>
    %add3A_23 = arith.addf %add3A_20, %get3A_22 : vector<102144xf32>
    %get3A_24 = arith.constant 919296 : index
    %get3A_25 = vector.load %arg1[%get3A_24] : memref<3268608xf32, #tpu.memory_space<vmem>>, vector<102144xf32>
    %add3A_26 = arith.addf %add3A_23, %get3A_25 : vector<102144xf32>
    %get3A_27 = arith.constant 1021440 : index
    %get3A_28 = vector.load %arg1[%get3A_27] : memref<3268608xf32, #tpu.memory_space<vmem>>, vector<102144xf32>
    %add3A_29 = arith.addf %add3A_26, %get3A_28 : vector<102144xf32>
    %get3A_30 = arith.constant 1123584 : index
    %get3A_31 = vector.load %arg1[%get3A_30] : memref<3268608xf32, #tpu.memory_space<vmem>>, vector<102144xf32>
    %add3A_32 = arith.addf %add3A_29, %get3A_31 : vector<102144xf32>
    %get3A_33 = arith.constant 1225728 : index
    %get3A_34 = vector.load %arg1[%get3A_33] : memref<3268608xf32, #tpu.memory_space<vmem>>, vector<102144xf32>
    %add3A_35 = arith.addf %add3A_32, %get3A_34 : vector<102144xf32>
    %get3A_36 = arith.constant 1327872 : index
    %get3A_37 = vector.load %arg1[%get3A_36] : memref<3268608xf32, #tpu.memory_space<vmem>>, vector<102144xf32>
    %add3A_38 = arith.addf %add3A_35, %get3A_37 : vector<102144xf32>
    %get3A_39 = arith.constant 1430016 : index
    %get3A_40 = vector.load %arg1[%get3A_39] : memref<3268608xf32, #tpu.memory_space<vmem>>, vector<102144xf32>
    %add3A_41 = arith.addf %add3A_38, %get3A_40 : vector<102144xf32>
    %get3A_42 = arith.constant 1532160 : index
    %get3A_43 = vector.load %arg1[%get3A_42] : memref<3268608xf32, #tpu.memory_space<vmem>>, vector<102144xf32>
    %add3A_44 = arith.addf %add3A_41, %get3A_43 : vector<102144xf32>
    %get3A_45 = arith.constant 1634304 : index
    %get3A_46 = vector.load %arg1[%get3A_45] : memref<3268608xf32, #tpu.memory_space<vmem>>, vector<102144xf32>
    %add3A_47 = arith.addf %add3A_44, %get3A_46 : vector<102144xf32>
    %get3A_48 = arith.constant 1736448 : index
    %get3A_49 = vector.load %arg1[%get3A_48] : memref<3268608xf32, #tpu.memory_space<vmem>>, vector<102144xf32>
    %add3A_50 = arith.addf %add3A_47, %get3A_49 : vector<102144xf32>
    %get3A_51 = arith.constant 1838592 : index
    %get3A_52 = vector.load %arg1[%get3A_51] : memref<3268608xf32, #tpu.memory_space<vmem>>, vector<102144xf32>
    %add3A_53 = arith.addf %add3A_50, %get3A_52 : vector<102144xf32>
    %get3A_54 = arith.constant 1940736 : index
    %get3A_55 = vector.load %arg1[%get3A_54] : memref<3268608xf32, #tpu.memory_space<vmem>>, vector<102144xf32>
    %add3A_56 = arith.addf %add3A_53, %get3A_55 : vector<102144xf32>
    %get3A_57 = arith.constant 2042880 : index
    %get3A_58 = vector.load %arg1[%get3A_57] : memref<3268608xf32, #tpu.memory_space<vmem>>, vector<102144xf32>
    %add3A_59 = arith.addf %add3A_56, %get3A_58 : vector<102144xf32>
    %get3A_60 = arith.constant 2145024 : index
    %get3A_61 = vector.load %arg1[%get3A_60] : memref<3268608xf32, #tpu.memory_space<vmem>>, vector<102144xf32>
    %add3A_62 = arith.addf %add3A_59, %get3A_61 : vector<102144xf32>
    %get3A_63 = arith.constant 2247168 : index
    %get3A_64 = vector.load %arg1[%get3A_63] : memref<3268608xf32, #tpu.memory_space<vmem>>, vector<102144xf32>
    %add3A_65 = arith.addf %add3A_62, %get3A_64 : vector<102144xf32>
    %get3A_66 = arith.constant 2349312 : index
    %get3A_67 = vector.load %arg1[%get3A_66] : memref<3268608xf32, #tpu.memory_space<vmem>>, vector<102144xf32>
    %add3A_68 = arith.addf %add3A_65, %get3A_67 : vector<102144xf32>
    %get3A_69 = arith.constant 2451456 : index
    %get3A_70 = vector.load %arg1[%get3A_69] : memref<3268608xf32, #tpu.memory_space<vmem>>, vector<102144xf32>
    %add3A_71 = arith.addf %add3A_68, %get3A_70 : vector<102144xf32>
    %get3A_72 = arith.constant 2553600 : index
    %get3A_73 = vector.load %arg1[%get3A_72] : memref<3268608xf32, #tpu.memory_space<vmem>>, vector<102144xf32>
    %add3A_74 = arith.addf %add3A_71, %get3A_73 : vector<102144xf32>
    %get3A_75 = arith.constant 2655744 : index
    %get3A_76 = vector.load %arg1[%get3A_75] : memref<3268608xf32, #tpu.memory_space<vmem>>, vector<102144xf32>
    %add3A_77 = arith.addf %add3A_74, %get3A_76 : vector<102144xf32>
    %get3A_78 = arith.constant 2757888 : index
    %get3A_79 = vector.load %arg1[%get3A_78] : memref<3268608xf32, #tpu.memory_space<vmem>>, vector<102144xf32>
    %add3A_80 = arith.addf %add3A_77, %get3A_79 : vector<102144xf32>
    %get3A_81 = arith.constant 2860032 : index
    %get3A_82 = vector.load %arg1[%get3A_81] : memref<3268608xf32, #tpu.memory_space<vmem>>, vector<102144xf32>
    %add3A_83 = arith.addf %add3A_80, %get3A_82 : vector<102144xf32>
    %get3A_84 = arith.constant 2962176 : index
    %get3A_85 = vector.load %arg1[%get3A_84] : memref<3268608xf32, #tpu.memory_space<vmem>>, vector<102144xf32>
    %add3A_86 = arith.addf %add3A_83, %get3A_85 : vector<102144xf32>
    %get3A_87 = arith.constant 3064320 : index
    %get3A_88 = vector.load %arg1[%get3A_87] : memref<3268608xf32, #tpu.memory_space<vmem>>, vector<102144xf32>
    %add3A_89 = arith.addf %add3A_86, %get3A_88 : vector<102144xf32>
    %get3A_90 = arith.constant 3166464 : index
    %get3A_91 = vector.load %arg1[%get3A_90] : memref<3268608xf32, #tpu.memory_space<vmem>>, vector<102144xf32>
    %add3A_92 = arith.addf %add3A_89, %get3A_91 : vector<102144xf32>
    %slice3A = vector.extract_strided_slice %add3A_92 {offsets = [0], sizes = [1792], strides = [1]} : vector<102144xf32> to vector<1792xf32>
    %slice3A_93 = vector.extract_strided_slice %add3A_92 {offsets = [68096], sizes = [1792], strides = [1]} : vector<102144xf32> to vector<1792xf32>
    %slice3A_94 = vector.extract_strided_slice %add3A_92 {offsets = [0], sizes = [1792], strides = [1]} : vector<102144xf32> to vector<1792xf32>
    %gt3A = arith.constant 0.000000e+00 : f32
    %gt3A_95 = vector.broadcast %gt3A : f32 to vector<1792xf32>
    %gt3A_96 = arith.cmpf ogt, %slice3A_94, %gt3A_95 : vector<1792xf32>
    %slice3A_97 = vector.extract_strided_slice %add3A_92 {offsets = [34048], sizes = [1792], strides = [1]} : vector<102144xf32> to vector<1792xf32>
    %gt3A_98 = arith.constant 0.000000e+00 : f32
    %gt3A_99 = vector.broadcast %gt3A_98 : f32 to vector<1792xf32>
    %gt3A_100 = arith.cmpf ogt, %slice3A_97, %gt3A_99 : vector<1792xf32>
    %ne3A = arith.xori %gt3A_96, %gt3A_100 : vector<1792xi1>
    %convert_element_type3A = arith.extui %ne3A : vector<1792xi1> to vector<1792xi32>
    %convert_element_type3A_101 = arith.sitofp %convert_element_type3A : vector<1792xi32> to vector<1792xf32>
    %slice3A_102 = vector.extract_strided_slice %add3A_92 {offsets = [1792], sizes = [1792], strides = [1]} : vector<102144xf32> to vector<1792xf32>
    %add3A_103 = arith.addf %slice3A, %slice3A_102 : vector<1792xf32>
    %slice3A_104 = vector.extract_strided_slice %add3A_92 {offsets = [69888], sizes = [1792], strides = [1]} : vector<102144xf32> to vector<1792xf32>
    %add3A_105 = arith.addf %slice3A_93, %slice3A_104 : vector<1792xf32>
    %slice3A_106 = vector.extract_strided_slice %add3A_92 {offsets = [1792], sizes = [1792], strides = [1]} : vector<102144xf32> to vector<1792xf32>
    %gt3A_107 = arith.constant 0.000000e+00 : f32
    %gt3A_108 = vector.broadcast %gt3A_107 : f32 to vector<1792xf32>
    %gt3A_109 = arith.cmpf ogt, %slice3A_106, %gt3A_108 : vector<1792xf32>
    %slice3A_110 = vector.extract_strided_slice %add3A_92 {offsets = [35840], sizes = [1792], strides = [1]} : vector<102144xf32> to vector<1792xf32>
    %gt3A_111 = arith.constant 0.000000e+00 : f32
    %gt3A_112 = vector.broadcast %gt3A_111 : f32 to vector<1792xf32>
    %gt3A_113 = arith.cmpf ogt, %slice3A_110, %gt3A_112 : vector<1792xf32>
    %ne3A_114 = arith.xori %gt3A_109, %gt3A_113 : vector<1792xi1>
    %convert_element_type3A_115 = arith.extui %ne3A_114 : vector<1792xi1> to vector<1792xi32>
    %convert_element_type3A_116 = arith.sitofp %convert_element_type3A_115 : vector<1792xi32> to vector<1792xf32>
    %add3A_117 = arith.addf %convert_element_type3A_101, %convert_element_type3A_116 : vector<1792xf32>
    %slice3A_118 = vector.extract_strided_slice %add3A_92 {offsets = [3584], sizes = [1792], strides = [1]} : vector<102144xf32> to vector<1792xf32>
    %add3A_119 = arith.addf %add3A_103, %slice3A_118 : vector<1792xf32>
    %slice3A_120 = vector.extract_strided_slice %add3A_92 {offsets = [71680], sizes = [1792], strides = [1]} : vector<102144xf32> to vector<1792xf32>
    %add3A_121 = arith.addf %add3A_105, %slice3A_120 : vector<1792xf32>
    %slice3A_122 = vector.extract_strided_slice %add3A_92 {offsets = [3584], sizes = [1792], strides = [1]} : vector<102144xf32> to vector<1792xf32>
    %gt3A_123 = arith.constant 0.000000e+00 : f32
    %gt3A_124 = vector.broadcast %gt3A_123 : f32 to vector<1792xf32>
    %gt3A_125 = arith.cmpf ogt, %slice3A_122, %gt3A_124 : vector<1792xf32>
    %slice3A_126 = vector.extract_strided_slice %add3A_92 {offsets = [37632], sizes = [1792], strides = [1]} : vector<102144xf32> to vector<1792xf32>
    %gt3A_127 = arith.constant 0.000000e+00 : f32
    %gt3A_128 = vector.broadcast %gt3A_127 : f32 to vector<1792xf32>
    %gt3A_129 = arith.cmpf ogt, %slice3A_126, %gt3A_128 : vector<1792xf32>
    %ne3A_130 = arith.xori %gt3A_125, %gt3A_129 : vector<1792xi1>
    %convert_element_type3A_131 = arith.extui %ne3A_130 : vector<1792xi1> to vector<1792xi32>
    %convert_element_type3A_132 = arith.sitofp %convert_element_type3A_131 : vector<1792xi32> to vector<1792xf32>
    %add3A_133 = arith.addf %add3A_117, %convert_element_type3A_132 : vector<1792xf32>
    %slice3A_134 = vector.extract_strided_slice %add3A_92 {offsets = [5376], sizes = [1792], strides = [1]} : vector<102144xf32> to vector<1792xf32>
    %add3A_135 = arith.addf %add3A_119, %slice3A_134 : vector<1792xf32>
    %slice3A_136 = vector.extract_strided_slice %add3A_92 {offsets = [73472], sizes = [1792], strides = [1]} : vector<102144xf32> to vector<1792xf32>
    %add3A_137 = arith.addf %add3A_121, %slice3A_136 : vector<1792xf32>
    %slice3A_138 = vector.extract_strided_slice %add3A_92 {offsets = [5376], sizes = [1792], strides = [1]} : vector<102144xf32> to vector<1792xf32>
    %gt3A_139 = arith.constant 0.000000e+00 : f32
    %gt3A_140 = vector.broadcast %gt3A_139 : f32 to vector<1792xf32>
    %gt3A_141 = arith.cmpf ogt, %slice3A_138, %gt3A_140 : vector<1792xf32>
    %slice3A_142 = vector.extract_strided_slice %add3A_92 {offsets = [39424], sizes = [1792], strides = [1]} : vector<102144xf32> to vector<1792xf32>
    %gt3A_143 = arith.constant 0.000000e+00 : f32
    %gt3A_144 = vector.broadcast %gt3A_143 : f32 to vector<1792xf32>
    %gt3A_145 = arith.cmpf ogt, %slice3A_142, %gt3A_144 : vector<1792xf32>
    %ne3A_146 = arith.xori %gt3A_141, %gt3A_145 : vector<1792xi1>
    %convert_element_type3A_147 = arith.extui %ne3A_146 : vector<1792xi1> to vector<1792xi32>
    %convert_element_type3A_148 = arith.sitofp %convert_element_type3A_147 : vector<1792xi32> to vector<1792xf32>
    %add3A_149 = arith.addf %add3A_133, %convert_element_type3A_148 : vector<1792xf32>
    %slice3A_150 = vector.extract_strided_slice %add3A_92 {offsets = [7168], sizes = [1792], strides = [1]} : vector<102144xf32> to vector<1792xf32>
    %add3A_151 = arith.addf %add3A_135, %slice3A_150 : vector<1792xf32>
    %slice3A_152 = vector.extract_strided_slice %add3A_92 {offsets = [75264], sizes = [1792], strides = [1]} : vector<102144xf32> to vector<1792xf32>
    %add3A_153 = arith.addf %add3A_137, %slice3A_152 : vector<1792xf32>
    %slice3A_154 = vector.extract_strided_slice %add3A_92 {offsets = [7168], sizes = [1792], strides = [1]} : vector<102144xf32> to vector<1792xf32>
    %gt3A_155 = arith.constant 0.000000e+00 : f32
    %gt3A_156 = vector.broadcast %gt3A_155 : f32 to vector<1792xf32>
    %gt3A_157 = arith.cmpf ogt, %slice3A_154, %gt3A_156 : vector<1792xf32>
    %slice3A_158 = vector.extract_strided_slice %add3A_92 {offsets = [41216], sizes = [1792], strides = [1]} : vector<102144xf32> to vector<1792xf32>
    %gt3A_159 = arith.constant 0.000000e+00 : f32
    %gt3A_160 = vector.broadcast %gt3A_159 : f32 to vector<1792xf32>
    %gt3A_161 = arith.cmpf ogt, %slice3A_158, %gt3A_160 : vector<1792xf32>
    %ne3A_162 = arith.xori %gt3A_157, %gt3A_161 : vector<1792xi1>
    %convert_element_type3A_163 = arith.extui %ne3A_162 : vector<1792xi1> to vector<1792xi32>
    %convert_element_type3A_164 = arith.sitofp %convert_element_type3A_163 : vector<1792xi32> to vector<1792xf32>
    %add3A_165 = arith.addf %add3A_149, %convert_element_type3A_164 : vector<1792xf32>
    %slice3A_166 = vector.extract_strided_slice %add3A_92 {offsets = [8960], sizes = [1792], strides = [1]} : vector<102144xf32> to vector<1792xf32>
    %add3A_167 = arith.addf %add3A_151, %slice3A_166 : vector<1792xf32>
    %slice3A_168 = vector.extract_strided_slice %add3A_92 {offsets = [77056], sizes = [1792], strides = [1]} : vector<102144xf32> to vector<1792xf32>
    %add3A_169 = arith.addf %add3A_153, %slice3A_168 : vector<1792xf32>
    %slice3A_170 = vector.extract_strided_slice %add3A_92 {offsets = [8960], sizes = [1792], strides = [1]} : vector<102144xf32> to vector<1792xf32>
    %gt3A_171 = arith.constant 0.000000e+00 : f32
    %gt3A_172 = vector.broadcast %gt3A_171 : f32 to vector<1792xf32>
    %gt3A_173 = arith.cmpf ogt, %slice3A_170, %gt3A_172 : vector<1792xf32>
    %slice3A_174 = vector.extract_strided_slice %add3A_92 {offsets = [43008], sizes = [1792], strides = [1]} : vector<102144xf32> to vector<1792xf32>
    %gt3A_175 = arith.constant 0.000000e+00 : f32
    %gt3A_176 = vector.broadcast %gt3A_175 : f32 to vector<1792xf32>
    %gt3A_177 = arith.cmpf ogt, %slice3A_174, %gt3A_176 : vector<1792xf32>
    %ne3A_178 = arith.xori %gt3A_173, %gt3A_177 : vector<1792xi1>
    %convert_element_type3A_179 = arith.extui %ne3A_178 : vector<1792xi1> to vector<1792xi32>
    %convert_element_type3A_180 = arith.sitofp %convert_element_type3A_179 : vector<1792xi32> to vector<1792xf32>
    %add3A_181 = arith.addf %add3A_165, %convert_element_type3A_180 : vector<1792xf32>
    %slice3A_182 = vector.extract_strided_slice %add3A_92 {offsets = [10752], sizes = [1792], strides = [1]} : vector<102144xf32> to vector<1792xf32>
    %add3A_183 = arith.addf %add3A_167, %slice3A_182 : vector<1792xf32>
    %slice3A_184 = vector.extract_strided_slice %add3A_92 {offsets = [78848], sizes = [1792], strides = [1]} : vector<102144xf32> to vector<1792xf32>
    %add3A_185 = arith.addf %add3A_169, %slice3A_184 : vector<1792xf32>
    %slice3A_186 = vector.extract_strided_slice %add3A_92 {offsets = [10752], sizes = [1792], strides = [1]} : vector<102144xf32> to vector<1792xf32>
    %gt3A_187 = arith.constant 0.000000e+00 : f32
    %gt3A_188 = vector.broadcast %gt3A_187 : f32 to vector<1792xf32>
    %gt3A_189 = arith.cmpf ogt, %slice3A_186, %gt3A_188 : vector<1792xf32>
    %slice3A_190 = vector.extract_strided_slice %add3A_92 {offsets = [44800], sizes = [1792], strides = [1]} : vector<102144xf32> to vector<1792xf32>
    %gt3A_191 = arith.constant 0.000000e+00 : f32
    %gt3A_192 = vector.broadcast %gt3A_191 : f32 to vector<1792xf32>
    %gt3A_193 = arith.cmpf ogt, %slice3A_190, %gt3A_192 : vector<1792xf32>
    %ne3A_194 = arith.xori %gt3A_189, %gt3A_193 : vector<1792xi1>
    %convert_element_type3A_195 = arith.extui %ne3A_194 : vector<1792xi1> to vector<1792xi32>
    %convert_element_type3A_196 = arith.sitofp %convert_element_type3A_195 : vector<1792xi32> to vector<1792xf32>
    %add3A_197 = arith.addf %add3A_181, %convert_element_type3A_196 : vector<1792xf32>
    %slice3A_198 = vector.extract_strided_slice %add3A_92 {offsets = [12544], sizes = [1792], strides = [1]} : vector<102144xf32> to vector<1792xf32>
    %add3A_199 = arith.addf %add3A_183, %slice3A_198 : vector<1792xf32>
    %slice3A_200 = vector.extract_strided_slice %add3A_92 {offsets = [80640], sizes = [1792], strides = [1]} : vector<102144xf32> to vector<1792xf32>
    %add3A_201 = arith.addf %add3A_185, %slice3A_200 : vector<1792xf32>
    %slice3A_202 = vector.extract_strided_slice %add3A_92 {offsets = [12544], sizes = [1792], strides = [1]} : vector<102144xf32> to vector<1792xf32>
    %gt3A_203 = arith.constant 0.000000e+00 : f32
    %gt3A_204 = vector.broadcast %gt3A_203 : f32 to vector<1792xf32>
    %gt3A_205 = arith.cmpf ogt, %slice3A_202, %gt3A_204 : vector<1792xf32>
    %slice3A_206 = vector.extract_strided_slice %add3A_92 {offsets = [46592], sizes = [1792], strides = [1]} : vector<102144xf32> to vector<1792xf32>
    %gt3A_207 = arith.constant 0.000000e+00 : f32
    %gt3A_208 = vector.broadcast %gt3A_207 : f32 to vector<1792xf32>
    %gt3A_209 = arith.cmpf ogt, %slice3A_206, %gt3A_208 : vector<1792xf32>
    %ne3A_210 = arith.xori %gt3A_205, %gt3A_209 : vector<1792xi1>
    %convert_element_type3A_211 = arith.extui %ne3A_210 : vector<1792xi1> to vector<1792xi32>
    %convert_element_type3A_212 = arith.sitofp %convert_element_type3A_211 : vector<1792xi32> to vector<1792xf32>
    %add3A_213 = arith.addf %add3A_197, %convert_element_type3A_212 : vector<1792xf32>
    %slice3A_214 = vector.extract_strided_slice %add3A_92 {offsets = [14336], sizes = [1792], strides = [1]} : vector<102144xf32> to vector<1792xf32>
    %add3A_215 = arith.addf %add3A_199, %slice3A_214 : vector<1792xf32>
    %slice3A_216 = vector.extract_strided_slice %add3A_92 {offsets = [82432], sizes = [1792], strides = [1]} : vector<102144xf32> to vector<1792xf32>
    %add3A_217 = arith.addf %add3A_201, %slice3A_216 : vector<1792xf32>
    %slice3A_218 = vector.extract_strided_slice %add3A_92 {offsets = [14336], sizes = [1792], strides = [1]} : vector<102144xf32> to vector<1792xf32>
    %gt3A_219 = arith.constant 0.000000e+00 : f32
    %gt3A_220 = vector.broadcast %gt3A_219 : f32 to vector<1792xf32>
    %gt3A_221 = arith.cmpf ogt, %slice3A_218, %gt3A_220 : vector<1792xf32>
    %slice3A_222 = vector.extract_strided_slice %add3A_92 {offsets = [48384], sizes = [1792], strides = [1]} : vector<102144xf32> to vector<1792xf32>
    %gt3A_223 = arith.constant 0.000000e+00 : f32
    %gt3A_224 = vector.broadcast %gt3A_223 : f32 to vector<1792xf32>
    %gt3A_225 = arith.cmpf ogt, %slice3A_222, %gt3A_224 : vector<1792xf32>
    %ne3A_226 = arith.xori %gt3A_221, %gt3A_225 : vector<1792xi1>
    %convert_element_type3A_227 = arith.extui %ne3A_226 : vector<1792xi1> to vector<1792xi32>
    %convert_element_type3A_228 = arith.sitofp %convert_element_type3A_227 : vector<1792xi32> to vector<1792xf32>
    %add3A_229 = arith.addf %add3A_213, %convert_element_type3A_228 : vector<1792xf32>
    %slice3A_230 = vector.extract_strided_slice %add3A_92 {offsets = [16128], sizes = [1792], strides = [1]} : vector<102144xf32> to vector<1792xf32>
    %add3A_231 = arith.addf %add3A_215, %slice3A_230 : vector<1792xf32>
    %slice3A_232 = vector.extract_strided_slice %add3A_92 {offsets = [84224], sizes = [1792], strides = [1]} : vector<102144xf32> to vector<1792xf32>
    %add3A_233 = arith.addf %add3A_217, %slice3A_232 : vector<1792xf32>
    %slice3A_234 = vector.extract_strided_slice %add3A_92 {offsets = [16128], sizes = [1792], strides = [1]} : vector<102144xf32> to vector<1792xf32>
    %gt3A_235 = arith.constant 0.000000e+00 : f32
    %gt3A_236 = vector.broadcast %gt3A_235 : f32 to vector<1792xf32>
    %gt3A_237 = arith.cmpf ogt, %slice3A_234, %gt3A_236 : vector<1792xf32>
    %slice3A_238 = vector.extract_strided_slice %add3A_92 {offsets = [50176], sizes = [1792], strides = [1]} : vector<102144xf32> to vector<1792xf32>
    %gt3A_239 = arith.constant 0.000000e+00 : f32
    %gt3A_240 = vector.broadcast %gt3A_239 : f32 to vector<1792xf32>
    %gt3A_241 = arith.cmpf ogt, %slice3A_238, %gt3A_240 : vector<1792xf32>
    %ne3A_242 = arith.xori %gt3A_237, %gt3A_241 : vector<1792xi1>
    %convert_element_type3A_243 = arith.extui %ne3A_242 : vector<1792xi1> to vector<1792xi32>
    %convert_element_type3A_244 = arith.sitofp %convert_element_type3A_243 : vector<1792xi32> to vector<1792xf32>
    %add3A_245 = arith.addf %add3A_229, %convert_element_type3A_244 : vector<1792xf32>
    %slice3A_246 = vector.extract_strided_slice %add3A_92 {offsets = [17920], sizes = [1792], strides = [1]} : vector<102144xf32> to vector<1792xf32>
    %add3A_247 = arith.addf %add3A_231, %slice3A_246 : vector<1792xf32>
    %slice3A_248 = vector.extract_strided_slice %add3A_92 {offsets = [86016], sizes = [1792], strides = [1]} : vector<102144xf32> to vector<1792xf32>
    %add3A_249 = arith.addf %add3A_233, %slice3A_248 : vector<1792xf32>
    %slice3A_250 = vector.extract_strided_slice %add3A_92 {offsets = [17920], sizes = [1792], strides = [1]} : vector<102144xf32> to vector<1792xf32>
    %gt3A_251 = arith.constant 0.000000e+00 : f32
    %gt3A_252 = vector.broadcast %gt3A_251 : f32 to vector<1792xf32>
    %gt3A_253 = arith.cmpf ogt, %slice3A_250, %gt3A_252 : vector<1792xf32>
    %slice3A_254 = vector.extract_strided_slice %add3A_92 {offsets = [51968], sizes = [1792], strides = [1]} : vector<102144xf32> to vector<1792xf32>
    %gt3A_255 = arith.constant 0.000000e+00 : f32
    %gt3A_256 = vector.broadcast %gt3A_255 : f32 to vector<1792xf32>
    %gt3A_257 = arith.cmpf ogt, %slice3A_254, %gt3A_256 : vector<1792xf32>
    %ne3A_258 = arith.xori %gt3A_253, %gt3A_257 : vector<1792xi1>
    %convert_element_type3A_259 = arith.extui %ne3A_258 : vector<1792xi1> to vector<1792xi32>
    %convert_element_type3A_260 = arith.sitofp %convert_element_type3A_259 : vector<1792xi32> to vector<1792xf32>
    %add3A_261 = arith.addf %add3A_245, %convert_element_type3A_260 : vector<1792xf32>
    %slice3A_262 = vector.extract_strided_slice %add3A_92 {offsets = [19712], sizes = [1792], strides = [1]} : vector<102144xf32> to vector<1792xf32>
    %add3A_263 = arith.addf %add3A_247, %slice3A_262 : vector<1792xf32>
    %slice3A_264 = vector.extract_strided_slice %add3A_92 {offsets = [87808], sizes = [1792], strides = [1]} : vector<102144xf32> to vector<1792xf32>
    %add3A_265 = arith.addf %add3A_249, %slice3A_264 : vector<1792xf32>
    %slice3A_266 = vector.extract_strided_slice %add3A_92 {offsets = [19712], sizes = [1792], strides = [1]} : vector<102144xf32> to vector<1792xf32>
    %gt3A_267 = arith.constant 0.000000e+00 : f32
    %gt3A_268 = vector.broadcast %gt3A_267 : f32 to vector<1792xf32>
    %gt3A_269 = arith.cmpf ogt, %slice3A_266, %gt3A_268 : vector<1792xf32>
    %slice3A_270 = vector.extract_strided_slice %add3A_92 {offsets = [53760], sizes = [1792], strides = [1]} : vector<102144xf32> to vector<1792xf32>
    %gt3A_271 = arith.constant 0.000000e+00 : f32
    %gt3A_272 = vector.broadcast %gt3A_271 : f32 to vector<1792xf32>
    %gt3A_273 = arith.cmpf ogt, %slice3A_270, %gt3A_272 : vector<1792xf32>
    %ne3A_274 = arith.xori %gt3A_269, %gt3A_273 : vector<1792xi1>
    %convert_element_type3A_275 = arith.extui %ne3A_274 : vector<1792xi1> to vector<1792xi32>
    %convert_element_type3A_276 = arith.sitofp %convert_element_type3A_275 : vector<1792xi32> to vector<1792xf32>
    %add3A_277 = arith.addf %add3A_261, %convert_element_type3A_276 : vector<1792xf32>
    %slice3A_278 = vector.extract_strided_slice %add3A_92 {offsets = [21504], sizes = [1792], strides = [1]} : vector<102144xf32> to vector<1792xf32>
    %add3A_279 = arith.addf %add3A_263, %slice3A_278 : vector<1792xf32>
    %slice3A_280 = vector.extract_strided_slice %add3A_92 {offsets = [89600], sizes = [1792], strides = [1]} : vector<102144xf32> to vector<1792xf32>
    %add3A_281 = arith.addf %add3A_265, %slice3A_280 : vector<1792xf32>
    %slice3A_282 = vector.extract_strided_slice %add3A_92 {offsets = [21504], sizes = [1792], strides = [1]} : vector<102144xf32> to vector<1792xf32>
    %gt3A_283 = arith.constant 0.000000e+00 : f32
    %gt3A_284 = vector.broadcast %gt3A_283 : f32 to vector<1792xf32>
    %gt3A_285 = arith.cmpf ogt, %slice3A_282, %gt3A_284 : vector<1792xf32>
    %slice3A_286 = vector.extract_strided_slice %add3A_92 {offsets = [55552], sizes = [1792], strides = [1]} : vector<102144xf32> to vector<1792xf32>
    %gt3A_287 = arith.constant 0.000000e+00 : f32
    %gt3A_288 = vector.broadcast %gt3A_287 : f32 to vector<1792xf32>
    %gt3A_289 = arith.cmpf ogt, %slice3A_286, %gt3A_288 : vector<1792xf32>
    %ne3A_290 = arith.xori %gt3A_285, %gt3A_289 : vector<1792xi1>
    %convert_element_type3A_291 = arith.extui %ne3A_290 : vector<1792xi1> to vector<1792xi32>
    %convert_element_type3A_292 = arith.sitofp %convert_element_type3A_291 : vector<1792xi32> to vector<1792xf32>
    %add3A_293 = arith.addf %add3A_277, %convert_element_type3A_292 : vector<1792xf32>
    %slice3A_294 = vector.extract_strided_slice %add3A_92 {offsets = [23296], sizes = [1792], strides = [1]} : vector<102144xf32> to vector<1792xf32>
    %add3A_295 = arith.addf %add3A_279, %slice3A_294 : vector<1792xf32>
    %slice3A_296 = vector.extract_strided_slice %add3A_92 {offsets = [91392], sizes = [1792], strides = [1]} : vector<102144xf32> to vector<1792xf32>
    %add3A_297 = arith.addf %add3A_281, %slice3A_296 : vector<1792xf32>
    %slice3A_298 = vector.extract_strided_slice %add3A_92 {offsets = [23296], sizes = [1792], strides = [1]} : vector<102144xf32> to vector<1792xf32>
    %gt3A_299 = arith.constant 0.000000e+00 : f32
    %gt3A_300 = vector.broadcast %gt3A_299 : f32 to vector<1792xf32>
    %gt3A_301 = arith.cmpf ogt, %slice3A_298, %gt3A_300 : vector<1792xf32>
    %slice3A_302 = vector.extract_strided_slice %add3A_92 {offsets = [57344], sizes = [1792], strides = [1]} : vector<102144xf32> to vector<1792xf32>
    %gt3A_303 = arith.constant 0.000000e+00 : f32
    %gt3A_304 = vector.broadcast %gt3A_303 : f32 to vector<1792xf32>
    %gt3A_305 = arith.cmpf ogt, %slice3A_302, %gt3A_304 : vector<1792xf32>
    %ne3A_306 = arith.xori %gt3A_301, %gt3A_305 : vector<1792xi1>
    %convert_element_type3A_307 = arith.extui %ne3A_306 : vector<1792xi1> to vector<1792xi32>
    %convert_element_type3A_308 = arith.sitofp %convert_element_type3A_307 : vector<1792xi32> to vector<1792xf32>
    %add3A_309 = arith.addf %add3A_293, %convert_element_type3A_308 : vector<1792xf32>
    %slice3A_310 = vector.extract_strided_slice %add3A_92 {offsets = [25088], sizes = [1792], strides = [1]} : vector<102144xf32> to vector<1792xf32>
    %add3A_311 = arith.addf %add3A_295, %slice3A_310 : vector<1792xf32>
    %slice3A_312 = vector.extract_strided_slice %add3A_92 {offsets = [93184], sizes = [1792], strides = [1]} : vector<102144xf32> to vector<1792xf32>
    %add3A_313 = arith.addf %add3A_297, %slice3A_312 : vector<1792xf32>
    %slice3A_314 = vector.extract_strided_slice %add3A_92 {offsets = [25088], sizes = [1792], strides = [1]} : vector<102144xf32> to vector<1792xf32>
    %gt3A_315 = arith.constant 0.000000e+00 : f32
    %gt3A_316 = vector.broadcast %gt3A_315 : f32 to vector<1792xf32>
    %gt3A_317 = arith.cmpf ogt, %slice3A_314, %gt3A_316 : vector<1792xf32>
    %slice3A_318 = vector.extract_strided_slice %add3A_92 {offsets = [59136], sizes = [1792], strides = [1]} : vector<102144xf32> to vector<1792xf32>
    %gt3A_319 = arith.constant 0.000000e+00 : f32
    %gt3A_320 = vector.broadcast %gt3A_319 : f32 to vector<1792xf32>
    %gt3A_321 = arith.cmpf ogt, %slice3A_318, %gt3A_320 : vector<1792xf32>
    %ne3A_322 = arith.xori %gt3A_317, %gt3A_321 : vector<1792xi1>
    %convert_element_type3A_323 = arith.extui %ne3A_322 : vector<1792xi1> to vector<1792xi32>
    %convert_element_type3A_324 = arith.sitofp %convert_element_type3A_323 : vector<1792xi32> to vector<1792xf32>
    %add3A_325 = arith.addf %add3A_309, %convert_element_type3A_324 : vector<1792xf32>
    %slice3A_326 = vector.extract_strided_slice %add3A_92 {offsets = [26880], sizes = [1792], strides = [1]} : vector<102144xf32> to vector<1792xf32>
    %add3A_327 = arith.addf %add3A_311, %slice3A_326 : vector<1792xf32>
    %slice3A_328 = vector.extract_strided_slice %add3A_92 {offsets = [94976], sizes = [1792], strides = [1]} : vector<102144xf32> to vector<1792xf32>
    %add3A_329 = arith.addf %add3A_313, %slice3A_328 : vector<1792xf32>
    %slice3A_330 = vector.extract_strided_slice %add3A_92 {offsets = [26880], sizes = [1792], strides = [1]} : vector<102144xf32> to vector<1792xf32>
    %gt3A_331 = arith.constant 0.000000e+00 : f32
    %gt3A_332 = vector.broadcast %gt3A_331 : f32 to vector<1792xf32>
    %gt3A_333 = arith.cmpf ogt, %slice3A_330, %gt3A_332 : vector<1792xf32>
    %slice3A_334 = vector.extract_strided_slice %add3A_92 {offsets = [60928], sizes = [1792], strides = [1]} : vector<102144xf32> to vector<1792xf32>
    %gt3A_335 = arith.constant 0.000000e+00 : f32
    %gt3A_336 = vector.broadcast %gt3A_335 : f32 to vector<1792xf32>
    %gt3A_337 = arith.cmpf ogt, %slice3A_334, %gt3A_336 : vector<1792xf32>
    %ne3A_338 = arith.xori %gt3A_333, %gt3A_337 : vector<1792xi1>
    %convert_element_type3A_339 = arith.extui %ne3A_338 : vector<1792xi1> to vector<1792xi32>
    %convert_element_type3A_340 = arith.sitofp %convert_element_type3A_339 : vector<1792xi32> to vector<1792xf32>
    %add3A_341 = arith.addf %add3A_325, %convert_element_type3A_340 : vector<1792xf32>
    %slice3A_342 = vector.extract_strided_slice %add3A_92 {offsets = [28672], sizes = [1792], strides = [1]} : vector<102144xf32> to vector<1792xf32>
    %add3A_343 = arith.addf %add3A_327, %slice3A_342 : vector<1792xf32>
    %slice3A_344 = vector.extract_strided_slice %add3A_92 {offsets = [96768], sizes = [1792], strides = [1]} : vector<102144xf32> to vector<1792xf32>
    %add3A_345 = arith.addf %add3A_329, %slice3A_344 : vector<1792xf32>
    %slice3A_346 = vector.extract_strided_slice %add3A_92 {offsets = [28672], sizes = [1792], strides = [1]} : vector<102144xf32> to vector<1792xf32>
    %gt3A_347 = arith.constant 0.000000e+00 : f32
    %gt3A_348 = vector.broadcast %gt3A_347 : f32 to vector<1792xf32>
    %gt3A_349 = arith.cmpf ogt, %slice3A_346, %gt3A_348 : vector<1792xf32>
    %slice3A_350 = vector.extract_strided_slice %add3A_92 {offsets = [62720], sizes = [1792], strides = [1]} : vector<102144xf32> to vector<1792xf32>
    %gt3A_351 = arith.constant 0.000000e+00 : f32
    %gt3A_352 = vector.broadcast %gt3A_351 : f32 to vector<1792xf32>
    %gt3A_353 = arith.cmpf ogt, %slice3A_350, %gt3A_352 : vector<1792xf32>
    %ne3A_354 = arith.xori %gt3A_349, %gt3A_353 : vector<1792xi1>
    %convert_element_type3A_355 = arith.extui %ne3A_354 : vector<1792xi1> to vector<1792xi32>
    %convert_element_type3A_356 = arith.sitofp %convert_element_type3A_355 : vector<1792xi32> to vector<1792xf32>
    %add3A_357 = arith.addf %add3A_341, %convert_element_type3A_356 : vector<1792xf32>
    %slice3A_358 = vector.extract_strided_slice %add3A_92 {offsets = [30464], sizes = [1792], strides = [1]} : vector<102144xf32> to vector<1792xf32>
    %add3A_359 = arith.addf %add3A_343, %slice3A_358 : vector<1792xf32>
    %slice3A_360 = vector.extract_strided_slice %add3A_92 {offsets = [98560], sizes = [1792], strides = [1]} : vector<102144xf32> to vector<1792xf32>
    %add3A_361 = arith.addf %add3A_345, %slice3A_360 : vector<1792xf32>
    %slice3A_362 = vector.extract_strided_slice %add3A_92 {offsets = [30464], sizes = [1792], strides = [1]} : vector<102144xf32> to vector<1792xf32>
    %gt3A_363 = arith.constant 0.000000e+00 : f32
    %gt3A_364 = vector.broadcast %gt3A_363 : f32 to vector<1792xf32>
    %gt3A_365 = arith.cmpf ogt, %slice3A_362, %gt3A_364 : vector<1792xf32>
    %slice3A_366 = vector.extract_strided_slice %add3A_92 {offsets = [64512], sizes = [1792], strides = [1]} : vector<102144xf32> to vector<1792xf32>
    %gt3A_367 = arith.constant 0.000000e+00 : f32
    %gt3A_368 = vector.broadcast %gt3A_367 : f32 to vector<1792xf32>
    %gt3A_369 = arith.cmpf ogt, %slice3A_366, %gt3A_368 : vector<1792xf32>
    %ne3A_370 = arith.xori %gt3A_365, %gt3A_369 : vector<1792xi1>
    %convert_element_type3A_371 = arith.extui %ne3A_370 : vector<1792xi1> to vector<1792xi32>
    %convert_element_type3A_372 = arith.sitofp %convert_element_type3A_371 : vector<1792xi32> to vector<1792xf32>
    %add3A_373 = arith.addf %add3A_357, %convert_element_type3A_372 : vector<1792xf32>
    %slice3A_374 = vector.extract_strided_slice %add3A_92 {offsets = [32256], sizes = [1792], strides = [1]} : vector<102144xf32> to vector<1792xf32>
    %add3A_375 = arith.addf %add3A_359, %slice3A_374 : vector<1792xf32>
    %slice3A_376 = vector.extract_strided_slice %add3A_92 {offsets = [100352], sizes = [1792], strides = [1]} : vector<102144xf32> to vector<1792xf32>
    %add3A_377 = arith.addf %add3A_361, %slice3A_376 : vector<1792xf32>
    %slice3A_378 = vector.extract_strided_slice %add3A_92 {offsets = [32256], sizes = [1792], strides = [1]} : vector<102144xf32> to vector<1792xf32>
    %gt3A_379 = arith.constant 0.000000e+00 : f32
    %gt3A_380 = vector.broadcast %gt3A_379 : f32 to vector<1792xf32>
    %gt3A_381 = arith.cmpf ogt, %slice3A_378, %gt3A_380 : vector<1792xf32>
    %slice3A_382 = vector.extract_strided_slice %add3A_92 {offsets = [66304], sizes = [1792], strides = [1]} : vector<102144xf32> to vector<1792xf32>
    %gt3A_383 = arith.constant 0.000000e+00 : f32
    %gt3A_384 = vector.broadcast %gt3A_383 : f32 to vector<1792xf32>
    %gt3A_385 = arith.cmpf ogt, %slice3A_382, %gt3A_384 : vector<1792xf32>
    %ne3A_386 = arith.xori %gt3A_381, %gt3A_385 : vector<1792xi1>
    %convert_element_type3A_387 = arith.extui %ne3A_386 : vector<1792xi1> to vector<1792xi32>
    %convert_element_type3A_388 = arith.sitofp %convert_element_type3A_387 : vector<1792xi32> to vector<1792xf32>
    %add3A_389 = arith.addf %add3A_373, %convert_element_type3A_388 : vector<1792xf32>
    %iota3A = tpu.iota {dimensions = array<i32: 1>} : vector<1x1792xi32>
    %iota3A_390 = vector.shape_cast %iota3A : vector<1x1792xi32> to vector<1792xi32>
    %lt3A = arith.constant 1664 : i32
    %lt3A_391 = vector.broadcast %lt3A : i32 to vector<1792xi32>
    %lt3A_392 = arith.cmpi slt, %iota3A_390, %lt3A_391 : vector<1792xi32>
    %gt3A_393 = arith.constant 0.000000e+00 : f32
    %gt3A_394 = vector.broadcast %gt3A_393 : f32 to vector<1792xf32>
    %gt3A_395 = arith.cmpf ogt, %add3A_375, %gt3A_394 : vector<1792xf32>
    %and3A = arith.andi %gt3A_395, %lt3A_392 : vector<1792xi1>
    %max3A = arith.constant 1.000000e+00 : f32
    %max3A_396 = vector.broadcast %max3A : f32 to vector<1792xf32>
    %max3A_397 = arith.maximumf %add3A_375, %max3A_396 : vector<1792xf32>
    %div3A = arith.divf %add3A_377, %max3A_397 : vector<1792xf32>
    %convert_element_type3A_398 = arith.extui %and3A : vector<1792xi1> to vector<1792xi32>
    %convert_element_type3A_399 = arith.sitofp %convert_element_type3A_398 : vector<1792xi32> to vector<1792xf32>
    %reduce_sum3A = vector.shape_cast %convert_element_type3A_399 : vector<1792xf32> to vector<1x1792xf32>
    %reduce_sum3A_400 = arith.constant dense<0.000000e+00> : vector<1xf32>
    %reduce_sum3A_401 = vector.multi_reduction <add>, %reduce_sum3A, %reduce_sum3A_400 [1] : vector<1x1792xf32> to vector<1xf32>
    %reduce_sum3A_402 = vector.shape_cast %reduce_sum3A_401 : vector<1xf32> to vector<1x1xf32>
    %reduce_sum3A_403 = vector.extract %reduce_sum3A_402[0, 0] : f32 from vector<1x1xf32>
    %mul3A = arith.mulf %add3A_389, %div3A : vector<1792xf32>
    %jit3A = arith.constant 0.000000e+00 : f32
    %broadcast_in_dim3A = vector.broadcast %jit3A : f32 to vector<1792xf32>
    %select_n3A = arith.select %and3A, %mul3A, %broadcast_in_dim3A : vector<1792xi1>, vector<1792xf32>
    %reduce_sum3A_404 = vector.shape_cast %select_n3A : vector<1792xf32> to vector<1x1792xf32>
    %reduce_sum3A_405 = arith.constant dense<0.000000e+00> : vector<1xf32>
    %reduce_sum3A_406 = vector.multi_reduction <add>, %reduce_sum3A_404, %reduce_sum3A_405 [1] : vector<1x1792xf32> to vector<1xf32>
    %reduce_sum3A_407 = vector.shape_cast %reduce_sum3A_406 : vector<1xf32> to vector<1x1xf32>
    %reduce_sum3A_408 = vector.extract %reduce_sum3A_407[0, 0] : f32 from vector<1x1xf32>
    %add3A_409 = arith.constant 1.000000e-03 : f32
    %add3A_410 = arith.addf %reduce_sum3A_403, %add3A_409 : f32
    %div3A_411 = arith.divf %reduce_sum3A_408, %add3A_410 : f32
    %get3A_412 = arith.constant 0 : index
    %get3A_413 = memref.load %arg0[%get3A_412] : memref<4xf32, #tpu.memory_space<smem>>
    %div3A_414 = arith.constant 0x49800000 : f32
    %div3A_415 = arith.divf %get3A_413, %div3A_414 : f32
    %get3A_416 = arith.constant 1 : index
    %get3A_417 = memref.load %arg0[%get3A_416] : memref<4xf32, #tpu.memory_space<smem>>
    %get3A_418 = arith.constant 1 : index
    %get3A_419 = memref.load %arg0[%get3A_418] : memref<4xf32, #tpu.memory_space<smem>>
    %mul3A_420 = arith.mulf %get3A_417, %get3A_419 : f32
    %mul3A_421 = arith.constant 5.000000e-01 : f32
    %mul3A_422 = arith.mulf %mul3A_421, %mul3A_420 : f32
    %div3A_423 = arith.constant 1.09951163E+12 : f32
    %div3A_424 = arith.divf %mul3A_422, %div3A_423 : f32
    %sub3A = arith.subf %div3A_415, %div3A_424 : f32
    %get3A_425 = arith.constant 2 : index
    %get3A_426 = memref.load %arg0[%get3A_425] : memref<4xf32, #tpu.memory_space<smem>>
    %get3A_427 = arith.constant 3 : index
    %get3A_428 = memref.load %arg0[%get3A_427] : memref<4xf32, #tpu.memory_space<smem>>
    %div3A_429 = arith.divf %get3A_426, %get3A_428 : f32
    %swap3A = arith.constant 0 : index
    %swap3A_430 = memref.load %arg2[%swap3A] : memref<3xf32, #tpu.memory_space<smem>>
    memref.store %sub3A, %arg2[%swap3A] : memref<3xf32, #tpu.memory_space<smem>>
    %swap3A_431 = arith.constant 1 : index
    %swap3A_432 = memref.load %arg2[%swap3A_431] : memref<3xf32, #tpu.memory_space<smem>>
    memref.store %div3A_429, %arg2[%swap3A_431] : memref<3xf32, #tpu.memory_space<smem>>
    %swap3A_433 = arith.constant 2 : index
    %swap3A_434 = memref.load %arg2[%swap3A_433] : memref<3xf32, #tpu.memory_space<smem>>
    memref.store %div3A_411, %arg2[%swap3A_433] : memref<3xf32, #tpu.memory_space<smem>>
    return
  }
}

</mosaic_0001>

<sc_bundles>
// kernel: kernel.6.cloned.1.call-start
scs
__scs_entry_jumppad:
0x0: {  	(pc) =	sbr.rel $0x88, $3  }
0x1: {  	(tag) =	ssettag $0x0;
	lr =	simm.s32 $0x1  }
0x2: {  	[smem:$0x3F9C] =	sst lr;
	_ =	strace $0xD0000000  }
0x3: {  	_ = 	snop  }
0x4: {  	_ = 	snop  }
0x5: {  	_ = 	snop  }
0x6: {  	_ = 	snop  }
0x7: {  	_ = 	snop  }
__scs_overlays_trampoline_lowered:
0x8: {  	[smem:$0x3FAB] =	sst s0  }
0x9: {  	[smem:$0x3FAC] =	sst s1  }
0xa: {  	[smem:$0x3FAD] =	sst s2  }
0xb: {  	[smem:$0x3FAE] =	sst s3  }
0xc: {  	[smem:$0x3FAF] =	sst s4  }
0xd: {  	[smem:$0x3FB0] =	sst s5  }
0xe: {  	[smem:$0x3FB1] =	sst s6  }
0xf: {  	[smem:$0x3FB2] =	sst s7  }
0x10: {  	[smem:$0x3FB3] =	sst s8  }
0x11: {  	[smem:$0x3FB4] =	sst s9;
	s0 =	simm.s32 @!p0 $0x0  }
0x12: {  	s1 =	sld [smem:$0x3F9A];
	s0 =	simm.s32 @p0 $0x1  }
0x13: {  	[smem:$0x3FB5] =	sst s0;
	s0 =	simm.s32 @!p1 $0x0  }
0x14: {  	s2 =	sld [smem:$0x3F99];
	s0 =	simm.s32 @p1 $0x1  }
0x15: {  	[smem:$0x3FB6] =	sst s0;
	s0 =	simm.s32 @!p2 $0x0  }
0x16: {  	s3 =	sld [smem:$0x3FDB];
	s0 =	simm.s32 @p2 $0x1  }
0x17: {  	s4 =	simm.s32 $0x1BF5;
	[smem:$0x3FB8] =	sst s0  }
0x18: {  	s0 =	sld [smem:$0x3F9B];
	_ =	swait.ge [sflag:s4], $0x0  }
0x19: {  	s7 =	sld [smem:$0x3F9C]  }
0x1a: {  	s8 =	sadd.s32 $0xFFFFE003, lr  }
0x1b: {  	s9 =	sadd.s32 $0xFFFFFEF7, lr;
	s5 =	simm.s32 $0xFFFFFFFF;
	p2 =	slt.u32 s8, $0xFFFFF086  }
0x1c: {  	p1 =	slt.u32 s9, $0xF7A;
	s5 =	simm.s32 @!p2 $0x0  }
0x1d: {  	s5 =	simm.s32 @p1 $0x1;
	p0 =	seq.s32 s7, s2  }
0x1e: {  	s7 =	smul.u32 @!p0 $0xF7A, s2;
	p2 =	seq.s32 @!p0 s5, $0x0  }
0x1f: {  	s9 =	smul.u32 $0xF7A, s1;
	s8 =	simm.s32 @!p0 $0x1BF5;
	p2 =	por !p2, p0  }
0x20: {  	[sflag:s8] =	ssyncset.s32 @!p0 $0xFFFFF086;
	s6 =	sadd.s32 @!p0 s3, s7;
	s7 =	simm.s32 @!p0 $0x108  }
0x21: {  	s3 =	sadd.s32 s3, s9;
	s6 =	sadd.s32 @!p0 $0x88, s6;
	s7 =	simm.s32 @p2 $0x1082  }
0x22: {  	[simem:s7], [sflag:s8] =	dma.local @!p0 [hbm:s6], $0xF7A  }
0x23: {  	s9 =	sor.u32 $0xD0000000, s2;
	s6 =	simm.s32 $0x108;
	_ =	swait.ge @!p0 [sflag:s8], $0x0  }
0x24: {  	s3 =	sadd.s32 $0x88, s3;
	s6 =	simm.s32 @!p1 $0x1082;
	[sflag:s4] =	ssyncset.s32 $0xFFFFF086  }
0x25: {  	[simem:s6], [sflag:s4] =	dma.local [hbm:s3], $0xF7A  }
0x26: {  	[smem:$0x3F9C] =	sst s1;
	(tag) =	ssettag s2;
	_ =	strace s9  }
0x27: {  	s1 =	sld [smem:$0x3FAC]  }
0x28: {  	s2 =	sld [smem:$0x3FAD]  }
0x29: {  	s4 =	sld [smem:$0x3FAF]  }
0x2a: {  	p0 =	seq.s32 s5, $0x0;
	s5 =	sld [smem:$0x3FB0]  }
0x2b: {  	s6 =	sld [smem:$0x3FB1]  }
0x2c: {  	s7 =	sld [smem:$0x3FB2]  }
0x2d: {  	s3 =	simm.s32 $0x108;
	s8 =	sld [smem:$0x3FB3]  }
0x2e: {  	s3 =	simm.s32 @!p0 $0x1082;
	s9 =	sld [smem:$0x3FB4]  }
0x2f: {  	lr =	sadd.s32 s0, s3;
	s0 =	sld [smem:$0x3FAB]  }
0x30: {  	s3 =	sld [smem:$0x3FAE]  }
0x31: {  	[smem:$0x3FB7] =	sst s10  }
0x32: {  	s10 =	sld [smem:$0x3FB5];
	_ =	sdelay $0x3  }
0x33: {  	p0 =	seq.s32 s10, $0x1;
	s10 =	sld [smem:$0x3FB7];
	_ =	sdelay $0x3  }
0x34: {  	[smem:$0x3FB7] =	sst s10  }
0x35: {  	s10 =	sld [smem:$0x3FB6];
	_ =	sdelay $0x3  }
0x36: {  	p1 =	seq.s32 s10, $0x1;
	s10 =	sld [smem:$0x3FB7];
	_ =	sdelay $0x3  }
0x37: {  	[smem:$0x3FB7] =	sst s10  }
0x38: {  	s10 =	sld [smem:$0x3FB8]  }
0x39: {  	_ = 	snop;
	(pc) =	sbr.ind lr, $3  }
0x3a: {  	_ = 	snop  }
0x3b: {  	_ = 	snop  }
0x3c: {  	p2 =	seq.s32 s10, $0x1;
	s10 =	sld [smem:$0x3FB7]  }
0x3d: {  	_ =	shalt  }
0x3e: {  	_ =	shalt  }
0x3f: {  	_ =	shalt  }
0x40: {  	_ =	shalt  }
0x41: {  	_ =	shalt  }
0x42: {  	_ =	shalt  }
0x43: {  	_ =	shalt  }
0x44: {  	_ =	shalt  }
0x45: {  	_ =	shalt  }
0x46: {  	_ =	shalt  }
0x47: {  	_ =	shalt  }
0x48: {  	_ =	shalt  }
0x49: {  	_ =	shalt  }
0x4a: {  	_ =	shalt  }
0x4b: {  	_ =	shalt  }
0x4c: {  	_ =	shalt  }
0x4d: {  	_ =	shalt  }
0x4e: {  	_ =	shalt  }
0x4f: {  	_ =	shalt  }
0x50: {  	_ =	shalt  }
0x51: {  	_ =	shalt  }
0x52: {  	_ =	shalt  }
0x53: {  	_ =	shalt  }
0x54: {  	_ =	shalt  }
0x55: {  	_ =	shalt  }
0x56: {  	_ =	shalt  }
0x57: {  	_ =	shalt  }
0x58: {  	_ =	shalt  }
0x59: {  	_ =	shalt  }
0x5a: {  	_ =	shalt  }
0x5b: {  	_ =	shalt  }
0x5c: {  	_ =	shalt  }
0x5d: {  	_ =	shalt  }
0x5e: {  	_ =	shalt  }
0x5f: {  	_ =	shalt  }
0x60: {  	_ =	shalt  }
0x61: {  	_ =	shalt  }
0x62: {  	_ =	shalt  }
0x63: {  	_ =	shalt  }
0x64: {  	_ =	shalt  }
0x65: {  	_ =	shalt  }
0x66: {  	_ =	shalt  }
0x67: {  	_ =	shalt  }
0x68: {  	_ =	shalt  }
0x69: {  	_ =	shalt  }
0x6a: {  	_ =	shalt  }
0x6b: {  	_ =	shalt  }
0x6c: {  	_ =	shalt  }
0x6d: {  	_ =	shalt  }
0x6e: {  	_ =	shalt  }
0x6f: {  	_ =	shalt  }
0x70: {  	_ =	shalt  }
0x71: {  	_ =	shalt  }
0x72: {  	_ =	shalt  }
0x73: {  	_ =	shalt  }
0x74: {  	_ =	shalt  }
0x75: {  	_ =	shalt  }
0x76: {  	_ =	shalt  }
0x77: {  	_ =	shalt  }
0x78: {  	_ =	shalt  }
0x79: {  	_ =	shalt  }
0x7a: {  	_ =	shalt  }
0x7b: {  	_ =	shalt  }
0x7c: {  	_ =	shalt  }
0x7d: {  	_ =	shalt  }
0x7e: {  	_ =	shalt  }
0x7f: {  	_ =	shalt  }
0x80: {  	_ =	shalt  }
0x81: {  	_ =	shalt  }
0x82: {  	_ =	shalt  }
0x83: {  	_ =	shalt  }
0x84: {  	_ =	shalt  }
0x85: {  	_ =	shalt  }
0x86: {  	_ =	shalt  }
0x87: {  	_ =	shalt  }
.Lfunc_end0:
.L_simem_size_0:
called_computation_lowered:
.L_overlay_start_0:
0x88: {  	s2 =	sld [smem:$0x3FD9]  }
0x89: {  	s3 =	sld [smem:$0x3FFE];
	_ =	sdelay $0x1  }
0x8a: {  	s1 =	srdreg.scid  }
0x8b: {  	s0 =	sand.u32 $0x1, s1  }
0x8c: {  	s16 =	sshll.u32 s0, $0xA;
	s2 =	sadd.s32 s3, s2  }
0x8d: {  	s2 =	sadd.s32 s2, s16  }
0x8e: {  	[smem:$0x3FC3] =	sst s2  }
0x8f: {  	_ = 	snop  }
0x90: {  	(tm) =	ssettm $0x1  }
0x91: {  	s17 =	sld [smem:$0x3FFB];
	_ =	sdelay $0x3  }
0x92: {  	_ =	strace s17  }
0x93: {  	s2 =	sld [smem:$0x3FFC];
	_ =	sdelay $0x3  }
0x94: {  	_ =	strace s2  }
0x95: {  	s2 =	sld [smem:$0x3FFD];
	_ =	sdelay $0x3  }
0x96: {  	_ =	strace s2  }
0x97: {  	_ =	strace $0x8FFFFFFF  }
0x98: {  	s18 =	sld [smem:$0x3FDB];
	_ =	sdelay $0x1  }
0x99: {  	s19 =	simm.s32 $_scs_section_size  }
0x9a: {  	s4 =	simm.s32 $_size__tile_overlayer_lowered;
	s5 =	simm.s32 $_tile_overlayer_lowered  }
0x9b: {  	s22 =	simm.s32 $0x1BFF;
	s21 =	sshll.u32 s5, $0x1;
	s2 =	sadd.s32 s19, s18  }
0x9c: {  	s6 =	simm.s32 $0x0;
	s20 =	sshll.u32 s4, $0x1;
	s4 =	sadd.s32 s21, s2  }
0x9d: {  	[timem:s6], [sflag:s22] =	dma.local [hbm:s4], s20  }
0x9e: {  	_ =	swait.ge [sflag:s22], s20  }
0x9f: {  	s3 =	ssub.s32 $0x0, s20;
	[sflag:s22] =	ssyncset.done $0x0  }
0xa0: {  	[sflag:s22] =	ssyncadd.s32 s3;
	_ =	sdelay $0x1  }
0xa1: {  	s23 =	simm.s32 $0x1B8B  }
0xa2: {  	_ =	swait.ge [sflag:s23], $0x1  }
0xa3: {  	[sflag:s23] =	ssyncset.done $0x0  }
0xa4: {  	s25 =	simm.s32 $0x1B8E;
	s24 =	sld [smem:$0x3FFE];
	[sflag:s23] =	ssyncadd.s32 $0xFFFFFFFF  }
0xa5: {  	s26 =	simm.s32 $execute0_lowered;
	[smem:$0x3FD2] =	sst s25  }
0xa6: {  	s4 =	sshll.u32 s26, $0x1;
	_ =	strace $0x80000046;
	[dreg:$0x1] =	wrdreg $0xFFFFFFFF  }
0xa7: {  	s28 =	simm.s32 $_size_execute0_lowered;
	s2 =	sadd.s32 s2, s4;
	[dreg:$0x0] =	wrdreg $0x0  }
0xa8: {  	s4 =	sshll.u32 s28, $0x1;
	[dreg:$0x2] =	wrdreg s2  }
0xa9: {  	[dreg:$0x3] =	wrdreg s4  }
0xaa: {  	[dreg:$0x4] =	wrdreg $0xC0  }
0xab: {  	_ =	task [dreg:s6], $0x5FFFF  }
0xac: {  	[dreg:$0x1] =	wrdreg $0xFFFFFFFF  }
0xad: {  	[dreg:$0x0] =	wrdreg $0x60  }
0xae: {  	[dreg:$0x2] =	wrdreg s24  }
0xaf: {  	[dreg:$0x3] =	wrdreg $0x9  }
0xb0: {  	_ =	task.clear_ibuf [dreg:s6], $0x4FFFF;
	_ =	strace $0x90000046  }
0xb1: {  	s29 =	simm.s32 $0x9;
	_ =	strace $0x80000048  }
0xb2: {  	_ =	swait.ge [sflag:s29], $0x1  }
0xb3: {  	[sflag:s29] =	ssyncadd.s32 $0xFFFFFFFF  }
0xb4: {  	_ =	strace $0x90000048  }
0xb5: {  	_ =	sfence  }
0xb6: {  	s30 =	sld [smem:$0x0];
	_ =	sdelay $0x2  }
0xb7: {  	s31 =	sshll.u32 s1, $0xD;
	s1 =	sshrl.u32 s1, $0x2  }
0xb8: {  	s3 =	sand.u32 $0x4000, s31;
	s1 =	sadd.s32 s1, s30  }
0xb9: {  	s0 =	sor.u32 s3, s0;
	s1 =	sshll.u32 s1, $0x11  }
0xba: {  	s0 =	sor.u32 s1, s0  }
0xbb: {  	s0 =	sadd.s32 $0x8F2B, s0  }
0xbc: {  	[sflag:s0] =	ssyncadd.remote.s32 $0x1  }
0xbd: {  	_ =	sfence.sel $0xFFFF  }
0xbe: {  	[dreg:$0x0] =	wrdreg $0xFFFFFFFF;
	(pc) =	sbr.abs _section_cstart, $3  }
0xbf: {  	[dreg:$0x1] =	wrdreg $0xFFFFFFFF  }
0xc0: {  	_ =	task.clear_ibuf [dreg:s6], $0x2FFFF;
	_ =	strace $0x9FFFFFFF  }
0xc1: {  	(tm) =	ssettm $0x7FFFFFFF  }
tec
execute0_lowered:
.L_overlay_start_1:
0x0: {  	(tag) =	ssettag $0x1  }
0x1: {  	s0 =	rddreg [dreg:$0x0];
	s1 =	srdreg.scid  }
0x2: {  	s2 =	simm.s32 $0x0;
	s21 =	simm.s32 $0x18F00;
	s22 =	simm.s32 $0x1AF00  }
0x3: {  	s23 =	simm.s32 $0x19F00;
	s24 =	simm.s32 $0x1BF00;
	s25 =	simm.s32 $0x1  }
0x4: {  	s26 =	simm.s32 $0x2;
	s28 =	simm.s32 $0x3;
	s29 =	simm.s32 $0x0  }
0x5: {  	s3 =	sand.u32 $0x1, s1;
	s1 =	stileid.u32;
	[smem:$0x7FF] =	sst s2  }
0x6: {  	s17 =	sadd.s32 $0x21200, s0;
	s18 =	sadd.s32 $0x1200, s0;
	s4 =	sshll.u32 s3, $0x4  }
0x7: {  	_ =	strace $0x80000047;
	s3 =	ssub.s32 $0x2, s3;
	s4 =	sor.u32 s1, s4  }
0x8: {  	s6 =	sshrl.u32 s3, $0x1;
	s5 =	smul.u32 $0x31E0, s4;
	s19 =	sshll.u32 s4, $0xC  }
0x9: {  	s20 =	ssub.s32 s3, s6;
	s3 =	sadd.s32 s17, s19;
	s4 =	sadd.s32 s18, s19  }
0xa: {  	s31 =	sor.u32 $0x200, s19;
	s8 =	sor.u32 $0x400, s19;
	s10 =	sor.u32 $0x600, s19  }
0xb: {  	s12 =	sor.u32 $0x800, s19;
	s14 =	sor.u32 $0xA00, s19;
	s16 =	sor.u32 $0xC00, s19  }
0xc: {  	s19 =	sor.u32 $0xE00, s19;
	s20 =	smax.u32 s20, $0x1;
	s0 =	sadd.s32 s5, s0  }
0xd: {  	s5 =	sadd.s32 s17, s31;
	s6 =	sadd.s32 s18, s31;
	s7 =	sadd.s32 s17, s8  }
0xe: {  	s8 =	sadd.s32 s18, s8;
	s9 =	sadd.s32 s17, s10;
	s10 =	sadd.s32 s18, s10  }
0xf: {  	s11 =	sadd.s32 s17, s12;
	s12 =	sadd.s32 s18, s12;
	s13 =	sadd.s32 s17, s14  }
0x10: {  	s14 =	sadd.s32 s18, s14;
	s15 =	sadd.s32 s17, s16;
	s16 =	sadd.s32 s18, s16  }
0x11: {  	v0 =	vimm.f32 $0.0e+00;
	v1 =	vimm.f32 $1.000000000e+00;
	s17 =	sadd.s32 s17, s19;
	s18 =	sadd.s32 s18, s19;
	s19 =	sadd.s32 $0x41200, s0  }
.LBB2_1:
0x12: {  	s0 =	simm.s32 $0x80  }
0x13: {  	[tilespmem:s0+$0xFFFFFF80] =	vst v0  }
0x14: {  	[tilespmem:s0+$0x70] =	vst v0  }
0x15: {  	[tilespmem:s0+$0x60] =	vst v0  }
0x16: {  	[tilespmem:s0+$0x50] =	vst v0  }
0x17: {  	[tilespmem:s0+$0x40] =	vst v0  }
0x18: {  	[tilespmem:s0+$0x30] =	vst v0  }
0x19: {  	[tilespmem:s0+$0x20] =	vst v0  }
0x1a: {  	[tilespmem:s0+$0x10] =	vst v0  }
0x1b: {  	[tilespmem:s0+$0x0] =	vst v0  }
0x1c: {  	[tilespmem:s0+$0xFFFFFFF0] =	vst v0  }
0x1d: {  	[tilespmem:s0+$0xFFFFFFE0] =	vst v0  }
0x1e: {  	[tilespmem:s0+$0xFFFFFFD0] =	vst v0  }
0x1f: {  	[tilespmem:s0+$0xFFFFFFC0] =	vst v0  }
0x20: {  	[tilespmem:s0+$0xFFFFFFB0] =	vst v0  }
0x21: {  	s30 =	simm.s32 $0x0;
	[tilespmem:s0+$0xFFFFFFA0] =	vst v0  }
.LBB2_2:
0x22: {  	s30 =	sadd.s32 $0x4, s30;
	[tilespmem:s0+$0xFFFFFF90] =	vst v0;
	s0 =	sadd.s32 $0x100, s0  }
0x23: {  	[tilespmem:s0+$0xFFFFFF80] =	vst v0;
	p0 =	slt.u32 s30, $0x638  }
0x24: {  	[tilespmem:s0+$0x70] =	vst v0  }
0x25: {  	[tilespmem:s0+$0x60] =	vst v0  }
0x26: {  	[tilespmem:s0+$0x50] =	vst v0  }
0x27: {  	[tilespmem:s0+$0x40] =	vst v0  }
0x28: {  	[tilespmem:s0+$0x30] =	vst v0  }
0x29: {  	[tilespmem:s0+$0x20] =	vst v0  }
0x2a: {  	[tilespmem:s0+$0x10] =	vst v0  }
0x2b: {  	[tilespmem:s0+$0x0] =	vst v0  }
0x2c: {  	[tilespmem:s0+$0xFFFFFFF0] =	vst v0  }
.Ltmp0:
0x2d: {  	[tilespmem:s0+$0xFFFFFFE0] =	vst v0;
	(pc) =	sbr.rel @p0 .LBB2_2-.Ltmp0, $4  }
0x2e: {  	[tilespmem:s0+$0xFFFFFFD0] =	vst v0  }
0x2f: {  	[tilespmem:s0+$0xFFFFFFC0] =	vst v0  }
0x30: {  	[tilespmem:s0+$0xFFFFFFB0] =	vst v0  }
0x31: {  	[tilespmem:s0+$0xFFFFFFA0] =	vst v0  }
0x32: {  	[tilespmem:s0+$0xFFFFFF90] =	vst v0  }
0x33: {  	[tilespmem:s21], [sflag:$0x1] =	stream.linear.gather [hbm4b:s3+s2], $0x1000, $0x38;
	[tilespmem:$0x1CF00] =	vst v63  }
0x34: {  	_ = 	snop  }
0x35: {  	[tilespmem:s22], [sflag:$0x1] =	stream.linear.gather [hbm4b:s4+s2], $0x1000, $0x38;
	[tilespmem:$0x1CF00] =	vst v63  }
0x36: {  	_ = 	snop  }
0x37: {  	[tilespmem:s23], [sflag:$0x2] =	stream.linear.gather [hbm4b:s5+s2], $0x1000, $0x38;
	[tilespmem:$0x1CF00] =	vst v63  }
0x38: {  	_ = 	snop  }
0x39: {  	[tilespmem:s24], [sflag:$0x2] =	stream.linear.gather [hbm4b:s6+s2], $0x1000, $0x38;
	[tilespmem:$0x1CF00] =	vst v63  }
0x3a: {  	_ =	swait.ge [sflag:s25], $0x1000  }
0x3b: {  	[sflag:s25] =	ssyncset.done $0x0  }
0x3c: {  	[sflag:s25] =	ssyncadd.s32 $0xFFFFF000  }
0x3d: {  	_ =	swait.ge [sflag:s25], $0x1000  }
0x3e: {  	s30 =	simm.s32 $0xFFFFFFF8;
	[sflag:s25] =	ssyncset.done $0x0  }
0x3f: {  	s31 =	simm.s32 $0x18F40;
	s0 =	simm.s32 $0x1AF40;
	[sflag:s25] =	ssyncadd.s32 $0xFFFFF000  }
.LBB2_4:
0x40: {  	v2 =	vld [tilespmem:s31+$0xFFFFFFC0];
	_ =	sdelay $0x4  }
0x41: {  	v3 =	vshrl.u32 v2, $0x10  }
0x42: {  	v4 =	vadd.s32 $0x8500, v3  }
0x43: {  	v2 =	vand.u32 $0xFFFF, v2;
	v3 =	vand.u32 $0x7F, v3;
	v4 =	vand.u32 $0x1FF80, v4  }
0x44: {  	v3 =	vor.u32 v3, v4  }
0x45: {  	v42 =	vld [tilespmem:s0+$0xFFFFFFC0];
	v5 =	vadd.s32 $0x10A00, v2;
	_ =	sdelay $0x2  }
0x46: {  	[tilespmem:v2+s2+$0x0] =	vst.idx.add.f32.msk $0xffff, v1  }
0x47: {  	[tilespmem:v3+s2+$0x0] =	vst.idx.add.f32.msk $0xffff, v1  }
0x48: {  	[tilespmem:v5+s2+$0x0] =	vst.idx.add.f32.msk $0xffff, v42  }
0x49: {  	v2 =	vld [tilespmem:s31+$0xFFFFFFD0];
	_ =	sdelay $0x4  }
0x4a: {  	v3 =	vshrl.u32 v2, $0x10  }
0x4b: {  	v43 =	vadd.s32 $0x8500, v3  }
0x4c: {  	v2 =	vand.u32 $0xFFFF, v2;
	v3 =	vand.u32 $0x7F, v3;
	v4 =	vand.u32 $0x1FF80, v43  }
0x4d: {  	v3 =	vor.u32 v3, v4  }
0x4e: {  	v44 =	vld [tilespmem:s0+$0xFFFFFFD0];
	v45 =	vadd.s32 $0x10A00, v2;
	_ =	sdelay $0x2  }
0x4f: {  	[tilespmem:v2+s2+$0x0] =	vst.idx.add.f32.msk $0xffff, v1  }
0x50: {  	[tilespmem:v3+s2+$0x0] =	vst.idx.add.f32.msk $0xffff, v1  }
0x51: {  	[tilespmem:v45+s2+$0x0] =	vst.idx.add.f32.msk $0xffff, v44  }
0x52: {  	v2 =	vld [tilespmem:s31+$0xFFFFFFE0];
	_ =	sdelay $0x4  }
0x53: {  	v3 =	vshrl.u32 v2, $0x10  }
0x54: {  	v46 =	vadd.s32 $0x8500, v3  }
0x55: {  	v2 =	vand.u32 $0xFFFF, v2;
	v3 =	vand.u32 $0x7F, v3;
	v4 =	vand.u32 $0x1FF80, v46  }
0x56: {  	v3 =	vor.u32 v3, v4  }
0x57: {  	v47 =	vld [tilespmem:s0+$0xFFFFFFE0];
	v48 =	vadd.s32 $0x10A00, v2;
	_ =	sdelay $0x2  }
0x58: {  	[tilespmem:v2+s2+$0x0] =	vst.idx.add.f32.msk $0xffff, v1  }
0x59: {  	[tilespmem:v3+s2+$0x0] =	vst.idx.add.f32.msk $0xffff, v1  }
0x5a: {  	[tilespmem:v48+s2+$0x0] =	vst.idx.add.f32.msk $0xffff, v47  }
0x5b: {  	v2 =	vld [tilespmem:s31+$0xFFFFFFF0];
	_ =	sdelay $0x4  }
0x5c: {  	v3 =	vshrl.u32 v2, $0x10  }
0x5d: {  	v49 =	vadd.s32 $0x8500, v3  }
0x5e: {  	v2 =	vand.u32 $0xFFFF, v2;
	v3 =	vand.u32 $0x7F, v3;
	v4 =	vand.u32 $0x1FF80, v49  }
0x5f: {  	v3 =	vor.u32 v3, v4  }
0x60: {  	v50 =	vld [tilespmem:s0+$0xFFFFFFF0];
	v51 =	vadd.s32 $0x10A00, v2;
	_ =	sdelay $0x2  }
0x61: {  	[tilespmem:v2+s2+$0x0] =	vst.idx.add.f32.msk $0xffff, v1  }
0x62: {  	[tilespmem:v3+s2+$0x0] =	vst.idx.add.f32.msk $0xffff, v1  }
0x63: {  	[tilespmem:v51+s2+$0x0] =	vst.idx.add.f32.msk $0xffff, v50  }
0x64: {  	v2 =	vld [tilespmem:s31+$0x0];
	_ =	sdelay $0x4  }
0x65: {  	v3 =	vshrl.u32 v2, $0x10  }
0x66: {  	v52 =	vadd.s32 $0x8500, v3  }
0x67: {  	v2 =	vand.u32 $0xFFFF, v2;
	v3 =	vand.u32 $0x7F, v3;
	v4 =	vand.u32 $0x1FF80, v52  }
0x68: {  	v3 =	vor.u32 v3, v4  }
0x69: {  	v53 =	vld [tilespmem:s0+$0x0];
	v54 =	vadd.s32 $0x10A00, v2;
	_ =	sdelay $0x2  }
0x6a: {  	[tilespmem:v2+s2+$0x0] =	vst.idx.add.f32.msk $0xffff, v1  }
0x6b: {  	[tilespmem:v3+s2+$0x0] =	vst.idx.add.f32.msk $0xffff, v1  }
0x6c: {  	[tilespmem:v54+s2+$0x0] =	vst.idx.add.f32.msk $0xffff, v53  }
0x6d: {  	v2 =	vld [tilespmem:s31+$0x10];
	_ =	sdelay $0x4  }
0x6e: {  	v3 =	vshrl.u32 v2, $0x10  }
0x6f: {  	v55 =	vadd.s32 $0x8500, v3  }
0x70: {  	v2 =	vand.u32 $0xFFFF, v2;
	v3 =	vand.u32 $0x7F, v3;
	v4 =	vand.u32 $0x1FF80, v55  }
0x71: {  	v3 =	vor.u32 v3, v4  }
0x72: {  	v56 =	vld [tilespmem:s0+$0x10];
	v57 =	vadd.s32 $0x10A00, v2;
	_ =	sdelay $0x2  }
0x73: {  	[tilespmem:v2+s2+$0x0] =	vst.idx.add.f32.msk $0xffff, v1  }
0x74: {  	[tilespmem:v3+s2+$0x0] =	vst.idx.add.f32.msk $0xffff, v1  }
0x75: {  	[tilespmem:v57+s2+$0x0] =	vst.idx.add.f32.msk $0xffff, v56  }
0x76: {  	v2 =	vld [tilespmem:s31+$0x20];
	_ =	sdelay $0x4  }
0x77: {  	v3 =	vshrl.u32 v2, $0x10  }
0x78: {  	v58 =	vadd.s32 $0x8500, v3  }
0x79: {  	v2 =	vand.u32 $0xFFFF, v2;
	v3 =	vand.u32 $0x7F, v3;
	v4 =	vand.u32 $0x1FF80, v58  }
0x7a: {  	v3 =	vor.u32 v3, v4  }
0x7b: {  	v59 =	vld [tilespmem:s0+$0x20];
	v60 =	vadd.s32 $0x10A00, v2;
	_ =	sdelay $0x2  }
0x7c: {  	[tilespmem:v2+s2+$0x0] =	vst.idx.add.f32.msk $0xffff, v1  }
0x7d: {  	[tilespmem:v3+s2+$0x0] =	vst.idx.add.f32.msk $0xffff, v1  }
0x7e: {  	[tilespmem:v60+s2+$0x0] =	vst.idx.add.f32.msk $0xffff, v59  }
0x7f: {  	v2 =	vld [tilespmem:s31+$0x30];
	_ =	sdelay $0x4  }
0x80: {  	v3 =	vshrl.u32 v2, $0x10  }
0x81: {  	v61 =	vadd.s32 $0x8500, v3  }
0x82: {  	v2 =	vand.u32 $0xFFFF, v2;
	v3 =	vand.u32 $0x7F, v3;
	v4 =	vand.u32 $0x1FF80, v61  }
0x83: {  	s30 =	sadd.s32 $0x8, s30;
	v3 =	vor.u32 v3, v4  }
0x84: {  	p0 =	slt.u32 s30, $0xF8;
	v62 =	vld [tilespmem:s0+$0x30];
	v63 =	vadd.s32 $0x10A00, v2  }
.Ltmp1:
0x85: {  	_ = 	snop;
	(pc) =	sbr.rel @p0 .LBB2_4-.Ltmp1, $4  }
0x86: {  	_ = 	snop  }
0x87: {  	[tilespmem:v2+s2+$0x0] =	vst.idx.add.f32.msk $0xffff, v1  }
0x88: {  	[tilespmem:v3+s2+$0x0] =	vst.idx.add.f32.msk $0xffff, v1  }
0x89: {  	s31 =	sadd.s32 $0x80, s31;
	s0 =	sadd.s32 $0x80, s0;
	[tilespmem:v63+s2+$0x0] =	vst.idx.add.f32.msk $0xffff, v62  }
0x8a: {  	[tilespmem:s21], [sflag:$0x1] =	stream.linear.gather [hbm4b:s7+s2], $0x1000, $0x38;
	[tilespmem:$0x1CF00] =	vst v63  }
0x8b: {  	_ = 	snop  }
0x8c: {  	[tilespmem:s22], [sflag:$0x1] =	stream.linear.gather [hbm4b:s8+s2], $0x1000, $0x38;
	[tilespmem:$0x1CF00] =	vst v63  }
0x8d: {  	_ =	swait.ge [sflag:s26], $0x1000  }
0x8e: {  	[sflag:s26] =	ssyncset.done $0x0  }
0x8f: {  	[sflag:s26] =	ssyncadd.s32 $0xFFFFF000  }
0x90: {  	_ =	swait.ge [sflag:s26], $0x1000  }
0x91: {  	s30 =	simm.s32 $0xFFFFFFF8;
	[sflag:s26] =	ssyncset.done $0x0  }
0x92: {  	s31 =	simm.s32 $0x19F40;
	s0 =	simm.s32 $0x1BF40;
	[sflag:s26] =	ssyncadd.s32 $0xFFFFF000  }
.LBB2_6:
0x93: {  	v2 =	vld [tilespmem:s31+$0xFFFFFFC0];
	_ =	sdelay $0x4  }
0x94: {  	v3 =	vshrl.u32 v2, $0x10  }
0x95: {  	v4 =	vadd.s32 $0x8500, v3  }
0x96: {  	v2 =	vand.u32 $0xFFFF, v2;
	v3 =	vand.u32 $0x7F, v3;
	v4 =	vand.u32 $0x1FF80, v4  }
0x97: {  	v3 =	vor.u32 v3, v4  }
0x98: {  	v42 =	vld [tilespmem:s0+$0xFFFFFFC0];
	v5 =	vadd.s32 $0x10A00, v2;
	_ =	sdelay $0x2  }
0x99: {  	[tilespmem:v2+s2+$0x0] =	vst.idx.add.f32.msk $0xffff, v1  }
0x9a: {  	[tilespmem:v3+s2+$0x0] =	vst.idx.add.f32.msk $0xffff, v1  }
0x9b: {  	[tilespmem:v5+s2+$0x0] =	vst.idx.add.f32.msk $0xffff, v42  }
0x9c: {  	v2 =	vld [tilespmem:s31+$0xFFFFFFD0];
	_ =	sdelay $0x4  }
0x9d: {  	v3 =	vshrl.u32 v2, $0x10  }
0x9e: {  	v43 =	vadd.s32 $0x8500, v3  }
0x9f: {  	v2 =	vand.u32 $0xFFFF, v2;
	v3 =	vand.u32 $0x7F, v3;
	v4 =	vand.u32 $0x1FF80, v43  }
0xa0: {  	v3 =	vor.u32 v3, v4  }
0xa1: {  	v44 =	vld [tilespmem:s0+$0xFFFFFFD0];
	v45 =	vadd.s32 $0x10A00, v2;
	_ =	sdelay $0x2  }
0xa2: {  	[tilespmem:v2+s2+$0x0] =	vst.idx.add.f32.msk $0xffff, v1  }
0xa3: {  	[tilespmem:v3+s2+$0x0] =	vst.idx.add.f32.msk $0xffff, v1  }
0xa4: {  	[tilespmem:v45+s2+$0x0] =	vst.idx.add.f32.msk $0xffff, v44  }
0xa5: {  	v2 =	vld [tilespmem:s31+$0xFFFFFFE0];
	_ =	sdelay $0x4  }
0xa6: {  	v3 =	vshrl.u32 v2, $0x10  }
0xa7: {  	v46 =	vadd.s32 $0x8500, v3  }
0xa8: {  	v2 =	vand.u32 $0xFFFF, v2;
	v3 =	vand.u32 $0x7F, v3;
	v4 =	vand.u32 $0x1FF80, v46  }
0xa9: {  	v3 =	vor.u32 v3, v4  }
0xaa: {  	v47 =	vld [tilespmem:s0+$0xFFFFFFE0];
	v48 =	vadd.s32 $0x10A00, v2;
	_ =	sdelay $0x2  }
0xab: {  	[tilespmem:v2+s2+$0x0] =	vst.idx.add.f32.msk $0xffff, v1  }
0xac: {  	[tilespmem:v3+s2+$0x0] =	vst.idx.add.f32.msk $0xffff, v1  }
0xad: {  	[tilespmem:v48+s2+$0x0] =	vst.idx.add.f32.msk $0xffff, v47  }
0xae: {  	v2 =	vld [tilespmem:s31+$0xFFFFFFF0];
	_ =	sdelay $0x4  }
0xaf: {  	v3 =	vshrl.u32 v2, $0x10  }
0xb0: {  	v49 =	vadd.s32 $0x8500, v3  }
0xb1: {  	v2 =	vand.u32 $0xFFFF, v2;
	v3 =	vand.u32 $0x7F, v3;
	v4 =	vand.u32 $0x1FF80, v49  }
0xb2: {  	v3 =	vor.u32 v3, v4  }
0xb3: {  	v50 =	vld [tilespmem:s0+$0xFFFFFFF0];
	v51 =	vadd.s32 $0x10A00, v2;
	_ =	sdelay $0x2  }
0xb4: {  	[tilespmem:v2+s2+$0x0] =	vst.idx.add.f32.msk $0xffff, v1  }
0xb5: {  	[tilespmem:v3+s2+$0x0] =	vst.idx.add.f32.msk $0xffff, v1  }
0xb6: {  	[tilespmem:v51+s2+$0x0] =	vst.idx.add.f32.msk $0xffff, v50  }
0xb7: {  	v2 =	vld [tilespmem:s31+$0x0];
	_ =	sdelay $0x4  }
0xb8: {  	v3 =	vshrl.u32 v2, $0x10  }
0xb9: {  	v52 =	vadd.s32 $0x8500, v3  }
0xba: {  	v2 =	vand.u32 $0xFFFF, v2;
	v3 =	vand.u32 $0x7F, v3;
	v4 =	vand.u32 $0x1FF80, v52  }
0xbb: {  	v3 =	vor.u32 v3, v4  }
0xbc: {  	v53 =	vld [tilespmem:s0+$0x0];
	v54 =	vadd.s32 $0x10A00, v2;
	_ =	sdelay $0x2  }
0xbd: {  	[tilespmem:v2+s2+$0x0] =	vst.idx.add.f32.msk $0xffff, v1  }
0xbe: {  	[tilespmem:v3+s2+$0x0] =	vst.idx.add.f32.msk $0xffff, v1  }
0xbf: {  	[tilespmem:v54+s2+$0x0] =	vst.idx.add.f32.msk $0xffff, v53  }
0xc0: {  	v2 =	vld [tilespmem:s31+$0x10];
	_ =	sdelay $0x4  }
0xc1: {  	v3 =	vshrl.u32 v2, $0x10  }
0xc2: {  	v55 =	vadd.s32 $0x8500, v3  }
0xc3: {  	v2 =	vand.u32 $0xFFFF, v2;
	v3 =	vand.u32 $0x7F, v3;
	v4 =	vand.u32 $0x1FF80, v55  }
0xc4: {  	v3 =	vor.u32 v3, v4  }
0xc5: {  	v56 =	vld [tilespmem:s0+$0x10];
	v57 =	vadd.s32 $0x10A00, v2;
	_ =	sdelay $0x2  }
0xc6: {  	[tilespmem:v2+s2+$0x0] =	vst.idx.add.f32.msk $0xffff, v1  }
0xc7: {  	[tilespmem:v3+s2+$0x0] =	vst.idx.add.f32.msk $0xffff, v1  }
0xc8: {  	[tilespmem:v57+s2+$0x0] =	vst.idx.add.f32.msk $0xffff, v56  }
0xc9: {  	v2 =	vld [tilespmem:s31+$0x20];
	_ =	sdelay $0x4  }
0xca: {  	v3 =	vshrl.u32 v2, $0x10  }
0xcb: {  	v58 =	vadd.s32 $0x8500, v3  }
0xcc: {  	v2 =	vand.u32 $0xFFFF, v2;
	v3 =	vand.u32 $0x7F, v3;
	v4 =	vand.u32 $0x1FF80, v58  }
0xcd: {  	v3 =	vor.u32 v3, v4  }
0xce: {  	v59 =	vld [tilespmem:s0+$0x20];
	v60 =	vadd.s32 $0x10A00, v2;
	_ =	sdelay $0x2  }
0xcf: {  	[tilespmem:v2+s2+$0x0] =	vst.idx.add.f32.msk $0xffff, v1  }
0xd0: {  	[tilespmem:v3+s2+$0x0] =	vst.idx.add.f32.msk $0xffff, v1  }
0xd1: {  	[tilespmem:v60+s2+$0x0] =	vst.idx.add.f32.msk $0xffff, v59  }
0xd2: {  	v2 =	vld [tilespmem:s31+$0x30];
	_ =	sdelay $0x4  }
0xd3: {  	v3 =	vshrl.u32 v2, $0x10  }
0xd4: {  	v61 =	vadd.s32 $0x8500, v3  }
0xd5: {  	v2 =	vand.u32 $0xFFFF, v2;
	v3 =	vand.u32 $0x7F, v3;
	v4 =	vand.u32 $0x1FF80, v61  }
0xd6: {  	s30 =	sadd.s32 $0x8, s30;
	v3 =	vor.u32 v3, v4  }
0xd7: {  	p0 =	slt.u32 s30, $0xF8;
	v62 =	vld [tilespmem:s0+$0x30];
	v63 =	vadd.s32 $0x10A00, v2  }
.Ltmp2:
0xd8: {  	_ = 	snop;
	(pc) =	sbr.rel @p0 .LBB2_6-.Ltmp2, $4  }
0xd9: {  	_ = 	snop  }
0xda: {  	[tilespmem:v2+s2+$0x0] =	vst.idx.add.f32.msk $0xffff, v1  }
0xdb: {  	[tilespmem:v3+s2+$0x0] =	vst.idx.add.f32.msk $0xffff, v1  }
0xdc: {  	s31 =	sadd.s32 $0x80, s31;
	s0 =	sadd.s32 $0x80, s0;
	[tilespmem:v63+s2+$0x0] =	vst.idx.add.f32.msk $0xffff, v62  }
0xdd: {  	[tilespmem:s23], [sflag:$0x2] =	stream.linear.gather [hbm4b:s9+s2], $0x1000, $0x38;
	[tilespmem:$0x1CF00] =	vst v63  }
0xde: {  	_ = 	snop  }
0xdf: {  	[tilespmem:s24], [sflag:$0x2] =	stream.linear.gather [hbm4b:s10+s2], $0x1000, $0x38;
	[tilespmem:$0x1CF00] =	vst v63  }
0xe0: {  	_ =	swait.ge [sflag:s25], $0x1000  }
0xe1: {  	[sflag:s25] =	ssyncset.done $0x0  }
0xe2: {  	[sflag:s25] =	ssyncadd.s32 $0xFFFFF000  }
0xe3: {  	_ =	swait.ge [sflag:s25], $0x1000  }
0xe4: {  	s30 =	simm.s32 $0xFFFFFFF8;
	[sflag:s25] =	ssyncset.done $0x0  }
0xe5: {  	s31 =	simm.s32 $0x18F40;
	s0 =	simm.s32 $0x1AF40;
	[sflag:s25] =	ssyncadd.s32 $0xFFFFF000  }
.LBB2_8:
0xe6: {  	v2 =	vld [tilespmem:s31+$0xFFFFFFC0];
	_ =	sdelay $0x4  }
0xe7: {  	v3 =	vshrl.u32 v2, $0x10  }
0xe8: {  	v4 =	vadd.s32 $0x8500, v3  }
0xe9: {  	v2 =	vand.u32 $0xFFFF, v2;
	v3 =	vand.u32 $0x7F, v3;
	v4 =	vand.u32 $0x1FF80, v4  }
0xea: {  	v3 =	vor.u32 v3, v4  }
0xeb: {  	v42 =	vld [tilespmem:s0+$0xFFFFFFC0];
	v5 =	vadd.s32 $0x10A00, v2;
	_ =	sdelay $0x2  }
0xec: {  	[tilespmem:v2+s2+$0x0] =	vst.idx.add.f32.msk $0xffff, v1  }
0xed: {  	[tilespmem:v3+s2+$0x0] =	vst.idx.add.f32.msk $0xffff, v1  }
0xee: {  	[tilespmem:v5+s2+$0x0] =	vst.idx.add.f32.msk $0xffff, v42  }
0xef: {  	v2 =	vld [tilespmem:s31+$0xFFFFFFD0];
	_ =	sdelay $0x4  }
0xf0: {  	v3 =	vshrl.u32 v2, $0x10  }
0xf1: {  	v43 =	vadd.s32 $0x8500, v3  }
0xf2: {  	v2 =	vand.u32 $0xFFFF, v2;
	v3 =	vand.u32 $0x7F, v3;
	v4 =	vand.u32 $0x1FF80, v43  }
0xf3: {  	v3 =	vor.u32 v3, v4  }
0xf4: {  	v44 =	vld [tilespmem:s0+$0xFFFFFFD0];
	v45 =	vadd.s32 $0x10A00, v2;
	_ =	sdelay $0x2  }
0xf5: {  	[tilespmem:v2+s2+$0x0] =	vst.idx.add.f32.msk $0xffff, v1  }
0xf6: {  	[tilespmem:v3+s2+$0x0] =	vst.idx.add.f32.msk $0xffff, v1  }
0xf7: {  	[tilespmem:v45+s2+$0x0] =	vst.idx.add.f32.msk $0xffff, v44  }
0xf8: {  	v2 =	vld [tilespmem:s31+$0xFFFFFFE0];
	_ =	sdelay $0x4  }
0xf9: {  	v3 =	vshrl.u32 v2, $0x10  }
0xfa: {  	v46 =	vadd.s32 $0x8500, v3  }
0xfb: {  	v2 =	vand.u32 $0xFFFF, v2;
	v3 =	vand.u32 $0x7F, v3;
	v4 =	vand.u32 $0x1FF80, v46  }
0xfc: {  	v3 =	vor.u32 v3, v4  }
0xfd: {  	v47 =	vld [tilespmem:s0+$0xFFFFFFE0];
	v48 =	vadd.s32 $0x10A00, v2;
	_ =	sdelay $0x2  }
0xfe: {  	[tilespmem:v2+s2+$0x0] =	vst.idx.add.f32.msk $0xffff, v1  }
0xff: {  	[tilespmem:v3+s2+$0x0] =	vst.idx.add.f32.msk $0xffff, v1  }
0x100: {  	[tilespmem:v48+s2+$0x0] =	vst.idx.add.f32.msk $0xffff, v47  }
0x101: {  	v2 =	vld [tilespmem:s31+$0xFFFFFFF0];
	_ =	sdelay $0x4  }
0x102: {  	v3 =	vshrl.u32 v2, $0x10  }
0x103: {  	v49 =	vadd.s32 $0x8500, v3  }
0x104: {  	v2 =	vand.u32 $0xFFFF, v2;
	v3 =	vand.u32 $0x7F, v3;
	v4 =	vand.u32 $0x1FF80, v49  }
0x105: {  	v3 =	vor.u32 v3, v4  }
0x106: {  	v50 =	vld [tilespmem:s0+$0xFFFFFFF0];
	v51 =	vadd.s32 $0x10A00, v2;
	_ =	sdelay $0x2  }
0x107: {  	[tilespmem:v2+s2+$0x0] =	vst.idx.add.f32.msk $0xffff, v1  }
0x108: {  	[tilespmem:v3+s2+$0x0] =	vst.idx.add.f32.msk $0xffff, v1  }
0x109: {  	[tilespmem:v51+s2+$0x0] =	vst.idx.add.f32.msk $0xffff, v50  }
0x10a: {  	v2 =	vld [tilespmem:s31+$0x0];
	_ =	sdelay $0x4  }
0x10b: {  	v3 =	vshrl.u32 v2, $0x10  }
0x10c: {  	v52 =	vadd.s32 $0x8500, v3  }
0x10d: {  	v2 =	vand.u32 $0xFFFF, v2;
	v3 =	vand.u32 $0x7F, v3;
	v4 =	vand.u32 $0x1FF80, v52  }
0x10e: {  	v3 =	vor.u32 v3, v4  }
0x10f: {  	v53 =	vld [tilespmem:s0+$0x0];
	v54 =	vadd.s32 $0x10A00, v2;
	_ =	sdelay $0x2  }
0x110: {  	[tilespmem:v2+s2+$0x0] =	vst.idx.add.f32.msk $0xffff, v1  }
0x111: {  	[tilespmem:v3+s2+$0x0] =	vst.idx.add.f32.msk $0xffff, v1  }
0x112: {  	[tilespmem:v54+s2+$0x0] =	vst.idx.add.f32.msk $0xffff, v53  }
0x113: {  	v2 =	vld [tilespmem:s31+$0x10];
	_ =	sdelay $0x4  }
0x114: {  	v3 =	vshrl.u32 v2, $0x10  }
0x115: {  	v55 =	vadd.s32 $0x8500, v3  }
0x116: {  	v2 =	vand.u32 $0xFFFF, v2;
	v3 =	vand.u32 $0x7F, v3;
	v4 =	vand.u32 $0x1FF80, v55  }
0x117: {  	v3 =	vor.u32 v3, v4  }
0x118: {  	v56 =	vld [tilespmem:s0+$0x10];
	v57 =	vadd.s32 $0x10A00, v2;
	_ =	sdelay $0x2  }
0x119: {  	[tilespmem:v2+s2+$0x0] =	vst.idx.add.f32.msk $0xffff, v1  }
0x11a: {  	[tilespmem:v3+s2+$0x0] =	vst.idx.add.f32.msk $0xffff, v1  }
0x11b: {  	[tilespmem:v57+s2+$0x0] =	vst.idx.add.f32.msk $0xffff, v56  }
0x11c: {  	v2 =	vld [tilespmem:s31+$0x20];
	_ =	sdelay $0x4  }
0x11d: {  	v3 =	vshrl.u32 v2, $0x10  }
0x11e: {  	v58 =	vadd.s32 $0x8500, v3  }
0x11f: {  	v2 =	vand.u32 $0xFFFF, v2;
	v3 =	vand.u32 $0x7F, v3;
	v4 =	vand.u32 $0x1FF80, v58  }
0x120: {  	v3 =	vor.u32 v3, v4  }
0x121: {  	v59 =	vld [tilespmem:s0+$0x20];
	v60 =	vadd.s32 $0x10A00, v2;
	_ =	sdelay $0x2  }
0x122: {  	[tilespmem:v2+s2+$0x0] =	vst.idx.add.f32.msk $0xffff, v1  }
0x123: {  	[tilespmem:v3+s2+$0x0] =	vst.idx.add.f32.msk $0xffff, v1  }
0x124: {  	[tilespmem:v60+s2+$0x0] =	vst.idx.add.f32.msk $0xffff, v59  }
0x125: {  	v2 =	vld [tilespmem:s31+$0x30];
	_ =	sdelay $0x4  }
0x126: {  	v3 =	vshrl.u32 v2, $0x10  }
0x127: {  	v61 =	vadd.s32 $0x8500, v3  }
0x128: {  	v2 =	vand.u32 $0xFFFF, v2;
	v3 =	vand.u32 $0x7F, v3;
	v4 =	vand.u32 $0x1FF80, v61  }
0x129: {  	s30 =	sadd.s32 $0x8, s30;
	v3 =	vor.u32 v3, v4  }
0x12a: {  	p0 =	slt.u32 s30, $0xF8;
	v62 =	vld [tilespmem:s0+$0x30];
	v63 =	vadd.s32 $0x10A00, v2  }
.Ltmp3:
0x12b: {  	_ = 	snop;
	(pc) =	sbr.rel @p0 .LBB2_8-.Ltmp3, $4  }
0x12c: {  	_ = 	snop  }
0x12d: {  	[tilespmem:v2+s2+$0x0] =	vst.idx.add.f32.msk $0xffff, v1  }
0x12e: {  	[tilespmem:v3+s2+$0x0] =	vst.idx.add.f32.msk $0xffff, v1  }
0x12f: {  	s31 =	sadd.s32 $0x80, s31;
	s0 =	sadd.s32 $0x80, s0;
	[tilespmem:v63+s2+$0x0] =	vst.idx.add.f32.msk $0xffff, v62  }
0x130: {  	[tilespmem:s21], [sflag:$0x1] =	stream.linear.gather [hbm4b:s11+s2], $0x1000, $0x38;
	[tilespmem:$0x1CF00] =	vst v63  }
0x131: {  	_ = 	snop  }
0x132: {  	[tilespmem:s22], [sflag:$0x1] =	stream.linear.gather [hbm4b:s12+s2], $0x1000, $0x38;
	[tilespmem:$0x1CF00] =	vst v63  }
0x133: {  	_ =	swait.ge [sflag:s26], $0x1000  }
0x134: {  	[sflag:s26] =	ssyncset.done $0x0  }
0x135: {  	[sflag:s26] =	ssyncadd.s32 $0xFFFFF000  }
0x136: {  	_ =	swait.ge [sflag:s26], $0x1000  }
0x137: {  	s30 =	simm.s32 $0xFFFFFFF8;
	[sflag:s26] =	ssyncset.done $0x0  }
0x138: {  	s31 =	simm.s32 $0x19F40;
	s0 =	simm.s32 $0x1BF40;
	[sflag:s26] =	ssyncadd.s32 $0xFFFFF000  }
.LBB2_10:
0x139: {  	v2 =	vld [tilespmem:s31+$0xFFFFFFC0];
	_ =	sdelay $0x4  }
0x13a: {  	v3 =	vshrl.u32 v2, $0x10  }
0x13b: {  	v4 =	vadd.s32 $0x8500, v3  }
0x13c: {  	v2 =	vand.u32 $0xFFFF, v2;
	v3 =	vand.u32 $0x7F, v3;
	v4 =	vand.u32 $0x1FF80, v4  }
0x13d: {  	v3 =	vor.u32 v3, v4  }
0x13e: {  	v42 =	vld [tilespmem:s0+$0xFFFFFFC0];
	v5 =	vadd.s32 $0x10A00, v2;
	_ =	sdelay $0x2  }
0x13f: {  	[tilespmem:v2+s2+$0x0] =	vst.idx.add.f32.msk $0xffff, v1  }
0x140: {  	[tilespmem:v3+s2+$0x0] =	vst.idx.add.f32.msk $0xffff, v1  }
0x141: {  	[tilespmem:v5+s2+$0x0] =	vst.idx.add.f32.msk $0xffff, v42  }
0x142: {  	v2 =	vld [tilespmem:s31+$0xFFFFFFD0];
	_ =	sdelay $0x4  }
0x143: {  	v3 =	vshrl.u32 v2, $0x10  }
0x144: {  	v43 =	vadd.s32 $0x8500, v3  }
0x145: {  	v2 =	vand.u32 $0xFFFF, v2;
	v3 =	vand.u32 $0x7F, v3;
	v4 =	vand.u32 $0x1FF80, v43  }
0x146: {  	v3 =	vor.u32 v3, v4  }
0x147: {  	v44 =	vld [tilespmem:s0+$0xFFFFFFD0];
	v45 =	vadd.s32 $0x10A00, v2;
	_ =	sdelay $0x2  }
0x148: {  	[tilespmem:v2+s2+$0x0] =	vst.idx.add.f32.msk $0xffff, v1  }
0x149: {  	[tilespmem:v3+s2+$0x0] =	vst.idx.add.f32.msk $0xffff, v1  }
0x14a: {  	[tilespmem:v45+s2+$0x0] =	vst.idx.add.f32.msk $0xffff, v44  }
0x14b: {  	v2 =	vld [tilespmem:s31+$0xFFFFFFE0];
	_ =	sdelay $0x4  }
0x14c: {  	v3 =	vshrl.u32 v2, $0x10  }
0x14d: {  	v46 =	vadd.s32 $0x8500, v3  }
0x14e: {  	v2 =	vand.u32 $0xFFFF, v2;
	v3 =	vand.u32 $0x7F, v3;
	v4 =	vand.u32 $0x1FF80, v46  }
0x14f: {  	v3 =	vor.u32 v3, v4  }
0x150: {  	v47 =	vld [tilespmem:s0+$0xFFFFFFE0];
	v48 =	vadd.s32 $0x10A00, v2;
	_ =	sdelay $0x2  }
0x151: {  	[tilespmem:v2+s2+$0x0] =	vst.idx.add.f32.msk $0xffff, v1  }
0x152: {  	[tilespmem:v3+s2+$0x0] =	vst.idx.add.f32.msk $0xffff, v1  }
0x153: {  	[tilespmem:v48+s2+$0x0] =	vst.idx.add.f32.msk $0xffff, v47  }
0x154: {  	v2 =	vld [tilespmem:s31+$0xFFFFFFF0];
	_ =	sdelay $0x4  }
0x155: {  	v3 =	vshrl.u32 v2, $0x10  }
0x156: {  	v49 =	vadd.s32 $0x8500, v3  }
0x157: {  	v2 =	vand.u32 $0xFFFF, v2;
	v3 =	vand.u32 $0x7F, v3;
	v4 =	vand.u32 $0x1FF80, v49  }
0x158: {  	v3 =	vor.u32 v3, v4  }
0x159: {  	v50 =	vld [tilespmem:s0+$0xFFFFFFF0];
	v51 =	vadd.s32 $0x10A00, v2;
	_ =	sdelay $0x2  }
0x15a: {  	[tilespmem:v2+s2+$0x0] =	vst.idx.add.f32.msk $0xffff, v1  }
0x15b: {  	[tilespmem:v3+s2+$0x0] =	vst.idx.add.f32.msk $0xffff, v1  }
0x15c: {  	[tilespmem:v51+s2+$0x0] =	vst.idx.add.f32.msk $0xffff, v50  }
0x15d: {  	v2 =	vld [tilespmem:s31+$0x0];
	_ =	sdelay $0x4  }
0x15e: {  	v3 =	vshrl.u32 v2, $0x10  }
0x15f: {  	v52 =	vadd.s32 $0x8500, v3  }
0x160: {  	v2 =	vand.u32 $0xFFFF, v2;
	v3 =	vand.u32 $0x7F, v3;
	v4 =	vand.u32 $0x1FF80, v52  }
0x161: {  	v3 =	vor.u32 v3, v4  }
0x162: {  	v53 =	vld [tilespmem:s0+$0x0];
	v54 =	vadd.s32 $0x10A00, v2;
	_ =	sdelay $0x2  }
0x163: {  	[tilespmem:v2+s2+$0x0] =	vst.idx.add.f32.msk $0xffff, v1  }
0x164: {  	[tilespmem:v3+s2+$0x0] =	vst.idx.add.f32.msk $0xffff, v1  }
0x165: {  	[tilespmem:v54+s2+$0x0] =	vst.idx.add.f32.msk $0xffff, v53  }
0x166: {  	v2 =	vld [tilespmem:s31+$0x10];
	_ =	sdelay $0x4  }
0x167: {  	v3 =	vshrl.u32 v2, $0x10  }
0x168: {  	v55 =	vadd.s32 $0x8500, v3  }
0x169: {  	v2 =	vand.u32 $0xFFFF, v2;
	v3 =	vand.u32 $0x7F, v3;
	v4 =	vand.u32 $0x1FF80, v55  }
0x16a: {  	v3 =	vor.u32 v3, v4  }
0x16b: {  	v56 =	vld [tilespmem:s0+$0x10];
	v57 =	vadd.s32 $0x10A00, v2;
	_ =	sdelay $0x2  }
0x16c: {  	[tilespmem:v2+s2+$0x0] =	vst.idx.add.f32.msk $0xffff, v1  }
0x16d: {  	[tilespmem:v3+s2+$0x0] =	vst.idx.add.f32.msk $0xffff, v1  }
0x16e: {  	[tilespmem:v57+s2+$0x0] =	vst.idx.add.f32.msk $0xffff, v56  }
0x16f: {  	v2 =	vld [tilespmem:s31+$0x20];
	_ =	sdelay $0x4  }
0x170: {  	v3 =	vshrl.u32 v2, $0x10  }
0x171: {  	v58 =	vadd.s32 $0x8500, v3  }
0x172: {  	v2 =	vand.u32 $0xFFFF, v2;
	v3 =	vand.u32 $0x7F, v3;
	v4 =	vand.u32 $0x1FF80, v58  }
0x173: {  	v3 =	vor.u32 v3, v4  }
0x174: {  	v59 =	vld [tilespmem:s0+$0x20];
	v60 =	vadd.s32 $0x10A00, v2;
	_ =	sdelay $0x2  }
0x175: {  	[tilespmem:v2+s2+$0x0] =	vst.idx.add.f32.msk $0xffff, v1  }
0x176: {  	[tilespmem:v3+s2+$0x0] =	vst.idx.add.f32.msk $0xffff, v1  }
0x177: {  	[tilespmem:v60+s2+$0x0] =	vst.idx.add.f32.msk $0xffff, v59  }
0x178: {  	v2 =	vld [tilespmem:s31+$0x30];
	_ =	sdelay $0x4  }
0x179: {  	v3 =	vshrl.u32 v2, $0x10  }
0x17a: {  	v61 =	vadd.s32 $0x8500, v3  }
0x17b: {  	v2 =	vand.u32 $0xFFFF, v2;
	v3 =	vand.u32 $0x7F, v3;
	v4 =	vand.u32 $0x1FF80, v61  }
0x17c: {  	s30 =	sadd.s32 $0x8, s30;
	v3 =	vor.u32 v3, v4  }
0x17d: {  	p0 =	slt.u32 s30, $0xF8;
	v62 =	vld [tilespmem:s0+$0x30];
	v63 =	vadd.s32 $0x10A00, v2  }
.Ltmp4:
0x17e: {  	_ = 	snop;
	(pc) =	sbr.rel @p0 .LBB2_10-.Ltmp4, $4  }
0x17f: {  	_ = 	snop  }
0x180: {  	[tilespmem:v2+s2+$0x0] =	vst.idx.add.f32.msk $0xffff, v1  }
0x181: {  	[tilespmem:v3+s2+$0x0] =	vst.idx.add.f32.msk $0xffff, v1  }
0x182: {  	s31 =	sadd.s32 $0x80, s31;
	s0 =	sadd.s32 $0x80, s0;
	[tilespmem:v63+s2+$0x0] =	vst.idx.add.f32.msk $0xffff, v62  }
0x183: {  	[tilespmem:s23], [sflag:$0x2] =	stream.linear.gather [hbm4b:s13+s2], $0x1000, $0x38;
	[tilespmem:$0x1CF00] =	vst v63  }
0x184: {  	_ = 	snop  }
0x185: {  	[tilespmem:s24], [sflag:$0x2] =	stream.linear.gather [hbm4b:s14+s2], $0x1000, $0x38;
	[tilespmem:$0x1CF00] =	vst v63  }
0x186: {  	_ =	swait.ge [sflag:s25], $0x1000  }
0x187: {  	[sflag:s25] =	ssyncset.done $0x0  }
0x188: {  	[sflag:s25] =	ssyncadd.s32 $0xFFFFF000  }
0x189: {  	_ =	swait.ge [sflag:s25], $0x1000  }
0x18a: {  	s30 =	simm.s32 $0xFFFFFFF8;
	[sflag:s25] =	ssyncset.done $0x0  }
0x18b: {  	s31 =	simm.s32 $0x18F40;
	s0 =	simm.s32 $0x1AF40;
	[sflag:s25] =	ssyncadd.s32 $0xFFFFF000  }
.LBB2_12:
0x18c: {  	v2 =	vld [tilespmem:s31+$0xFFFFFFC0];
	_ =	sdelay $0x4  }
0x18d: {  	v3 =	vshrl.u32 v2, $0x10  }
0x18e: {  	v4 =	vadd.s32 $0x8500, v3  }
0x18f: {  	v2 =	vand.u32 $0xFFFF, v2;
	v3 =	vand.u32 $0x7F, v3;
	v4 =	vand.u32 $0x1FF80, v4  }
0x190: {  	v3 =	vor.u32 v3, v4  }
0x191: {  	v42 =	vld [tilespmem:s0+$0xFFFFFFC0];
	v5 =	vadd.s32 $0x10A00, v2;
	_ =	sdelay $0x2  }
0x192: {  	[tilespmem:v2+s2+$0x0] =	vst.idx.add.f32.msk $0xffff, v1  }
0x193: {  	[tilespmem:v3+s2+$0x0] =	vst.idx.add.f32.msk $0xffff, v1  }
0x194: {  	[tilespmem:v5+s2+$0x0] =	vst.idx.add.f32.msk $0xffff, v42  }
0x195: {  	v2 =	vld [tilespmem:s31+$0xFFFFFFD0];
	_ =	sdelay $0x4  }
0x196: {  	v3 =	vshrl.u32 v2, $0x10  }
0x197: {  	v43 =	vadd.s32 $0x8500, v3  }
0x198: {  	v2 =	vand.u32 $0xFFFF, v2;
	v3 =	vand.u32 $0x7F, v3;
	v4 =	vand.u32 $0x1FF80, v43  }
0x199: {  	v3 =	vor.u32 v3, v4  }
0x19a: {  	v44 =	vld [tilespmem:s0+$0xFFFFFFD0];
	v45 =	vadd.s32 $0x10A00, v2;
	_ =	sdelay $0x2  }
0x19b: {  	[tilespmem:v2+s2+$0x0] =	vst.idx.add.f32.msk $0xffff, v1  }
0x19c: {  	[tilespmem:v3+s2+$0x0] =	vst.idx.add.f32.msk $0xffff, v1  }
0x19d: {  	[tilespmem:v45+s2+$0x0] =	vst.idx.add.f32.msk $0xffff, v44  }
0x19e: {  	v2 =	vld [tilespmem:s31+$0xFFFFFFE0];
	_ =	sdelay $0x4  }
0x19f: {  	v3 =	vshrl.u32 v2, $0x10  }
0x1a0: {  	v46 =	vadd.s32 $0x8500, v3  }
0x1a1: {  	v2 =	vand.u32 $0xFFFF, v2;
	v3 =	vand.u32 $0x7F, v3;
	v4 =	vand.u32 $0x1FF80, v46  }
0x1a2: {  	v3 =	vor.u32 v3, v4  }
0x1a3: {  	v47 =	vld [tilespmem:s0+$0xFFFFFFE0];
	v48 =	vadd.s32 $0x10A00, v2;
	_ =	sdelay $0x2  }
0x1a4: {  	[tilespmem:v2+s2+$0x0] =	vst.idx.add.f32.msk $0xffff, v1  }
0x1a5: {  	[tilespmem:v3+s2+$0x0] =	vst.idx.add.f32.msk $0xffff, v1  }
0x1a6: {  	[tilespmem:v48+s2+$0x0] =	vst.idx.add.f32.msk $0xffff, v47  }
0x1a7: {  	v2 =	vld [tilespmem:s31+$0xFFFFFFF0];
	_ =	sdelay $0x4  }
0x1a8: {  	v3 =	vshrl.u32 v2, $0x10  }
0x1a9: {  	v49 =	vadd.s32 $0x8500, v3  }
0x1aa: {  	v2 =	vand.u32 $0xFFFF, v2;
	v3 =	vand.u32 $0x7F, v3;
	v4 =	vand.u32 $0x1FF80, v49  }
0x1ab: {  	v3 =	vor.u32 v3, v4  }
0x1ac: {  	v50 =	vld [tilespmem:s0+$0xFFFFFFF0];
	v51 =	vadd.s32 $0x10A00, v2;
	_ =	sdelay $0x2  }
0x1ad: {  	[tilespmem:v2+s2+$0x0] =	vst.idx.add.f32.msk $0xffff, v1  }
0x1ae: {  	[tilespmem:v3+s2+$0x0] =	vst.idx.add.f32.msk $0xffff, v1  }
0x1af: {  	[tilespmem:v51+s2+$0x0] =	vst.idx.add.f32.msk $0xffff, v50  }
0x1b0: {  	v2 =	vld [tilespmem:s31+$0x0];
	_ =	sdelay $0x4  }
0x1b1: {  	v3 =	vshrl.u32 v2, $0x10  }
0x1b2: {  	v52 =	vadd.s32 $0x8500, v3  }
0x1b3: {  	v2 =	vand.u32 $0xFFFF, v2;
	v3 =	vand.u32 $0x7F, v3;
	v4 =	vand.u32 $0x1FF80, v52  }
0x1b4: {  	v3 =	vor.u32 v3, v4  }
0x1b5: {  	v53 =	vld [tilespmem:s0+$0x0];
	v54 =	vadd.s32 $0x10A00, v2;
	_ =	sdelay $0x2  }
0x1b6: {  	[tilespmem:v2+s2+$0x0] =	vst.idx.add.f32.msk $0xffff, v1  }
0x1b7: {  	[tilespmem:v3+s2+$0x0] =	vst.idx.add.f32.msk $0xffff, v1  }
0x1b8: {  	[tilespmem:v54+s2+$0x0] =	vst.idx.add.f32.msk $0xffff, v53  }
0x1b9: {  	v2 =	vld [tilespmem:s31+$0x10];
	_ =	sdelay $0x4  }
0x1ba: {  	v3 =	vshrl.u32 v2, $0x10  }
0x1bb: {  	v55 =	vadd.s32 $0x8500, v3  }
0x1bc: {  	v2 =	vand.u32 $0xFFFF, v2;
	v3 =	vand.u32 $0x7F, v3;
	v4 =	vand.u32 $0x1FF80, v55  }
0x1bd: {  	v3 =	vor.u32 v3, v4  }
0x1be: {  	v56 =	vld [tilespmem:s0+$0x10];
	v57 =	vadd.s32 $0x10A00, v2;
	_ =	sdelay $0x2  }
0x1bf: {  	[tilespmem:v2+s2+$0x0] =	vst.idx.add.f32.msk $0xffff, v1  }
0x1c0: {  	[tilespmem:v3+s2+$0x0] =	vst.idx.add.f32.msk $0xffff, v1  }
0x1c1: {  	[tilespmem:v57+s2+$0x0] =	vst.idx.add.f32.msk $0xffff, v56  }
0x1c2: {  	v2 =	vld [tilespmem:s31+$0x20];
	_ =	sdelay $0x4  }
0x1c3: {  	v3 =	vshrl.u32 v2, $0x10  }
0x1c4: {  	v58 =	vadd.s32 $0x8500, v3  }
0x1c5: {  	v2 =	vand.u32 $0xFFFF, v2;
	v3 =	vand.u32 $0x7F, v3;
	v4 =	vand.u32 $0x1FF80, v58  }
0x1c6: {  	v3 =	vor.u32 v3, v4  }
0x1c7: {  	v59 =	vld [tilespmem:s0+$0x20];
	v60 =	vadd.s32 $0x10A00, v2;
	_ =	sdelay $0x2  }
0x1c8: {  	[tilespmem:v2+s2+$0x0] =	vst.idx.add.f32.msk $0xffff, v1  }
0x1c9: {  	[tilespmem:v3+s2+$0x0] =	vst.idx.add.f32.msk $0xffff, v1  }
0x1ca: {  	[tilespmem:v60+s2+$0x0] =	vst.idx.add.f32.msk $0xffff, v59  }
0x1cb: {  	v2 =	vld [tilespmem:s31+$0x30];
	_ =	sdelay $0x4  }
0x1cc: {  	v3 =	vshrl.u32 v2, $0x10  }
0x1cd: {  	v61 =	vadd.s32 $0x8500, v3  }
0x1ce: {  	v2 =	vand.u32 $0xFFFF, v2;
	v3 =	vand.u32 $0x7F, v3;
	v4 =	vand.u32 $0x1FF80, v61  }
0x1cf: {  	s30 =	sadd.s32 $0x8, s30;
	v3 =	vor.u32 v3, v4  }
0x1d0: {  	p0 =	slt.u32 s30, $0xF8;
	v62 =	vld [tilespmem:s0+$0x30];
	v63 =	vadd.s32 $0x10A00, v2  }
.Ltmp5:
0x1d1: {  	_ = 	snop;
	(pc) =	sbr.rel @p0 .LBB2_12-.Ltmp5, $4  }
0x1d2: {  	_ = 	snop  }
0x1d3: {  	[tilespmem:v2+s2+$0x0] =	vst.idx.add.f32.msk $0xffff, v1  }
0x1d4: {  	[tilespmem:v3+s2+$0x0] =	vst.idx.add.f32.msk $0xffff, v1  }
0x1d5: {  	s31 =	sadd.s32 $0x80, s31;
	s0 =	sadd.s32 $0x80, s0;
	[tilespmem:v63+s2+$0x0] =	vst.idx.add.f32.msk $0xffff, v62  }
0x1d6: {  	[tilespmem:s21], [sflag:$0x1] =	stream.linear.gather [hbm4b:s15+s2], $0x1000, $0x38;
	[tilespmem:$0x1CF00] =	vst v63  }
0x1d7: {  	_ = 	snop  }
0x1d8: {  	[tilespmem:s22], [sflag:$0x1] =	stream.linear.gather [hbm4b:s16+s2], $0x1000, $0x38;
	[tilespmem:$0x1CF00] =	vst v63  }
0x1d9: {  	_ =	swait.ge [sflag:s26], $0x1000  }
0x1da: {  	[sflag:s26] =	ssyncset.done $0x0  }
0x1db: {  	[sflag:s26] =	ssyncadd.s32 $0xFFFFF000  }
0x1dc: {  	_ =	swait.ge [sflag:s26], $0x1000  }
0x1dd: {  	s30 =	simm.s32 $0xFFFFFFF8;
	[sflag:s26] =	ssyncset.done $0x0  }
0x1de: {  	s31 =	simm.s32 $0x19F40;
	s0 =	simm.s32 $0x1BF40;
	[sflag:s26] =	ssyncadd.s32 $0xFFFFF000  }
.LBB2_14:
0x1df: {  	v2 =	vld [tilespmem:s31+$0xFFFFFFC0];
	_ =	sdelay $0x4  }
0x1e0: {  	v3 =	vshrl.u32 v2, $0x10  }
0x1e1: {  	v4 =	vadd.s32 $0x8500, v3  }
0x1e2: {  	v2 =	vand.u32 $0xFFFF, v2;
	v3 =	vand.u32 $0x7F, v3;
	v4 =	vand.u32 $0x1FF80, v4  }
0x1e3: {  	v3 =	vor.u32 v3, v4  }
0x1e4: {  	v42 =	vld [tilespmem:s0+$0xFFFFFFC0];
	v5 =	vadd.s32 $0x10A00, v2;
	_ =	sdelay $0x2  }
0x1e5: {  	[tilespmem:v2+s2+$0x0] =	vst.idx.add.f32.msk $0xffff, v1  }
0x1e6: {  	[tilespmem:v3+s2+$0x0] =	vst.idx.add.f32.msk $0xffff, v1  }
0x1e7: {  	[tilespmem:v5+s2+$0x0] =	vst.idx.add.f32.msk $0xffff, v42  }
0x1e8: {  	v2 =	vld [tilespmem:s31+$0xFFFFFFD0];
	_ =	sdelay $0x4  }
0x1e9: {  	v3 =	vshrl.u32 v2, $0x10  }
0x1ea: {  	v43 =	vadd.s32 $0x8500, v3  }
0x1eb: {  	v2 =	vand.u32 $0xFFFF, v2;
	v3 =	vand.u32 $0x7F, v3;
	v4 =	vand.u32 $0x1FF80, v43  }
0x1ec: {  	v3 =	vor.u32 v3, v4  }
0x1ed: {  	v44 =	vld [tilespmem:s0+$0xFFFFFFD0];
	v45 =	vadd.s32 $0x10A00, v2;
	_ =	sdelay $0x2  }
0x1ee: {  	[tilespmem:v2+s2+$0x0] =	vst.idx.add.f32.msk $0xffff, v1  }
0x1ef: {  	[tilespmem:v3+s2+$0x0] =	vst.idx.add.f32.msk $0xffff, v1  }
0x1f0: {  	[tilespmem:v45+s2+$0x0] =	vst.idx.add.f32.msk $0xffff, v44  }
0x1f1: {  	v2 =	vld [tilespmem:s31+$0xFFFFFFE0];
	_ =	sdelay $0x4  }
0x1f2: {  	v3 =	vshrl.u32 v2, $0x10  }
0x1f3: {  	v46 =	vadd.s32 $0x8500, v3  }
0x1f4: {  	v2 =	vand.u32 $0xFFFF, v2;
	v3 =	vand.u32 $0x7F, v3;
	v4 =	vand.u32 $0x1FF80, v46  }
0x1f5: {  	v3 =	vor.u32 v3, v4  }
0x1f6: {  	v47 =	vld [tilespmem:s0+$0xFFFFFFE0];
	v48 =	vadd.s32 $0x10A00, v2;
	_ =	sdelay $0x2  }
0x1f7: {  	[tilespmem:v2+s2+$0x0] =	vst.idx.add.f32.msk $0xffff, v1  }
0x1f8: {  	[tilespmem:v3+s2+$0x0] =	vst.idx.add.f32.msk $0xffff, v1  }
0x1f9: {  	[tilespmem:v48+s2+$0x0] =	vst.idx.add.f32.msk $0xffff, v47  }
0x1fa: {  	v2 =	vld [tilespmem:s31+$0xFFFFFFF0];
	_ =	sdelay $0x4  }
0x1fb: {  	v3 =	vshrl.u32 v2, $0x10  }
0x1fc: {  	v49 =	vadd.s32 $0x8500, v3  }
0x1fd: {  	v2 =	vand.u32 $0xFFFF, v2;
	v3 =	vand.u32 $0x7F, v3;
	v4 =	vand.u32 $0x1FF80, v49  }
0x1fe: {  	v3 =	vor.u32 v3, v4  }
0x1ff: {  	v50 =	vld [tilespmem:s0+$0xFFFFFFF0];
	v51 =	vadd.s32 $0x10A00, v2;
	_ =	sdelay $0x2  }
0x200: {  	[tilespmem:v2+s2+$0x0] =	vst.idx.add.f32.msk $0xffff, v1  }
0x201: {  	[tilespmem:v3+s2+$0x0] =	vst.idx.add.f32.msk $0xffff, v1  }
0x202: {  	[tilespmem:v51+s2+$0x0] =	vst.idx.add.f32.msk $0xffff, v50  }
0x203: {  	v2 =	vld [tilespmem:s31+$0x0];
	_ =	sdelay $0x4  }
0x204: {  	v3 =	vshrl.u32 v2, $0x10  }
0x205: {  	v52 =	vadd.s32 $0x8500, v3  }
0x206: {  	v2 =	vand.u32 $0xFFFF, v2;
	v3 =	vand.u32 $0x7F, v3;
	v4 =	vand.u32 $0x1FF80, v52  }
0x207: {  	v3 =	vor.u32 v3, v4  }
0x208: {  	v53 =	vld [tilespmem:s0+$0x0];
	v54 =	vadd.s32 $0x10A00, v2;
	_ =	sdelay $0x2  }
0x209: {  	[tilespmem:v2+s2+$0x0] =	vst.idx.add.f32.msk $0xffff, v1  }
0x20a: {  	[tilespmem:v3+s2+$0x0] =	vst.idx.add.f32.msk $0xffff, v1  }
0x20b: {  	[tilespmem:v54+s2+$0x0] =	vst.idx.add.f32.msk $0xffff, v53  }
0x20c: {  	v2 =	vld [tilespmem:s31+$0x10];
	_ =	sdelay $0x4  }
0x20d: {  	v3 =	vshrl.u32 v2, $0x10  }
0x20e: {  	v55 =	vadd.s32 $0x8500, v3  }
0x20f: {  	v2 =	vand.u32 $0xFFFF, v2;
	v3 =	vand.u32 $0x7F, v3;
	v4 =	vand.u32 $0x1FF80, v55  }
0x210: {  	v3 =	vor.u32 v3, v4  }
0x211: {  	v56 =	vld [tilespmem:s0+$0x10];
	v57 =	vadd.s32 $0x10A00, v2;
	_ =	sdelay $0x2  }
0x212: {  	[tilespmem:v2+s2+$0x0] =	vst.idx.add.f32.msk $0xffff, v1  }
0x213: {  	[tilespmem:v3+s2+$0x0] =	vst.idx.add.f32.msk $0xffff, v1  }
0x214: {  	[tilespmem:v57+s2+$0x0] =	vst.idx.add.f32.msk $0xffff, v56  }
0x215: {  	v2 =	vld [tilespmem:s31+$0x20];
	_ =	sdelay $0x4  }
0x216: {  	v3 =	vshrl.u32 v2, $0x10  }
0x217: {  	v58 =	vadd.s32 $0x8500, v3  }
0x218: {  	v2 =	vand.u32 $0xFFFF, v2;
	v3 =	vand.u32 $0x7F, v3;
	v4 =	vand.u32 $0x1FF80, v58  }
0x219: {  	v3 =	vor.u32 v3, v4  }
0x21a: {  	v59 =	vld [tilespmem:s0+$0x20];
	v60 =	vadd.s32 $0x10A00, v2;
	_ =	sdelay $0x2  }
0x21b: {  	[tilespmem:v2+s2+$0x0] =	vst.idx.add.f32.msk $0xffff, v1  }
0x21c: {  	[tilespmem:v3+s2+$0x0] =	vst.idx.add.f32.msk $0xffff, v1  }
0x21d: {  	[tilespmem:v60+s2+$0x0] =	vst.idx.add.f32.msk $0xffff, v59  }
0x21e: {  	v2 =	vld [tilespmem:s31+$0x30];
	_ =	sdelay $0x4  }
0x21f: {  	v3 =	vshrl.u32 v2, $0x10  }
0x220: {  	v61 =	vadd.s32 $0x8500, v3  }
0x221: {  	v2 =	vand.u32 $0xFFFF, v2;
	v3 =	vand.u32 $0x7F, v3;
	v4 =	vand.u32 $0x1FF80, v61  }
0x222: {  	s30 =	sadd.s32 $0x8, s30;
	v3 =	vor.u32 v3, v4  }
0x223: {  	p0 =	slt.u32 s30, $0xF8;
	v62 =	vld [tilespmem:s0+$0x30];
	v63 =	vadd.s32 $0x10A00, v2  }
.Ltmp6:
0x224: {  	_ = 	snop;
	(pc) =	sbr.rel @p0 .LBB2_14-.Ltmp6, $4  }
0x225: {  	_ = 	snop  }
0x226: {  	[tilespmem:v2+s2+$0x0] =	vst.idx.add.f32.msk $0xffff, v1  }
0x227: {  	[tilespmem:v3+s2+$0x0] =	vst.idx.add.f32.msk $0xffff, v1  }
0x228: {  	s31 =	sadd.s32 $0x80, s31;
	s0 =	sadd.s32 $0x80, s0;
	[tilespmem:v63+s2+$0x0] =	vst.idx.add.f32.msk $0xffff, v62  }
0x229: {  	[tilespmem:s23], [sflag:$0x2] =	stream.linear.gather [hbm4b:s17+s2], $0x1000, $0x38;
	[tilespmem:$0x1CF00] =	vst v63  }
0x22a: {  	_ = 	snop  }
0x22b: {  	[tilespmem:s24], [sflag:$0x2] =	stream.linear.gather [hbm4b:s18+s2], $0x1000, $0x38;
	[tilespmem:$0x1CF00] =	vst v63  }
0x22c: {  	_ =	swait.ge [sflag:s25], $0x1000  }
0x22d: {  	[sflag:s25] =	ssyncset.done $0x0  }
0x22e: {  	[sflag:s25] =	ssyncadd.s32 $0xFFFFF000  }
0x22f: {  	_ =	swait.ge [sflag:s25], $0x1000  }
0x230: {  	s30 =	simm.s32 $0xFFFFFFF8;
	[sflag:s25] =	ssyncset.done $0x0  }
0x231: {  	s31 =	simm.s32 $0x18F40;
	s0 =	simm.s32 $0x1AF40;
	[sflag:s25] =	ssyncadd.s32 $0xFFFFF000  }
.LBB2_16:
0x232: {  	v2 =	vld [tilespmem:s31+$0xFFFFFFC0];
	_ =	sdelay $0x4  }
0x233: {  	v3 =	vshrl.u32 v2, $0x10  }
0x234: {  	v4 =	vadd.s32 $0x8500, v3  }
0x235: {  	v2 =	vand.u32 $0xFFFF, v2;
	v3 =	vand.u32 $0x7F, v3;
	v4 =	vand.u32 $0x1FF80, v4  }
0x236: {  	v3 =	vor.u32 v3, v4  }
0x237: {  	v42 =	vld [tilespmem:s0+$0xFFFFFFC0];
	v5 =	vadd.s32 $0x10A00, v2;
	_ =	sdelay $0x2  }
0x238: {  	[tilespmem:v2+s2+$0x0] =	vst.idx.add.f32.msk $0xffff, v1  }
0x239: {  	[tilespmem:v3+s2+$0x0] =	vst.idx.add.f32.msk $0xffff, v1  }
0x23a: {  	[tilespmem:v5+s2+$0x0] =	vst.idx.add.f32.msk $0xffff, v42  }
0x23b: {  	v2 =	vld [tilespmem:s31+$0xFFFFFFD0];
	_ =	sdelay $0x4  }
0x23c: {  	v3 =	vshrl.u32 v2, $0x10  }
0x23d: {  	v43 =	vadd.s32 $0x8500, v3  }
0x23e: {  	v2 =	vand.u32 $0xFFFF, v2;
	v3 =	vand.u32 $0x7F, v3;
	v4 =	vand.u32 $0x1FF80, v43  }
0x23f: {  	v3 =	vor.u32 v3, v4  }
0x240: {  	v44 =	vld [tilespmem:s0+$0xFFFFFFD0];
	v45 =	vadd.s32 $0x10A00, v2;
	_ =	sdelay $0x2  }
0x241: {  	[tilespmem:v2+s2+$0x0] =	vst.idx.add.f32.msk $0xffff, v1  }
0x242: {  	[tilespmem:v3+s2+$0x0] =	vst.idx.add.f32.msk $0xffff, v1  }
0x243: {  	[tilespmem:v45+s2+$0x0] =	vst.idx.add.f32.msk $0xffff, v44  }
0x244: {  	v2 =	vld [tilespmem:s31+$0xFFFFFFE0];
	_ =	sdelay $0x4  }
0x245: {  	v3 =	vshrl.u32 v2, $0x10  }
0x246: {  	v46 =	vadd.s32 $0x8500, v3  }
0x247: {  	v2 =	vand.u32 $0xFFFF, v2;
	v3 =	vand.u32 $0x7F, v3;
	v4 =	vand.u32 $0x1FF80, v46  }
0x248: {  	v3 =	vor.u32 v3, v4  }
0x249: {  	v47 =	vld [tilespmem:s0+$0xFFFFFFE0];
	v48 =	vadd.s32 $0x10A00, v2;
	_ =	sdelay $0x2  }
0x24a: {  	[tilespmem:v2+s2+$0x0] =	vst.idx.add.f32.msk $0xffff, v1  }
0x24b: {  	[tilespmem:v3+s2+$0x0] =	vst.idx.add.f32.msk $0xffff, v1  }
0x24c: {  	[tilespmem:v48+s2+$0x0] =	vst.idx.add.f32.msk $0xffff, v47  }
0x24d: {  	v2 =	vld [tilespmem:s31+$0xFFFFFFF0];
	_ =	sdelay $0x4  }
0x24e: {  	v3 =	vshrl.u32 v2, $0x10  }
0x24f: {  	v49 =	vadd.s32 $0x8500, v3  }
0x250: {  	v2 =	vand.u32 $0xFFFF, v2;
	v3 =	vand.u32 $0x7F, v3;
	v4 =	vand.u32 $0x1FF80, v49  }
0x251: {  	v3 =	vor.u32 v3, v4  }
0x252: {  	v50 =	vld [tilespmem:s0+$0xFFFFFFF0];
	v51 =	vadd.s32 $0x10A00, v2;
	_ =	sdelay $0x2  }
0x253: {  	[tilespmem:v2+s2+$0x0] =	vst.idx.add.f32.msk $0xffff, v1  }
0x254: {  	[tilespmem:v3+s2+$0x0] =	vst.idx.add.f32.msk $0xffff, v1  }
0x255: {  	[tilespmem:v51+s2+$0x0] =	vst.idx.add.f32.msk $0xffff, v50  }
0x256: {  	v2 =	vld [tilespmem:s31+$0x0];
	_ =	sdelay $0x4  }
0x257: {  	v3 =	vshrl.u32 v2, $0x10  }
0x258: {  	v52 =	vadd.s32 $0x8500, v3  }
0x259: {  	v2 =	vand.u32 $0xFFFF, v2;
	v3 =	vand.u32 $0x7F, v3;
	v4 =	vand.u32 $0x1FF80, v52  }
0x25a: {  	v3 =	vor.u32 v3, v4  }
0x25b: {  	v53 =	vld [tilespmem:s0+$0x0];
	v54 =	vadd.s32 $0x10A00, v2;
	_ =	sdelay $0x2  }
0x25c: {  	[tilespmem:v2+s2+$0x0] =	vst.idx.add.f32.msk $0xffff, v1  }
0x25d: {  	[tilespmem:v3+s2+$0x0] =	vst.idx.add.f32.msk $0xffff, v1  }
0x25e: {  	[tilespmem:v54+s2+$0x0] =	vst.idx.add.f32.msk $0xffff, v53  }
0x25f: {  	v2 =	vld [tilespmem:s31+$0x10];
	_ =	sdelay $0x4  }
0x260: {  	v3 =	vshrl.u32 v2, $0x10  }
0x261: {  	v55 =	vadd.s32 $0x8500, v3  }
0x262: {  	v2 =	vand.u32 $0xFFFF, v2;
	v3 =	vand.u32 $0x7F, v3;
	v4 =	vand.u32 $0x1FF80, v55  }
0x263: {  	v3 =	vor.u32 v3, v4  }
0x264: {  	v56 =	vld [tilespmem:s0+$0x10];
	v57 =	vadd.s32 $0x10A00, v2;
	_ =	sdelay $0x2  }
0x265: {  	[tilespmem:v2+s2+$0x0] =	vst.idx.add.f32.msk $0xffff, v1  }
0x266: {  	[tilespmem:v3+s2+$0x0] =	vst.idx.add.f32.msk $0xffff, v1  }
0x267: {  	[tilespmem:v57+s2+$0x0] =	vst.idx.add.f32.msk $0xffff, v56  }
0x268: {  	v2 =	vld [tilespmem:s31+$0x20];
	_ =	sdelay $0x4  }
0x269: {  	v3 =	vshrl.u32 v2, $0x10  }
0x26a: {  	v58 =	vadd.s32 $0x8500, v3  }
0x26b: {  	v2 =	vand.u32 $0xFFFF, v2;
	v3 =	vand.u32 $0x7F, v3;
	v4 =	vand.u32 $0x1FF80, v58  }
0x26c: {  	v3 =	vor.u32 v3, v4  }
0x26d: {  	v59 =	vld [tilespmem:s0+$0x20];
	v60 =	vadd.s32 $0x10A00, v2;
	_ =	sdelay $0x2  }
0x26e: {  	[tilespmem:v2+s2+$0x0] =	vst.idx.add.f32.msk $0xffff, v1  }
0x26f: {  	[tilespmem:v3+s2+$0x0] =	vst.idx.add.f32.msk $0xffff, v1  }
0x270: {  	[tilespmem:v60+s2+$0x0] =	vst.idx.add.f32.msk $0xffff, v59  }
0x271: {  	v2 =	vld [tilespmem:s31+$0x30];
	_ =	sdelay $0x4  }
0x272: {  	v3 =	vshrl.u32 v2, $0x10  }
0x273: {  	v61 =	vadd.s32 $0x8500, v3  }
0x274: {  	v2 =	vand.u32 $0xFFFF, v2;
	v3 =	vand.u32 $0x7F, v3;
	v4 =	vand.u32 $0x1FF80, v61  }
0x275: {  	s30 =	sadd.s32 $0x8, s30;
	v3 =	vor.u32 v3, v4  }
0x276: {  	p0 =	slt.u32 s30, $0xF8;
	v62 =	vld [tilespmem:s0+$0x30];
	v63 =	vadd.s32 $0x10A00, v2  }
.Ltmp7:
0x277: {  	_ = 	snop;
	(pc) =	sbr.rel @p0 .LBB2_16-.Ltmp7, $4  }
0x278: {  	_ = 	snop  }
0x279: {  	[tilespmem:v2+s2+$0x0] =	vst.idx.add.f32.msk $0xffff, v1  }
0x27a: {  	[tilespmem:v3+s2+$0x0] =	vst.idx.add.f32.msk $0xffff, v1  }
0x27b: {  	s31 =	sadd.s32 $0x80, s31;
	s0 =	sadd.s32 $0x80, s0;
	[tilespmem:v63+s2+$0x0] =	vst.idx.add.f32.msk $0xffff, v62  }
0x27c: {  	_ =	swait.ge [sflag:s26], $0x1000  }
0x27d: {  	[sflag:s26] =	ssyncset.done $0x0  }
0x27e: {  	[sflag:s26] =	ssyncadd.s32 $0xFFFFF000  }
0x27f: {  	_ =	swait.ge [sflag:s26], $0x1000  }
0x280: {  	s30 =	simm.s32 $0xFFFFFFF8;
	[sflag:s26] =	ssyncset.done $0x0  }
0x281: {  	s31 =	simm.s32 $0x19F40;
	s0 =	simm.s32 $0x1BF40;
	[sflag:s26] =	ssyncadd.s32 $0xFFFFF000  }
.LBB2_18:
0x282: {  	v2 =	vld [tilespmem:s31+$0xFFFFFFC0];
	_ =	sdelay $0x4  }
0x283: {  	v3 =	vshrl.u32 v2, $0x10  }
0x284: {  	v4 =	vadd.s32 $0x8500, v3  }
0x285: {  	v2 =	vand.u32 $0xFFFF, v2;
	v3 =	vand.u32 $0x7F, v3;
	v4 =	vand.u32 $0x1FF80, v4  }
0x286: {  	v3 =	vor.u32 v3, v4  }
0x287: {  	v42 =	vld [tilespmem:s0+$0xFFFFFFC0];
	v5 =	vadd.s32 $0x10A00, v2;
	_ =	sdelay $0x2  }
0x288: {  	[tilespmem:v2+s2+$0x0] =	vst.idx.add.f32.msk $0xffff, v1  }
0x289: {  	[tilespmem:v3+s2+$0x0] =	vst.idx.add.f32.msk $0xffff, v1  }
0x28a: {  	[tilespmem:v5+s2+$0x0] =	vst.idx.add.f32.msk $0xffff, v42  }
0x28b: {  	v2 =	vld [tilespmem:s31+$0xFFFFFFD0];
	_ =	sdelay $0x4  }
0x28c: {  	v3 =	vshrl.u32 v2, $0x10  }
0x28d: {  	v43 =	vadd.s32 $0x8500, v3  }
0x28e: {  	v2 =	vand.u32 $0xFFFF, v2;
	v3 =	vand.u32 $0x7F, v3;
	v4 =	vand.u32 $0x1FF80, v43  }
0x28f: {  	v3 =	vor.u32 v3, v4  }
0x290: {  	v44 =	vld [tilespmem:s0+$0xFFFFFFD0];
	v45 =	vadd.s32 $0x10A00, v2;
	_ =	sdelay $0x2  }
0x291: {  	[tilespmem:v2+s2+$0x0] =	vst.idx.add.f32.msk $0xffff, v1  }
0x292: {  	[tilespmem:v3+s2+$0x0] =	vst.idx.add.f32.msk $0xffff, v1  }
0x293: {  	[tilespmem:v45+s2+$0x0] =	vst.idx.add.f32.msk $0xffff, v44  }
0x294: {  	v2 =	vld [tilespmem:s31+$0xFFFFFFE0];
	_ =	sdelay $0x4  }
0x295: {  	v3 =	vshrl.u32 v2, $0x10  }
0x296: {  	v46 =	vadd.s32 $0x8500, v3  }
0x297: {  	v2 =	vand.u32 $0xFFFF, v2;
	v3 =	vand.u32 $0x7F, v3;
	v4 =	vand.u32 $0x1FF80, v46  }
0x298: {  	v3 =	vor.u32 v3, v4  }
0x299: {  	v47 =	vld [tilespmem:s0+$0xFFFFFFE0];
	v48 =	vadd.s32 $0x10A00, v2;
	_ =	sdelay $0x2  }
0x29a: {  	[tilespmem:v2+s2+$0x0] =	vst.idx.add.f32.msk $0xffff, v1  }
0x29b: {  	[tilespmem:v3+s2+$0x0] =	vst.idx.add.f32.msk $0xffff, v1  }
0x29c: {  	[tilespmem:v48+s2+$0x0] =	vst.idx.add.f32.msk $0xffff, v47  }
0x29d: {  	v2 =	vld [tilespmem:s31+$0xFFFFFFF0];
	_ =	sdelay $0x4  }
0x29e: {  	v3 =	vshrl.u32 v2, $0x10  }
0x29f: {  	v49 =	vadd.s32 $0x8500, v3  }
0x2a0: {  	v2 =	vand.u32 $0xFFFF, v2;
	v3 =	vand.u32 $0x7F, v3;
	v4 =	vand.u32 $0x1FF80, v49  }
0x2a1: {  	v3 =	vor.u32 v3, v4  }
0x2a2: {  	v50 =	vld [tilespmem:s0+$0xFFFFFFF0];
	v51 =	vadd.s32 $0x10A00, v2;
	_ =	sdelay $0x2  }
0x2a3: {  	[tilespmem:v2+s2+$0x0] =	vst.idx.add.f32.msk $0xffff, v1  }
0x2a4: {  	[tilespmem:v3+s2+$0x0] =	vst.idx.add.f32.msk $0xffff, v1  }
0x2a5: {  	[tilespmem:v51+s2+$0x0] =	vst.idx.add.f32.msk $0xffff, v50  }
0x2a6: {  	v2 =	vld [tilespmem:s31+$0x0];
	_ =	sdelay $0x4  }
0x2a7: {  	v3 =	vshrl.u32 v2, $0x10  }
0x2a8: {  	v52 =	vadd.s32 $0x8500, v3  }
0x2a9: {  	v2 =	vand.u32 $0xFFFF, v2;
	v3 =	vand.u32 $0x7F, v3;
	v4 =	vand.u32 $0x1FF80, v52  }
0x2aa: {  	v3 =	vor.u32 v3, v4  }
0x2ab: {  	v53 =	vld [tilespmem:s0+$0x0];
	v54 =	vadd.s32 $0x10A00, v2;
	_ =	sdelay $0x2  }
0x2ac: {  	[tilespmem:v2+s2+$0x0] =	vst.idx.add.f32.msk $0xffff, v1  }
0x2ad: {  	[tilespmem:v3+s2+$0x0] =	vst.idx.add.f32.msk $0xffff, v1  }
0x2ae: {  	[tilespmem:v54+s2+$0x0] =	vst.idx.add.f32.msk $0xffff, v53  }
0x2af: {  	v2 =	vld [tilespmem:s31+$0x10];
	_ =	sdelay $0x4  }
0x2b0: {  	v3 =	vshrl.u32 v2, $0x10  }
0x2b1: {  	v55 =	vadd.s32 $0x8500, v3  }
0x2b2: {  	v2 =	vand.u32 $0xFFFF, v2;
	v3 =	vand.u32 $0x7F, v3;
	v4 =	vand.u32 $0x1FF80, v55  }
0x2b3: {  	v3 =	vor.u32 v3, v4  }
0x2b4: {  	v56 =	vld [tilespmem:s0+$0x10];
	v57 =	vadd.s32 $0x10A00, v2;
	_ =	sdelay $0x2  }
0x2b5: {  	[tilespmem:v2+s2+$0x0] =	vst.idx.add.f32.msk $0xffff, v1  }
0x2b6: {  	[tilespmem:v3+s2+$0x0] =	vst.idx.add.f32.msk $0xffff, v1  }
0x2b7: {  	[tilespmem:v57+s2+$0x0] =	vst.idx.add.f32.msk $0xffff, v56  }
0x2b8: {  	v2 =	vld [tilespmem:s31+$0x20];
	_ =	sdelay $0x4  }
0x2b9: {  	v3 =	vshrl.u32 v2, $0x10  }
0x2ba: {  	v58 =	vadd.s32 $0x8500, v3  }
0x2bb: {  	v2 =	vand.u32 $0xFFFF, v2;
	v3 =	vand.u32 $0x7F, v3;
	v4 =	vand.u32 $0x1FF80, v58  }
0x2bc: {  	v3 =	vor.u32 v3, v4  }
0x2bd: {  	v59 =	vld [tilespmem:s0+$0x20];
	v60 =	vadd.s32 $0x10A00, v2;
	_ =	sdelay $0x2  }
0x2be: {  	[tilespmem:v2+s2+$0x0] =	vst.idx.add.f32.msk $0xffff, v1  }
0x2bf: {  	[tilespmem:v3+s2+$0x0] =	vst.idx.add.f32.msk $0xffff, v1  }
0x2c0: {  	[tilespmem:v60+s2+$0x0] =	vst.idx.add.f32.msk $0xffff, v59  }
0x2c1: {  	v2 =	vld [tilespmem:s31+$0x30];
	_ =	sdelay $0x4  }
0x2c2: {  	v3 =	vshrl.u32 v2, $0x10  }
0x2c3: {  	v61 =	vadd.s32 $0x8500, v3  }
0x2c4: {  	v2 =	vand.u32 $0xFFFF, v2;
	v3 =	vand.u32 $0x7F, v3;
	v4 =	vand.u32 $0x1FF80, v61  }
0x2c5: {  	s30 =	sadd.s32 $0x8, s30;
	v3 =	vor.u32 v3, v4  }
0x2c6: {  	p0 =	slt.u32 s30, $0xF8;
	v62 =	vld [tilespmem:s0+$0x30];
	v63 =	vadd.s32 $0x10A00, v2  }
.Ltmp8:
0x2c7: {  	_ = 	snop;
	(pc) =	sbr.rel @p0 .LBB2_18-.Ltmp8, $4  }
0x2c8: {  	_ = 	snop  }
0x2c9: {  	[tilespmem:v2+s2+$0x0] =	vst.idx.add.f32.msk $0xffff, v1  }
0x2ca: {  	[tilespmem:v3+s2+$0x0] =	vst.idx.add.f32.msk $0xffff, v1  }
0x2cb: {  	s31 =	sadd.s32 $0x80, s31;
	s0 =	sadd.s32 $0x80, s0;
	[tilespmem:v63+s2+$0x0] =	vst.idx.add.f32.msk $0xffff, v62  }
0x2cc: {  	s29 =	sadd.s32 $0x1, s29  }
0x2cd: {  	p0 =	sne.s32 s29, s20  }
.Ltmp9:
0x2ce: {  	_ = 	snop;
	(pc) =	sbr.rel @p0 .LBB2_1-.Ltmp9, $4  }
0x2cf: {  	[hbm4b:s19+s2] =	stream.linear.scatter [tilespmem:s2], [sflag:$0x3], $0x18F00, $0x38;
	[tilespmem:$0x1CF00] =	vst v63  }
0x2d0: {  	_ =	swait.ge [sflag:s28], $0x18F00  }
0x2d1: {  	[sflag:s28] =	ssyncset.done $0x0  }
0x2d2: {  	[sflag:s28] =	ssyncadd.s32 $0xFFFE7100  }
0x2d3: {  	_ =	sfence.sel $0x180000  }
0x2d4: {  	[bflag:$0x0] =	sbarrier.arrive $0xFFFF  }
0x2d5: {  	_ =	strace $0x90000047  }
0x2d6: {  	[bflag:$0x2] =	sbarrier.arrive $0xFFFF  }
0x2d7: {  	p0 =	sne.s32 s1, $0x0;
	s0 =	rddreg [dreg:$0x1]  }
0x2d8: {  	s0 =	sadd.s32 @!p0 $0x100000, s0  }
0x2d9: {  	[sflag:s0] =	ssyncadd.tile.s32 @!p0 $0x1;
	_ =	shalt  }
.Lfunc_end2:
_tile_overlayer_lowered:
.L_overlay_start_2:
0x2da: {  	(tag) =	ssettag $0x2  }
0x2db: {  	s0 =	rddreg [dreg:$0x0];
	s2 =	stileid.u32  }
0x2dc: {  	s1 =	rddreg [dreg:$0x1];
	p0 =	sne.s32 s2, $0x0  }
0x2dd: {  	s3 =	rddreg [dreg:$0x2];
	[bflag:$0x3] =	sbarrier.arrive $0xFFFF;
	s2 =	simm.s32 @!p0 $0x1C03  }
0x2de: {  	[timem:s3], [sflag:s2] =	dma.local @!p0 [hbm:s0], s1  }
0x2df: {  	s0 =	simm.s32 @!p0 $0x3  }
0x2e0: {  	_ =	swait.ge @!p0 [sflag:s0], s1  }
0x2e1: {  	s1 =	ssub.s32 @!p0 $0x0, s1;
	[sflag:s0] =	ssyncset.done @!p0 $0x0  }
0x2e2: {  	[sflag:s0] =	ssyncadd.s32 @!p0 s1  }
0x2e3: {  	[bflag:$0x3] =	sbarrier.arrive $0xFFFF  }
0x2e4: {  	_ =	shalt  }

</sc_bundles>
